<compile_context>
chip_gen: v7x
topology: tpu7x:2x2x1
jax: 0.10.2.dev20260603
libtpu: 0.0.44.dev20260713+nightly
codegen_flags: <defaults>
</compile_context>

<pallas_src>
import functools

import jax
import jax.numpy as jnp
from jax import lax
from jax.experimental import pallas as pl
from jax.experimental.pallas import tpu as pltpu
from jax.experimental.pallas import tpu_sc as plsc

N_NODES = 10000
N_EDGES = 320000
D = 128

NC = 2
NS = 16
NW = NC * NS
E_PER_W = N_EDGES // NW
CHUNK = 40
N_CHUNKS = E_PER_W // CHUNK
NBUF = 5
N_MAIN = (N_CHUNKS // NBUF) * NBUF
N_TAIL = N_CHUNKS - N_MAIN
ROWS_PER_S = N_NODES // NS

@functools.cache
def _build_sc_kernels():
    mesh = plsc.VectorSubcoreMesh(core_axis_name="c", subcore_axis_name="s")

    deg_kernel = functools.partial(
        pl.kernel,
        mesh=mesh,
        compiler_params=pltpu.CompilerParams(needs_layout_passes=False),
        out_type=[
            jax.ShapeDtypeStruct((NC, NS, N_NODES), jnp.float32),
            jax.ShapeDtypeStruct((NC, NS, N_NODES), jnp.float32),
        ],
        scratch_types=[
            pltpu.VMEM((E_PER_W,), jnp.int32),
            pltpu.VMEM((E_PER_W,), jnp.int32),
            pltpu.VMEM((N_NODES,), jnp.float32),
            pltpu.VMEM((N_NODES,), jnp.float32),
        ],
    )(_deg_body)

    segsum_kernel = functools.partial(
        pl.kernel,
        mesh=mesh,
        out_type=jax.ShapeDtypeStruct((NC, NS, ROWS_PER_S, D), jnp.float32),
        scratch_types=[
            pltpu.VMEM((NBUF, 2, CHUNK), jnp.int32),
            pltpu.VMEM((NBUF, CHUNK, D), jnp.float32),
            pltpu.VMEM_SHARED((N_NODES, D), jnp.float32),
        ] + [pltpu.SemaphoreType.DMA] * (3 * NBUF),
    )(_segsum_body)

    return deg_kernel, segsum_kernel


def _deg_body(src_hbm, dst_hbm, zer_hbm, dego_hbm, degi_hbm,
              sidx_v, didx_v, ho_v, hi_v):
    c = lax.axis_index("c")
    s = lax.axis_index("s")
    wid = s * NC + c
    base = wid * E_PER_W

    pltpu.sync_copy(src_hbm.at[pl.ds(base, E_PER_W)], sidx_v)
    pltpu.sync_copy(dst_hbm.at[pl.ds(base, E_PER_W)], didx_v)
    pltpu.sync_copy(zer_hbm, ho_v)
    pltpu.sync_copy(zer_hbm, hi_v)

    one16 = jnp.ones((16,), jnp.float32)

    def body(g, carry):
        off = g * 16
        plsc.addupdate_scatter(ho_v, [sidx_v[pl.ds(off, 16)]], one16)
        plsc.addupdate_scatter(hi_v, [didx_v[pl.ds(off, 16)]], one16)
        return carry

    lax.fori_loop(0, E_PER_W // 16, body, 0)

    pltpu.sync_copy(ho_v, dego_hbm.at[c, s])
    pltpu.sync_copy(hi_v, degi_hbm.at[c, s])


def _segsum_body(h_hbm, srcg_hbm, dstg_hbm, zer_hbm, out_hbm,
                 idx_v, rows_v, agg_sh, *sems):
    c = lax.axis_index("c")
    s = lax.axis_index("s")
    wid = s * NC + c

    for j in range(5):
        pltpu.sync_copy(
            zer_hbm, agg_sh.at[pl.ds(s * ROWS_PER_S + j * 125, 125)])
    plsc.subcore_barrier()

    def body(k, carry):
        ips, dps, cps = [], [], []
        for u in range(NBUF):
            g = k * NBUF + u
            ips.append(pltpu.async_copy(
                srcg_hbm.at[wid, g], idx_v.at[u, 0], sems[NBUF + u]))
            dps.append(pltpu.async_copy(
                dstg_hbm.at[wid, g], idx_v.at[u, 1], sems[2 * NBUF + u]))
        for u in range(NBUF):
            ips[u].wait()
            cps.append(pltpu.async_copy(
                h_hbm.at[idx_v.at[u, 0]], rows_v.at[u], sems[u]))
        for u in range(NBUF):
            dps[u].wait()
            cps[u].wait()
            pltpu.sync_copy(rows_v.at[u], agg_sh.at[idx_v.at[u, 1]], add=True)
        return carry

    lax.fori_loop(0, N_MAIN // NBUF, body, 0)
    for t in range(N_TAIL):
        g = N_MAIN + t
        pltpu.sync_copy(srcg_hbm.at[wid, g], idx_v.at[0, 0])
        pltpu.sync_copy(dstg_hbm.at[wid, g], idx_v.at[0, 1])
        pltpu.async_copy(
            h_hbm.at[idx_v.at[0, 0]], rows_v.at[0], sems[0]).wait()
        pltpu.sync_copy(rows_v.at[0], agg_sh.at[idx_v.at[0, 1]], add=True)
    plsc.subcore_barrier()

    sl = pl.ds(s * ROWS_PER_S, ROWS_PER_S)
    pltpu.sync_copy(agg_sh.at[sl], out_hbm.at[c, s])


def _norms_body(ho_ref, hi_ref, no_ref, ni_ref):
    dego = jnp.sum(ho_ref[...], axis=(0, 1))[:, None]
    degi = jnp.sum(hi_ref[...], axis=(0, 1))[:, None]
    no_ref[...] = lax.rsqrt(jnp.maximum(dego, 1.0))
    ni_ref[...] = lax.rsqrt(jnp.maximum(degi, 1.0))


def _mm1_body(x_ref, w1_ref, no_ref, o_ref):
    o_ref[...] = jnp.dot(x_ref[...] * no_ref[...], w1_ref[...],
                         preferred_element_type=jnp.float32)


def _mm2_body(a_ref, no_ref, ni_ref, b1_ref, w2_ref, o_ref):
    a = a_ref[0] + a_ref[1]
    h1 = jnp.maximum(a * ni_ref[...] + b1_ref[...], 0.0)
    o_ref[...] = jnp.dot(h1 * no_ref[...], w2_ref[...],
                         preferred_element_type=jnp.float32)


def _final_body(a_ref, ni_ref, b2_ref, o_ref):
    a = a_ref[0] + a_ref[1]
    o_ref[...] = a * ni_ref[...] + b2_ref[...]


_BLK = 1000
_GRID = N_NODES // _BLK

_spec_nd = pl.BlockSpec((_BLK, D), lambda i: (i, 0))
_spec_w = pl.BlockSpec((D, D), lambda i: (0, 0))
_spec_b = pl.BlockSpec((1, D), lambda i: (0, 0))
_spec_agg = pl.BlockSpec((NC, _BLK, D), lambda i: (0, i, 0))
_spec_norm = pl.BlockSpec((_BLK, 1), lambda i: (i, 0))
_out_nd = jax.ShapeDtypeStruct((N_NODES, D), jnp.float32)


def kernel(x, edge_index, W1, b1, W2, b2):
    zer128 = jnp.zeros((125, D), jnp.float32)
    zer1d = jnp.zeros((N_NODES,), jnp.float32)
    edge_index = edge_index.astype(jnp.int32)
    src = edge_index[0]
    dst = edge_index[1]
    deg_kernel, segsum_kernel = _build_sc_kernels()

    srcg = src.reshape(NW, N_CHUNKS, CHUNK)
    dstg = dst.reshape(NW, N_CHUNKS, CHUNK)

    dego, degi = deg_kernel(src, dst, zer1d)

    no, ni = pl.pallas_call(
        _norms_body,
        grid=(1,),
        in_specs=[pl.BlockSpec((NC, NS, N_NODES), lambda i: (0, 0, 0))] * 2,
        out_specs=[pl.BlockSpec((N_NODES, 1), lambda i: (0, 0))] * 2,
        out_shape=[jax.ShapeDtypeStruct((N_NODES, 1), jnp.float32)] * 2,
    )(dego, degi)

    h0 = pl.pallas_call(
        _mm1_body,
        grid=(_GRID,),
        in_specs=[_spec_nd, _spec_w, _spec_norm],
        out_specs=_spec_nd,
        out_shape=_out_nd,
    )(x, W1, no)

    agg1 = segsum_kernel(h0, srcg, dstg, zer128).reshape(NC, N_NODES, D)

    h2 = pl.pallas_call(
        _mm2_body,
        grid=(_GRID,),
        in_specs=[_spec_agg, _spec_norm, _spec_norm, _spec_b, _spec_w],
        out_specs=_spec_nd,
        out_shape=_out_nd,
    )(agg1, no, ni, b1.reshape(1, D), W2)

    agg2 = segsum_kernel(h2, srcg, dstg, zer128).reshape(NC, N_NODES, D)

    out = pl.pallas_call(
        _final_body,
        grid=(_GRID,),
        in_specs=[_spec_agg, _spec_norm, _spec_b],
        out_specs=_spec_nd,
        out_shape=_out_nd,
    )(agg2, ni, b2.reshape(1, D))

    return out

# --- scband reference (transcript-rebuilt; emitter-appended) ---
"""Pipeline reference for scband-baseline-gcn-55147380081014 (READ-ONLY COPY).

The authoritative reference and input builder live on the scoring server;
editing this copy changes nothing except your own understanding.
"""

import jax, jax.numpy as jnp
import numpy as np

N_NODES = 10000
N_EDGES = 320000
D_IN = 128
D_HID = 128
D_OUT = 128


def setup_inputs(seed: int = 0) -> dict:
    key = jax.random.key(seed)
    ks = jax.random.split(key, 6)
    x = jax.random.normal(ks[0], (N_NODES, D_IN), dtype=jnp.float32)
    edge_index = jax.random.randint(ks[1], (2, N_EDGES), 0, N_NODES)
    W1 = jax.random.normal(ks[2], (D_IN, D_HID), dtype=jnp.float32) * (1.0 / np.sqrt(D_IN))
    b1 = jnp.zeros((D_HID,), dtype=jnp.float32)
    W2 = jax.random.normal(ks[3], (D_HID, D_OUT), dtype=jnp.float32) * (1.0 / np.sqrt(D_HID))
    b2 = jnp.zeros((D_OUT,), dtype=jnp.float32)
    return {"x": x, "edge_index": edge_index, "W1": W1, "b1": b1, "W2": W2, "b2": b2}


def _graph_conv(x, src, dst, W, b):
    # DGL GraphConv with norm='both' (symmetric normalization):
    # h = D_in^{-1/2} * A * (D_out^{-1/2} * x) * W + b, degrees clamped to >= 1
    deg_out = jnp.bincount(src, length=N_NODES).astype(x.dtype)
    deg_in = jnp.bincount(dst, length=N_NODES).astype(x.dtype)
    norm_out = jax.lax.rsqrt(jnp.clip(deg_out, 1.0, None))
    norm_in = jax.lax.rsqrt(jnp.clip(deg_in, 1.0, None))
    h = x * norm_out[:, None]
    h = h @ W  # mult W first (in_feats >= out_feats path in DGL)
    m = h[src]  # gather messages along edges
    agg = jax.ops.segment_sum(m, dst, num_segments=N_NODES)
    return agg * norm_in[:, None] + b


def reference(x, edge_index, W1, b1, W2, b2):
    src = edge_index[0]
    dst = edge_index[1]
    h = jax.nn.relu(_graph_conv(x, src, dst, W1, b1))
    # dropout is identity in eval mode
    out = _graph_conv(h, src, dst, W2, b2)
    return out

if __name__ == "__main__":
    import jax
    _d = setup_inputs()
    print(jax.jit(kernel)(*tuple(_d.values())))

</pallas_src>

<mosaic_0001>
#map = affine_map<(d0, d1) -> (0, 0)>
#map1 = affine_map<(d0, d1) -> (0, 0, 0)>
#map2 = affine_map<(d0, d1) -> (0, 0, 0, 0)>
module attributes {stable_mosaic.version = 14 : i64} {
  func.func @_segsum_body(%arg0: i32, %arg1: i32, %arg2: memref<10000x128xf32, #tpu.memory_space<hbm>>, %arg3: memref<32x250x40xi32, #tpu.memory_space<hbm>>, %arg4: memref<32x250x40xi32, #tpu.memory_space<hbm>>, %arg5: memref<125x128xf32, #tpu.memory_space<hbm>>, %arg6: memref<2x16x625x128xf32, #tpu.memory_space<hbm>>, %arg7: memref<5x2x40xi32, #tpu.memory_space<vmem>>, %arg8: memref<5x40x128xf32, #tpu.memory_space<vmem>>, %arg9: memref<10000x128xf32, #tpu.memory_space<vmem_shared>>, %arg10: memref<!tpu.dma_semaphore, #tpu.memory_space<semaphore_mem>>, %arg11: memref<!tpu.dma_semaphore, #tpu.memory_space<semaphore_mem>>, %arg12: memref<!tpu.dma_semaphore, #tpu.memory_space<semaphore_mem>>, %arg13: memref<!tpu.dma_semaphore, #tpu.memory_space<semaphore_mem>>, %arg14: memref<!tpu.dma_semaphore, #tpu.memory_space<semaphore_mem>>, %arg15: memref<!tpu.dma_semaphore, #tpu.memory_space<semaphore_mem>>, %arg16: memref<!tpu.dma_semaphore, #tpu.memory_space<semaphore_mem>>, %arg17: memref<!tpu.dma_semaphore, #tpu.memory_space<semaphore_mem>>, %arg18: memref<!tpu.dma_semaphore, #tpu.memory_space<semaphore_mem>>, %arg19: memref<!tpu.dma_semaphore, #tpu.memory_space<semaphore_mem>>, %arg20: memref<!tpu.dma_semaphore, #tpu.memory_space<semaphore_mem>>, %arg21: memref<!tpu.dma_semaphore, #tpu.memory_space<semaphore_mem>>, %arg22: memref<!tpu.dma_semaphore, #tpu.memory_space<semaphore_mem>>, %arg23: memref<!tpu.dma_semaphore, #tpu.memory_space<semaphore_mem>>, %arg24: memref<!tpu.dma_semaphore, #tpu.memory_space<semaphore_mem>>) attributes {dimension_semantics = [#tpu.dimension_semantics<core_parallel>, #tpu.dimension_semantics<subcore_parallel>], iteration_bounds = array<i64: 2, 16>, scalar_prefetch = 0 : i64, scratch_operands = 18 : i64, tpu.core_type = #tpu.core_type<sc_vector_subcore>, window_params = [{transform_indices = #map}, {transform_indices = #map1}, {transform_indices = #map1}, {transform_indices = #map}, {transform_indices = #map2}]} {
    %mul3A = arith.constant 2 : i32
    %mul3A_0 = arith.muli %arg1, %mul3A : i32
    %add3A = arith.addi %mul3A_0, %arg0 : i32
    %mul3A_1 = arith.constant 625 : i32
    %mul3A_2 = arith.muli %arg1, %mul3A_1 : i32
    %add3A_3 = arith.constant 0 : i32
    %add3A_4 = arith.addi %mul3A_2, %add3A_3 : i32
    "tpu.region"() ({
      %run_scoped3A = tpu.sem_alloc : memref<!tpu.dma_semaphore, #tpu.memory_space<semaphore_mem>>
      %dma_start3A = arith.constant 0 : i32
      %dma_start3A_29 = tpu.memref_slice %arg9[%add3A_4, %dma_start3A] : memref<10000x128xf32, #tpu.memory_space<vmem_shared>> -> memref<125x128xf32, #tpu.memory_space<vmem_shared>>
      tpu.enqueue_dma source(%arg5 : memref<125x128xf32, #tpu.memory_space<hbm>>) target(%dma_start3A_29 : memref<125x128xf32, #tpu.memory_space<vmem_shared>>) target_semaphore(%run_scoped3A : memref<!tpu.dma_semaphore, #tpu.memory_space<semaphore_mem>>)
      %dma_wait3A = arith.constant 0 : i32
      %dma_wait3A_30 = tpu.memref_slice %arg9[%add3A_4, %dma_wait3A] : memref<10000x128xf32, #tpu.memory_space<vmem_shared>> -> memref<125x128xf32, #tpu.memory_space<vmem_shared>>
      tpu.wait_dma2 semaphore(%run_scoped3A : memref<!tpu.dma_semaphore, #tpu.memory_space<semaphore_mem>>) src(%arg5 : memref<125x128xf32, #tpu.memory_space<hbm>>) dst(%dma_wait3A_30 : memref<125x128xf32, #tpu.memory_space<vmem_shared>>)
      tpu.yield
    }) : () -> ()
    %mul3A_5 = arith.constant 625 : i32
    %mul3A_6 = arith.muli %arg1, %mul3A_5 : i32
    %add3A_7 = arith.constant 125 : i32
    %add3A_8 = arith.addi %mul3A_6, %add3A_7 : i32
    "tpu.region"() ({
      %run_scoped3A = tpu.sem_alloc : memref<!tpu.dma_semaphore, #tpu.memory_space<semaphore_mem>>
      %dma_start3A = arith.constant 0 : i32
      %dma_start3A_29 = tpu.memref_slice %arg9[%add3A_8, %dma_start3A] : memref<10000x128xf32, #tpu.memory_space<vmem_shared>> -> memref<125x128xf32, #tpu.memory_space<vmem_shared>>
      tpu.enqueue_dma source(%arg5 : memref<125x128xf32, #tpu.memory_space<hbm>>) target(%dma_start3A_29 : memref<125x128xf32, #tpu.memory_space<vmem_shared>>) target_semaphore(%run_scoped3A : memref<!tpu.dma_semaphore, #tpu.memory_space<semaphore_mem>>)
      %dma_wait3A = arith.constant 0 : i32
      %dma_wait3A_30 = tpu.memref_slice %arg9[%add3A_8, %dma_wait3A] : memref<10000x128xf32, #tpu.memory_space<vmem_shared>> -> memref<125x128xf32, #tpu.memory_space<vmem_shared>>
      tpu.wait_dma2 semaphore(%run_scoped3A : memref<!tpu.dma_semaphore, #tpu.memory_space<semaphore_mem>>) src(%arg5 : memref<125x128xf32, #tpu.memory_space<hbm>>) dst(%dma_wait3A_30 : memref<125x128xf32, #tpu.memory_space<vmem_shared>>)
      tpu.yield
    }) : () -> ()
    %mul3A_9 = arith.constant 625 : i32
    %mul3A_10 = arith.muli %arg1, %mul3A_9 : i32
    %add3A_11 = arith.constant 250 : i32
    %add3A_12 = arith.addi %mul3A_10, %add3A_11 : i32
    "tpu.region"() ({
      %run_scoped3A = tpu.sem_alloc : memref<!tpu.dma_semaphore, #tpu.memory_space<semaphore_mem>>
      %dma_start3A = arith.constant 0 : i32
      %dma_start3A_29 = tpu.memref_slice %arg9[%add3A_12, %dma_start3A] : memref<10000x128xf32, #tpu.memory_space<vmem_shared>> -> memref<125x128xf32, #tpu.memory_space<vmem_shared>>
      tpu.enqueue_dma source(%arg5 : memref<125x128xf32, #tpu.memory_space<hbm>>) target(%dma_start3A_29 : memref<125x128xf32, #tpu.memory_space<vmem_shared>>) target_semaphore(%run_scoped3A : memref<!tpu.dma_semaphore, #tpu.memory_space<semaphore_mem>>)
      %dma_wait3A = arith.constant 0 : i32
      %dma_wait3A_30 = tpu.memref_slice %arg9[%add3A_12, %dma_wait3A] : memref<10000x128xf32, #tpu.memory_space<vmem_shared>> -> memref<125x128xf32, #tpu.memory_space<vmem_shared>>
      tpu.wait_dma2 semaphore(%run_scoped3A : memref<!tpu.dma_semaphore, #tpu.memory_space<semaphore_mem>>) src(%arg5 : memref<125x128xf32, #tpu.memory_space<hbm>>) dst(%dma_wait3A_30 : memref<125x128xf32, #tpu.memory_space<vmem_shared>>)
      tpu.yield
    }) : () -> ()
    %mul3A_13 = arith.constant 625 : i32
    %mul3A_14 = arith.muli %arg1, %mul3A_13 : i32
    %add3A_15 = arith.constant 375 : i32
    %add3A_16 = arith.addi %mul3A_14, %add3A_15 : i32
    "tpu.region"() ({
      %run_scoped3A = tpu.sem_alloc : memref<!tpu.dma_semaphore, #tpu.memory_space<semaphore_mem>>
      %dma_start3A = arith.constant 0 : i32
      %dma_start3A_29 = tpu.memref_slice %arg9[%add3A_16, %dma_start3A] : memref<10000x128xf32, #tpu.memory_space<vmem_shared>> -> memref<125x128xf32, #tpu.memory_space<vmem_shared>>
      tpu.enqueue_dma source(%arg5 : memref<125x128xf32, #tpu.memory_space<hbm>>) target(%dma_start3A_29 : memref<125x128xf32, #tpu.memory_space<vmem_shared>>) target_semaphore(%run_scoped3A : memref<!tpu.dma_semaphore, #tpu.memory_space<semaphore_mem>>)
      %dma_wait3A = arith.constant 0 : i32
      %dma_wait3A_30 = tpu.memref_slice %arg9[%add3A_16, %dma_wait3A] : memref<10000x128xf32, #tpu.memory_space<vmem_shared>> -> memref<125x128xf32, #tpu.memory_space<vmem_shared>>
      tpu.wait_dma2 semaphore(%run_scoped3A : memref<!tpu.dma_semaphore, #tpu.memory_space<semaphore_mem>>) src(%arg5 : memref<125x128xf32, #tpu.memory_space<hbm>>) dst(%dma_wait3A_30 : memref<125x128xf32, #tpu.memory_space<vmem_shared>>)
      tpu.yield
    }) : () -> ()
    %mul3A_17 = arith.constant 625 : i32
    %mul3A_18 = arith.muli %arg1, %mul3A_17 : i32
    %add3A_19 = arith.constant 500 : i32
    %add3A_20 = arith.addi %mul3A_18, %add3A_19 : i32
    "tpu.region"() ({
      %run_scoped3A = tpu.sem_alloc : memref<!tpu.dma_semaphore, #tpu.memory_space<semaphore_mem>>
      %dma_start3A = arith.constant 0 : i32
      %dma_start3A_29 = tpu.memref_slice %arg9[%add3A_20, %dma_start3A] : memref<10000x128xf32, #tpu.memory_space<vmem_shared>> -> memref<125x128xf32, #tpu.memory_space<vmem_shared>>
      tpu.enqueue_dma source(%arg5 : memref<125x128xf32, #tpu.memory_space<hbm>>) target(%dma_start3A_29 : memref<125x128xf32, #tpu.memory_space<vmem_shared>>) target_semaphore(%run_scoped3A : memref<!tpu.dma_semaphore, #tpu.memory_space<semaphore_mem>>)
      %dma_wait3A = arith.constant 0 : i32
      %dma_wait3A_30 = tpu.memref_slice %arg9[%add3A_20, %dma_wait3A] : memref<10000x128xf32, #tpu.memory_space<vmem_shared>> -> memref<125x128xf32, #tpu.memory_space<vmem_shared>>
      tpu.wait_dma2 semaphore(%run_scoped3A : memref<!tpu.dma_semaphore, #tpu.memory_space<semaphore_mem>>) src(%arg5 : memref<125x128xf32, #tpu.memory_space<hbm>>) dst(%dma_wait3A_30 : memref<125x128xf32, #tpu.memory_space<vmem_shared>>)
      tpu.yield
    }) : () -> ()
    %barrier3A = arith.constant 0 : index
    tpu.barrier barrier_id(%barrier3A)
    %scan3A = arith.constant 0 : i32
    %scan3A_21 = arith.constant 0 : i32
    %scan3A_22 = arith.constant 50 : i32
    %scan3A_23 = arith.addi %scan3A_21, %scan3A_22 : i32
    %scan3A_24 = arith.constant 1 : i32
    scf.for %scan3A_29 = %scan3A_21 to %scan3A_23 step %scan3A_24  : i32 {
      %mul3A_30 = arith.constant 5 : i32
      %mul3A_31 = arith.muli %scan3A_29, %mul3A_30 : i32
      %add3A_32 = arith.constant 0 : i32
      %add3A_33 = arith.addi %mul3A_31, %add3A_32 : i32
      %dma_start3A = arith.constant 0 : i32
      %dma_start3A_34 = arith.constant 0 : i32
      %dma_start3A_35 = arith.constant 0 : i32
      %dma_start3A_36 = tpu.memref_slice %arg7[%dma_start3A, %dma_start3A_34, %dma_start3A_35] : memref<5x2x40xi32, #tpu.memory_space<vmem>> -> memref<1x1x40xi32, #tpu.memory_space<vmem>>
      %dma_start3A_37 = tpu.memref_squeeze %dma_start3A_36 : memref<1x1x40xi32, #tpu.memory_space<vmem>> -> memref<40xi32, #tpu.memory_space<vmem>>
      %dma_start3A_38 = arith.constant 0 : i32
      %dma_start3A_39 = tpu.memref_slice %arg3[%add3A, %add3A_33, %dma_start3A_38] : memref<32x250x40xi32, #tpu.memory_space<hbm>> -> memref<1x1x40xi32, #tpu.memory_space<hbm>>
      %dma_start3A_40 = tpu.memref_squeeze %dma_start3A_39 : memref<1x1x40xi32, #tpu.memory_space<hbm>> -> memref<40xi32, #tpu.memory_space<hbm>>
      %dma_start3A_41 = arith.constant 0 : i32
      %dma_start3A_42 = tpu.memref_slice %arg7[%dma_start3A, %dma_start3A_34, %dma_start3A_41] : memref<5x2x40xi32, #tpu.memory_space<vmem>> -> memref<1x1x40xi32, #tpu.memory_space<vmem>>
      %dma_start3A_43 = tpu.memref_squeeze %dma_start3A_42 : memref<1x1x40xi32, #tpu.memory_space<vmem>> -> memref<40xi32, #tpu.memory_space<vmem>>
      %dma_start3A_44 = arith.constant 0 : i32
      %dma_start3A_45 = tpu.memref_slice %arg3[%add3A, %add3A_33, %dma_start3A_44] : memref<32x250x40xi32, #tpu.memory_space<hbm>> -> memref<1x1x40xi32, #tpu.memory_space<hbm>>
      %dma_start3A_46 = tpu.memref_squeeze %dma_start3A_45 : memref<1x1x40xi32, #tpu.memory_space<hbm>> -> memref<40xi32, #tpu.memory_space<hbm>>
      tpu.enqueue_dma source(%dma_start3A_46 : memref<40xi32, #tpu.memory_space<hbm>>) target(%dma_start3A_43 : memref<40xi32, #tpu.memory_space<vmem>>) target_semaphore(%arg15 : memref<!tpu.dma_semaphore, #tpu.memory_space<semaphore_mem>>)
      %dma_start3A_47 = arith.constant 0 : i32
      %dma_start3A_48 = arith.constant 1 : i32
      %dma_start3A_49 = arith.constant 0 : i32
      %dma_start3A_50 = tpu.memref_slice %arg7[%dma_start3A_47, %dma_start3A_48, %dma_start3A_49] : memref<5x2x40xi32, #tpu.memory_space<vmem>> -> memref<1x1x40xi32, #tpu.memory_space<vmem>>
      %dma_start3A_51 = tpu.memref_squeeze %dma_start3A_50 : memref<1x1x40xi32, #tpu.memory_space<vmem>> -> memref<40xi32, #tpu.memory_space<vmem>>
      %dma_start3A_52 = arith.constant 0 : i32
      %dma_start3A_53 = tpu.memref_slice %arg4[%add3A, %add3A_33, %dma_start3A_52] : memref<32x250x40xi32, #tpu.memory_space<hbm>> -> memref<1x1x40xi32, #tpu.memory_space<hbm>>
      %dma_start3A_54 = tpu.memref_squeeze %dma_start3A_53 : memref<1x1x40xi32, #tpu.memory_space<hbm>> -> memref<40xi32, #tpu.memory_space<hbm>>
      %dma_start3A_55 = arith.constant 0 : i32
      %dma_start3A_56 = tpu.memref_slice %arg7[%dma_start3A_47, %dma_start3A_48, %dma_start3A_55] : memref<5x2x40xi32, #tpu.memory_space<vmem>> -> memref<1x1x40xi32, #tpu.memory_space<vmem>>
      %dma_start3A_57 = tpu.memref_squeeze %dma_start3A_56 : memref<1x1x40xi32, #tpu.memory_space<vmem>> -> memref<40xi32, #tpu.memory_space<vmem>>
      %dma_start3A_58 = arith.constant 0 : i32
      %dma_start3A_59 = tpu.memref_slice %arg4[%add3A, %add3A_33, %dma_start3A_58] : memref<32x250x40xi32, #tpu.memory_space<hbm>> -> memref<1x1x40xi32, #tpu.memory_space<hbm>>
      %dma_start3A_60 = tpu.memref_squeeze %dma_start3A_59 : memref<1x1x40xi32, #tpu.memory_space<hbm>> -> memref<40xi32, #tpu.memory_space<hbm>>
      tpu.enqueue_dma source(%dma_start3A_60 : memref<40xi32, #tpu.memory_space<hbm>>) target(%dma_start3A_57 : memref<40xi32, #tpu.memory_space<vmem>>) target_semaphore(%arg20 : memref<!tpu.dma_semaphore, #tpu.memory_space<semaphore_mem>>)
      %mul3A_61 = arith.constant 5 : i32
      %mul3A_62 = arith.muli %scan3A_29, %mul3A_61 : i32
      %add3A_63 = arith.constant 1 : i32
      %add3A_64 = arith.addi %mul3A_62, %add3A_63 : i32
      %dma_start3A_65 = arith.constant 1 : i32
      %dma_start3A_66 = arith.constant 0 : i32
      %dma_start3A_67 = arith.constant 0 : i32
      %dma_start3A_68 = tpu.memref_slice %arg7[%dma_start3A_65, %dma_start3A_66, %dma_start3A_67] : memref<5x2x40xi32, #tpu.memory_space<vmem>> -> memref<1x1x40xi32, #tpu.memory_space<vmem>>
      %dma_start3A_69 = tpu.memref_squeeze %dma_start3A_68 : memref<1x1x40xi32, #tpu.memory_space<vmem>> -> memref<40xi32, #tpu.memory_space<vmem>>
      %dma_start3A_70 = arith.constant 0 : i32
      %dma_start3A_71 = tpu.memref_slice %arg3[%add3A, %add3A_64, %dma_start3A_70] : memref<32x250x40xi32, #tpu.memory_space<hbm>> -> memref<1x1x40xi32, #tpu.memory_space<hbm>>
      %dma_start3A_72 = tpu.memref_squeeze %dma_start3A_71 : memref<1x1x40xi32, #tpu.memory_space<hbm>> -> memref<40xi32, #tpu.memory_space<hbm>>
      %dma_start3A_73 = arith.constant 0 : i32
      %dma_start3A_74 = tpu.memref_slice %arg7[%dma_start3A_65, %dma_start3A_66, %dma_start3A_73] : memref<5x2x40xi32, #tpu.memory_space<vmem>> -> memref<1x1x40xi32, #tpu.memory_space<vmem>>
      %dma_start3A_75 = tpu.memref_squeeze %dma_start3A_74 : memref<1x1x40xi32, #tpu.memory_space<vmem>> -> memref<40xi32, #tpu.memory_space<vmem>>
      %dma_start3A_76 = arith.constant 0 : i32
      %dma_start3A_77 = tpu.memref_slice %arg3[%add3A, %add3A_64, %dma_start3A_76] : memref<32x250x40xi32, #tpu.memory_space<hbm>> -> memref<1x1x40xi32, #tpu.memory_space<hbm>>
      %dma_start3A_78 = tpu.memref_squeeze %dma_start3A_77 : memref<1x1x40xi32, #tpu.memory_space<hbm>> -> memref<40xi32, #tpu.memory_space<hbm>>
      tpu.enqueue_dma source(%dma_start3A_78 : memref<40xi32, #tpu.memory_space<hbm>>) target(%dma_start3A_75 : memref<40xi32, #tpu.memory_space<vmem>>) target_semaphore(%arg16 : memref<!tpu.dma_semaphore, #tpu.memory_space<semaphore_mem>>)
      %dma_start3A_79 = arith.constant 1 : i32
      %dma_start3A_80 = arith.constant 1 : i32
      %dma_start3A_81 = arith.constant 0 : i32
      %dma_start3A_82 = tpu.memref_slice %arg7[%dma_start3A_79, %dma_start3A_80, %dma_start3A_81] : memref<5x2x40xi32, #tpu.memory_space<vmem>> -> memref<1x1x40xi32, #tpu.memory_space<vmem>>
      %dma_start3A_83 = tpu.memref_squeeze %dma_start3A_82 : memref<1x1x40xi32, #tpu.memory_space<vmem>> -> memref<40xi32, #tpu.memory_space<vmem>>
      %dma_start3A_84 = arith.constant 0 : i32
      %dma_start3A_85 = tpu.memref_slice %arg4[%add3A, %add3A_64, %dma_start3A_84] : memref<32x250x40xi32, #tpu.memory_space<hbm>> -> memref<1x1x40xi32, #tpu.memory_space<hbm>>
      %dma_start3A_86 = tpu.memref_squeeze %dma_start3A_85 : memref<1x1x40xi32, #tpu.memory_space<hbm>> -> memref<40xi32, #tpu.memory_space<hbm>>
      %dma_start3A_87 = arith.constant 0 : i32
      %dma_start3A_88 = tpu.memref_slice %arg7[%dma_start3A_79, %dma_start3A_80, %dma_start3A_87] : memref<5x2x40xi32, #tpu.memory_space<vmem>> -> memref<1x1x40xi32, #tpu.memory_space<vmem>>
      %dma_start3A_89 = tpu.memref_squeeze %dma_start3A_88 : memref<1x1x40xi32, #tpu.memory_space<vmem>> -> memref<40xi32, #tpu.memory_space<vmem>>
      %dma_start3A_90 = arith.constant 0 : i32
      %dma_start3A_91 = tpu.memref_slice %arg4[%add3A, %add3A_64, %dma_start3A_90] : memref<32x250x40xi32, #tpu.memory_space<hbm>> -> memref<1x1x40xi32, #tpu.memory_space<hbm>>
      %dma_start3A_92 = tpu.memref_squeeze %dma_start3A_91 : memref<1x1x40xi32, #tpu.memory_space<hbm>> -> memref<40xi32, #tpu.memory_space<hbm>>
      tpu.enqueue_dma source(%dma_start3A_92 : memref<40xi32, #tpu.memory_space<hbm>>) target(%dma_start3A_89 : memref<40xi32, #tpu.memory_space<vmem>>) target_semaphore(%arg21 : memref<!tpu.dma_semaphore, #tpu.memory_space<semaphore_mem>>)
      %mul3A_93 = arith.constant 5 : i32
      %mul3A_94 = arith.muli %scan3A_29, %mul3A_93 : i32
      %add3A_95 = arith.constant 2 : i32
      %add3A_96 = arith.addi %mul3A_94, %add3A_95 : i32
      %dma_start3A_97 = arith.constant 2 : i32
      %dma_start3A_98 = arith.constant 0 : i32
      %dma_start3A_99 = arith.constant 0 : i32
      %dma_start3A_100 = tpu.memref_slice %arg7[%dma_start3A_97, %dma_start3A_98, %dma_start3A_99] : memref<5x2x40xi32, #tpu.memory_space<vmem>> -> memref<1x1x40xi32, #tpu.memory_space<vmem>>
      %dma_start3A_101 = tpu.memref_squeeze %dma_start3A_100 : memref<1x1x40xi32, #tpu.memory_space<vmem>> -> memref<40xi32, #tpu.memory_space<vmem>>
      %dma_start3A_102 = arith.constant 0 : i32
      %dma_start3A_103 = tpu.memref_slice %arg3[%add3A, %add3A_96, %dma_start3A_102] : memref<32x250x40xi32, #tpu.memory_space<hbm>> -> memref<1x1x40xi32, #tpu.memory_space<hbm>>
      %dma_start3A_104 = tpu.memref_squeeze %dma_start3A_103 : memref<1x1x40xi32, #tpu.memory_space<hbm>> -> memref<40xi32, #tpu.memory_space<hbm>>
      %dma_start3A_105 = arith.constant 0 : i32
      %dma_start3A_106 = tpu.memref_slice %arg7[%dma_start3A_97, %dma_start3A_98, %dma_start3A_105] : memref<5x2x40xi32, #tpu.memory_space<vmem>> -> memref<1x1x40xi32, #tpu.memory_space<vmem>>
      %dma_start3A_107 = tpu.memref_squeeze %dma_start3A_106 : memref<1x1x40xi32, #tpu.memory_space<vmem>> -> memref<40xi32, #tpu.memory_space<vmem>>
      %dma_start3A_108 = arith.constant 0 : i32
      %dma_start3A_109 = tpu.memref_slice %arg3[%add3A, %add3A_96, %dma_start3A_108] : memref<32x250x40xi32, #tpu.memory_space<hbm>> -> memref<1x1x40xi32, #tpu.memory_space<hbm>>
      %dma_start3A_110 = tpu.memref_squeeze %dma_start3A_109 : memref<1x1x40xi32, #tpu.memory_space<hbm>> -> memref<40xi32, #tpu.memory_space<hbm>>
      tpu.enqueue_dma source(%dma_start3A_110 : memref<40xi32, #tpu.memory_space<hbm>>) target(%dma_start3A_107 : memref<40xi32, #tpu.memory_space<vmem>>) target_semaphore(%arg17 : memref<!tpu.dma_semaphore, #tpu.memory_space<semaphore_mem>>)
      %dma_start3A_111 = arith.constant 2 : i32
      %dma_start3A_112 = arith.constant 1 : i32
      %dma_start3A_113 = arith.constant 0 : i32
      %dma_start3A_114 = tpu.memref_slice %arg7[%dma_start3A_111, %dma_start3A_112, %dma_start3A_113] : memref<5x2x40xi32, #tpu.memory_space<vmem>> -> memref<1x1x40xi32, #tpu.memory_space<vmem>>
      %dma_start3A_115 = tpu.memref_squeeze %dma_start3A_114 : memref<1x1x40xi32, #tpu.memory_space<vmem>> -> memref<40xi32, #tpu.memory_space<vmem>>
      %dma_start3A_116 = arith.constant 0 : i32
      %dma_start3A_117 = tpu.memref_slice %arg4[%add3A, %add3A_96, %dma_start3A_116] : memref<32x250x40xi32, #tpu.memory_space<hbm>> -> memref<1x1x40xi32, #tpu.memory_space<hbm>>
      %dma_start3A_118 = tpu.memref_squeeze %dma_start3A_117 : memref<1x1x40xi32, #tpu.memory_space<hbm>> -> memref<40xi32, #tpu.memory_space<hbm>>
      %dma_start3A_119 = arith.constant 0 : i32
      %dma_start3A_120 = tpu.memref_slice %arg7[%dma_start3A_111, %dma_start3A_112, %dma_start3A_119] : memref<5x2x40xi32, #tpu.memory_space<vmem>> -> memref<1x1x40xi32, #tpu.memory_space<vmem>>
      %dma_start3A_121 = tpu.memref_squeeze %dma_start3A_120 : memref<1x1x40xi32, #tpu.memory_space<vmem>> -> memref<40xi32, #tpu.memory_space<vmem>>
      %dma_start3A_122 = arith.constant 0 : i32
      %dma_start3A_123 = tpu.memref_slice %arg4[%add3A, %add3A_96, %dma_start3A_122] : memref<32x250x40xi32, #tpu.memory_space<hbm>> -> memref<1x1x40xi32, #tpu.memory_space<hbm>>
      %dma_start3A_124 = tpu.memref_squeeze %dma_start3A_123 : memref<1x1x40xi32, #tpu.memory_space<hbm>> -> memref<40xi32, #tpu.memory_space<hbm>>
      tpu.enqueue_dma source(%dma_start3A_124 : memref<40xi32, #tpu.memory_space<hbm>>) target(%dma_start3A_121 : memref<40xi32, #tpu.memory_space<vmem>>) target_semaphore(%arg22 : memref<!tpu.dma_semaphore, #tpu.memory_space<semaphore_mem>>)
      %mul3A_125 = arith.constant 5 : i32
      %mul3A_126 = arith.muli %scan3A_29, %mul3A_125 : i32
      %add3A_127 = arith.constant 3 : i32
      %add3A_128 = arith.addi %mul3A_126, %add3A_127 : i32
      %dma_start3A_129 = arith.constant 3 : i32
      %dma_start3A_130 = arith.constant 0 : i32
      %dma_start3A_131 = arith.constant 0 : i32
      %dma_start3A_132 = tpu.memref_slice %arg7[%dma_start3A_129, %dma_start3A_130, %dma_start3A_131] : memref<5x2x40xi32, #tpu.memory_space<vmem>> -> memref<1x1x40xi32, #tpu.memory_space<vmem>>
      %dma_start3A_133 = tpu.memref_squeeze %dma_start3A_132 : memref<1x1x40xi32, #tpu.memory_space<vmem>> -> memref<40xi32, #tpu.memory_space<vmem>>
      %dma_start3A_134 = arith.constant 0 : i32
      %dma_start3A_135 = tpu.memref_slice %arg3[%add3A, %add3A_128, %dma_start3A_134] : memref<32x250x40xi32, #tpu.memory_space<hbm>> -> memref<1x1x40xi32, #tpu.memory_space<hbm>>
      %dma_start3A_136 = tpu.memref_squeeze %dma_start3A_135 : memref<1x1x40xi32, #tpu.memory_space<hbm>> -> memref<40xi32, #tpu.memory_space<hbm>>
      %dma_start3A_137 = arith.constant 0 : i32
      %dma_start3A_138 = tpu.memref_slice %arg7[%dma_start3A_129, %dma_start3A_130, %dma_start3A_137] : memref<5x2x40xi32, #tpu.memory_space<vmem>> -> memref<1x1x40xi32, #tpu.memory_space<vmem>>
      %dma_start3A_139 = tpu.memref_squeeze %dma_start3A_138 : memref<1x1x40xi32, #tpu.memory_space<vmem>> -> memref<40xi32, #tpu.memory_space<vmem>>
      %dma_start3A_140 = arith.constant 0 : i32
      %dma_start3A_141 = tpu.memref_slice %arg3[%add3A, %add3A_128, %dma_start3A_140] : memref<32x250x40xi32, #tpu.memory_space<hbm>> -> memref<1x1x40xi32, #tpu.memory_space<hbm>>
      %dma_start3A_142 = tpu.memref_squeeze %dma_start3A_141 : memref<1x1x40xi32, #tpu.memory_space<hbm>> -> memref<40xi32, #tpu.memory_space<hbm>>
      tpu.enqueue_dma source(%dma_start3A_142 : memref<40xi32, #tpu.memory_space<hbm>>) target(%dma_start3A_139 : memref<40xi32, #tpu.memory_space<vmem>>) target_semaphore(%arg18 : memref<!tpu.dma_semaphore, #tpu.memory_space<semaphore_mem>>)
      %dma_start3A_143 = arith.constant 3 : i32
      %dma_start3A_144 = arith.constant 1 : i32
      %dma_start3A_145 = arith.constant 0 : i32
      %dma_start3A_146 = tpu.memref_slice %arg7[%dma_start3A_143, %dma_start3A_144, %dma_start3A_145] : memref<5x2x40xi32, #tpu.memory_space<vmem>> -> memref<1x1x40xi32, #tpu.memory_space<vmem>>
      %dma_start3A_147 = tpu.memref_squeeze %dma_start3A_146 : memref<1x1x40xi32, #tpu.memory_space<vmem>> -> memref<40xi32, #tpu.memory_space<vmem>>
      %dma_start3A_148 = arith.constant 0 : i32
      %dma_start3A_149 = tpu.memref_slice %arg4[%add3A, %add3A_128, %dma_start3A_148] : memref<32x250x40xi32, #tpu.memory_space<hbm>> -> memref<1x1x40xi32, #tpu.memory_space<hbm>>
      %dma_start3A_150 = tpu.memref_squeeze %dma_start3A_149 : memref<1x1x40xi32, #tpu.memory_space<hbm>> -> memref<40xi32, #tpu.memory_space<hbm>>
      %dma_start3A_151 = arith.constant 0 : i32
      %dma_start3A_152 = tpu.memref_slice %arg7[%dma_start3A_143, %dma_start3A_144, %dma_start3A_151] : memref<5x2x40xi32, #tpu.memory_space<vmem>> -> memref<1x1x40xi32, #tpu.memory_space<vmem>>
      %dma_start3A_153 = tpu.memref_squeeze %dma_start3A_152 : memref<1x1x40xi32, #tpu.memory_space<vmem>> -> memref<40xi32, #tpu.memory_space<vmem>>
      %dma_start3A_154 = arith.constant 0 : i32
      %dma_start3A_155 = tpu.memref_slice %arg4[%add3A, %add3A_128, %dma_start3A_154] : memref<32x250x40xi32, #tpu.memory_space<hbm>> -> memref<1x1x40xi32, #tpu.memory_space<hbm>>
      %dma_start3A_156 = tpu.memref_squeeze %dma_start3A_155 : memref<1x1x40xi32, #tpu.memory_space<hbm>> -> memref<40xi32, #tpu.memory_space<hbm>>
      tpu.enqueue_dma source(%dma_start3A_156 : memref<40xi32, #tpu.memory_space<hbm>>) target(%dma_start3A_153 : memref<40xi32, #tpu.memory_space<vmem>>) target_semaphore(%arg23 : memref<!tpu.dma_semaphore, #tpu.memory_space<semaphore_mem>>)
      %mul3A_157 = arith.constant 5 : i32
      %mul3A_158 = arith.muli %scan3A_29, %mul3A_157 : i32
      %add3A_159 = arith.constant 4 : i32
      %add3A_160 = arith.addi %mul3A_158, %add3A_159 : i32
      %dma_start3A_161 = arith.constant 4 : i32
      %dma_start3A_162 = arith.constant 0 : i32
      %dma_start3A_163 = arith.constant 0 : i32
      %dma_start3A_164 = tpu.memref_slice %arg7[%dma_start3A_161, %dma_start3A_162, %dma_start3A_163] : memref<5x2x40xi32, #tpu.memory_space<vmem>> -> memref<1x1x40xi32, #tpu.memory_space<vmem>>
      %dma_start3A_165 = tpu.memref_squeeze %dma_start3A_164 : memref<1x1x40xi32, #tpu.memory_space<vmem>> -> memref<40xi32, #tpu.memory_space<vmem>>
      %dma_start3A_166 = arith.constant 0 : i32
      %dma_start3A_167 = tpu.memref_slice %arg3[%add3A, %add3A_160, %dma_start3A_166] : memref<32x250x40xi32, #tpu.memory_space<hbm>> -> memref<1x1x40xi32, #tpu.memory_space<hbm>>
      %dma_start3A_168 = tpu.memref_squeeze %dma_start3A_167 : memref<1x1x40xi32, #tpu.memory_space<hbm>> -> memref<40xi32, #tpu.memory_space<hbm>>
      %dma_start3A_169 = arith.constant 0 : i32
      %dma_start3A_170 = tpu.memref_slice %arg7[%dma_start3A_161, %dma_start3A_162, %dma_start3A_169] : memref<5x2x40xi32, #tpu.memory_space<vmem>> -> memref<1x1x40xi32, #tpu.memory_space<vmem>>
      %dma_start3A_171 = tpu.memref_squeeze %dma_start3A_170 : memref<1x1x40xi32, #tpu.memory_space<vmem>> -> memref<40xi32, #tpu.memory_space<vmem>>
      %dma_start3A_172 = arith.constant 0 : i32
      %dma_start3A_173 = tpu.memref_slice %arg3[%add3A, %add3A_160, %dma_start3A_172] : memref<32x250x40xi32, #tpu.memory_space<hbm>> -> memref<1x1x40xi32, #tpu.memory_space<hbm>>
      %dma_start3A_174 = tpu.memref_squeeze %dma_start3A_173 : memref<1x1x40xi32, #tpu.memory_space<hbm>> -> memref<40xi32, #tpu.memory_space<hbm>>
      tpu.enqueue_dma source(%dma_start3A_174 : memref<40xi32, #tpu.memory_space<hbm>>) target(%dma_start3A_171 : memref<40xi32, #tpu.memory_space<vmem>>) target_semaphore(%arg19 : memref<!tpu.dma_semaphore, #tpu.memory_space<semaphore_mem>>)
      %dma_start3A_175 = arith.constant 4 : i32
      %dma_start3A_176 = arith.constant 1 : i32
      %dma_start3A_177 = arith.constant 0 : i32
      %dma_start3A_178 = tpu.memref_slice %arg7[%dma_start3A_175, %dma_start3A_176, %dma_start3A_177] : memref<5x2x40xi32, #tpu.memory_space<vmem>> -> memref<1x1x40xi32, #tpu.memory_space<vmem>>
      %dma_start3A_179 = tpu.memref_squeeze %dma_start3A_178 : memref<1x1x40xi32, #tpu.memory_space<vmem>> -> memref<40xi32, #tpu.memory_space<vmem>>
      %dma_start3A_180 = arith.constant 0 : i32
      %dma_start3A_181 = tpu.memref_slice %arg4[%add3A, %add3A_160, %dma_start3A_180] : memref<32x250x40xi32, #tpu.memory_space<hbm>> -> memref<1x1x40xi32, #tpu.memory_space<hbm>>
      %dma_start3A_182 = tpu.memref_squeeze %dma_start3A_181 : memref<1x1x40xi32, #tpu.memory_space<hbm>> -> memref<40xi32, #tpu.memory_space<hbm>>
      %dma_start3A_183 = arith.constant 0 : i32
      %dma_start3A_184 = tpu.memref_slice %arg7[%dma_start3A_175, %dma_start3A_176, %dma_start3A_183] : memref<5x2x40xi32, #tpu.memory_space<vmem>> -> memref<1x1x40xi32, #tpu.memory_space<vmem>>
      %dma_start3A_185 = tpu.memref_squeeze %dma_start3A_184 : memref<1x1x40xi32, #tpu.memory_space<vmem>> -> memref<40xi32, #tpu.memory_space<vmem>>
      %dma_start3A_186 = arith.constant 0 : i32
      %dma_start3A_187 = tpu.memref_slice %arg4[%add3A, %add3A_160, %dma_start3A_186] : memref<32x250x40xi32, #tpu.memory_space<hbm>> -> memref<1x1x40xi32, #tpu.memory_space<hbm>>
      %dma_start3A_188 = tpu.memref_squeeze %dma_start3A_187 : memref<1x1x40xi32, #tpu.memory_space<hbm>> -> memref<40xi32, #tpu.memory_space<hbm>>
      tpu.enqueue_dma source(%dma_start3A_188 : memref<40xi32, #tpu.memory_space<hbm>>) target(%dma_start3A_185 : memref<40xi32, #tpu.memory_space<vmem>>) target_semaphore(%arg24 : memref<!tpu.dma_semaphore, #tpu.memory_space<semaphore_mem>>)
      %dma_wait3A = arith.constant 0 : i32
      %dma_wait3A_189 = arith.constant 0 : i32
      %dma_wait3A_190 = arith.constant 0 : i32
      %dma_wait3A_191 = tpu.memref_slice %arg7[%dma_wait3A, %dma_wait3A_189, %dma_wait3A_190] : memref<5x2x40xi32, #tpu.memory_space<vmem>> -> memref<1x1x40xi32, #tpu.memory_space<vmem>>
      %dma_wait3A_192 = tpu.memref_squeeze %dma_wait3A_191 : memref<1x1x40xi32, #tpu.memory_space<vmem>> -> memref<40xi32, #tpu.memory_space<vmem>>
      %dma_wait3A_193 = arith.constant 0 : i32
      %dma_wait3A_194 = tpu.memref_slice %arg3[%add3A, %add3A_33, %dma_wait3A_193] : memref<32x250x40xi32, #tpu.memory_space<hbm>> -> memref<1x1x40xi32, #tpu.memory_space<hbm>>
      %dma_wait3A_195 = tpu.memref_squeeze %dma_wait3A_194 : memref<1x1x40xi32, #tpu.memory_space<hbm>> -> memref<40xi32, #tpu.memory_space<hbm>>
      %dma_wait3A_196 = arith.constant 0 : i32
      %dma_wait3A_197 = tpu.memref_slice %arg7[%dma_wait3A, %dma_wait3A_189, %dma_wait3A_196] : memref<5x2x40xi32, #tpu.memory_space<vmem>> -> memref<1x1x40xi32, #tpu.memory_space<vmem>>
      %dma_wait3A_198 = tpu.memref_squeeze %dma_wait3A_197 : memref<1x1x40xi32, #tpu.memory_space<vmem>> -> memref<40xi32, #tpu.memory_space<vmem>>
      %dma_wait3A_199 = arith.constant 0 : i32
      %dma_wait3A_200 = tpu.memref_slice %arg3[%add3A, %add3A_33, %dma_wait3A_199] : memref<32x250x40xi32, #tpu.memory_space<hbm>> -> memref<1x1x40xi32, #tpu.memory_space<hbm>>
      %dma_wait3A_201 = tpu.memref_squeeze %dma_wait3A_200 : memref<1x1x40xi32, #tpu.memory_space<hbm>> -> memref<40xi32, #tpu.memory_space<hbm>>
      tpu.wait_dma2 semaphore(%arg15 : memref<!tpu.dma_semaphore, #tpu.memory_space<semaphore_mem>>) src(%dma_wait3A_201 : memref<40xi32, #tpu.memory_space<hbm>>) dst(%dma_wait3A_198 : memref<40xi32, #tpu.memory_space<vmem>>)
      %dma_start3A_202 = arith.constant 0 : i32
      %dma_start3A_203 = arith.constant 0 : i32
      %dma_start3A_204 = arith.constant 0 : i32
      %dma_start3A_205 = arith.constant 0 : i32
      %dma_start3A_206 = arith.constant 0 : i32
      %dma_start3A_207 = tpu.memref_slice %arg8[%dma_start3A_204, %dma_start3A_205, %dma_start3A_206] : memref<5x40x128xf32, #tpu.memory_space<vmem>> -> memref<1x40x128xf32, #tpu.memory_space<vmem>>
      %dma_start3A_208 = tpu.memref_squeeze %dma_start3A_207 : memref<1x40x128xf32, #tpu.memory_space<vmem>> -> memref<40x128xf32, #tpu.memory_space<vmem>>
      %dma_start3A_209 = arith.constant 0 : i32
      %dma_start3A_210 = tpu.memref_slice %arg7[%dma_start3A_202, %dma_start3A_203, %dma_start3A_209] : memref<5x2x40xi32, #tpu.memory_space<vmem>> -> memref<1x1x40xi32, #tpu.memory_space<vmem>>
      %dma_start3A_211 = tpu.memref_squeeze %dma_start3A_210 : memref<1x1x40xi32, #tpu.memory_space<vmem>> -> memref<40xi32, #tpu.memory_space<vmem>>
      %dma_start3A_212 = arith.constant 0 : i32
      %dma_start3A_213 = arith.constant 0 : i32
      %dma_start3A_214 = tpu.memref_slice %arg2[%dma_start3A_212, %dma_start3A_213] : memref<10000x128xf32, #tpu.memory_space<hbm>> -> memref<10000x128xf32, #tpu.memory_space<hbm>>
      tpu.enqueue_indirect_dma source(%dma_start3A_214 : memref<10000x128xf32, #tpu.memory_space<hbm>>) target(%dma_start3A_208 : memref<40x128xf32, #tpu.memory_space<vmem>>) offsets(%dma_start3A_211 : memref<40xi32, #tpu.memory_space<vmem>>) semaphore(%arg10 : memref<!tpu.dma_semaphore, #tpu.memory_space<semaphore_mem>>)
      %dma_wait3A_215 = arith.constant 1 : i32
      %dma_wait3A_216 = arith.constant 0 : i32
      %dma_wait3A_217 = arith.constant 0 : i32
      %dma_wait3A_218 = tpu.memref_slice %arg7[%dma_wait3A_215, %dma_wait3A_216, %dma_wait3A_217] : memref<5x2x40xi32, #tpu.memory_space<vmem>> -> memref<1x1x40xi32, #tpu.memory_space<vmem>>
      %dma_wait3A_219 = tpu.memref_squeeze %dma_wait3A_218 : memref<1x1x40xi32, #tpu.memory_space<vmem>> -> memref<40xi32, #tpu.memory_space<vmem>>
      %dma_wait3A_220 = arith.constant 0 : i32
      %dma_wait3A_221 = tpu.memref_slice %arg3[%add3A, %add3A_64, %dma_wait3A_220] : memref<32x250x40xi32, #tpu.memory_space<hbm>> -> memref<1x1x40xi32, #tpu.memory_space<hbm>>
      %dma_wait3A_222 = tpu.memref_squeeze %dma_wait3A_221 : memref<1x1x40xi32, #tpu.memory_space<hbm>> -> memref<40xi32, #tpu.memory_space<hbm>>
      %dma_wait3A_223 = arith.constant 0 : i32
      %dma_wait3A_224 = tpu.memref_slice %arg7[%dma_wait3A_215, %dma_wait3A_216, %dma_wait3A_223] : memref<5x2x40xi32, #tpu.memory_space<vmem>> -> memref<1x1x40xi32, #tpu.memory_space<vmem>>
      %dma_wait3A_225 = tpu.memref_squeeze %dma_wait3A_224 : memref<1x1x40xi32, #tpu.memory_space<vmem>> -> memref<40xi32, #tpu.memory_space<vmem>>
      %dma_wait3A_226 = arith.constant 0 : i32
      %dma_wait3A_227 = tpu.memref_slice %arg3[%add3A, %add3A_64, %dma_wait3A_226] : memref<32x250x40xi32, #tpu.memory_space<hbm>> -> memref<1x1x40xi32, #tpu.memory_space<hbm>>
      %dma_wait3A_228 = tpu.memref_squeeze %dma_wait3A_227 : memref<1x1x40xi32, #tpu.memory_space<hbm>> -> memref<40xi32, #tpu.memory_space<hbm>>
      tpu.wait_dma2 semaphore(%arg16 : memref<!tpu.dma_semaphore, #tpu.memory_space<semaphore_mem>>) src(%dma_wait3A_228 : memref<40xi32, #tpu.memory_space<hbm>>) dst(%dma_wait3A_225 : memref<40xi32, #tpu.memory_space<vmem>>)
      %dma_start3A_229 = arith.constant 1 : i32
      %dma_start3A_230 = arith.constant 0 : i32
      %dma_start3A_231 = arith.constant 1 : i32
      %dma_start3A_232 = arith.constant 0 : i32
      %dma_start3A_233 = arith.constant 0 : i32
      %dma_start3A_234 = tpu.memref_slice %arg8[%dma_start3A_231, %dma_start3A_232, %dma_start3A_233] : memref<5x40x128xf32, #tpu.memory_space<vmem>> -> memref<1x40x128xf32, #tpu.memory_space<vmem>>
      %dma_start3A_235 = tpu.memref_squeeze %dma_start3A_234 : memref<1x40x128xf32, #tpu.memory_space<vmem>> -> memref<40x128xf32, #tpu.memory_space<vmem>>
      %dma_start3A_236 = arith.constant 0 : i32
      %dma_start3A_237 = tpu.memref_slice %arg7[%dma_start3A_229, %dma_start3A_230, %dma_start3A_236] : memref<5x2x40xi32, #tpu.memory_space<vmem>> -> memref<1x1x40xi32, #tpu.memory_space<vmem>>
      %dma_start3A_238 = tpu.memref_squeeze %dma_start3A_237 : memref<1x1x40xi32, #tpu.memory_space<vmem>> -> memref<40xi32, #tpu.memory_space<vmem>>
      %dma_start3A_239 = arith.constant 0 : i32
      %dma_start3A_240 = arith.constant 0 : i32
      %dma_start3A_241 = tpu.memref_slice %arg2[%dma_start3A_239, %dma_start3A_240] : memref<10000x128xf32, #tpu.memory_space<hbm>> -> memref<10000x128xf32, #tpu.memory_space<hbm>>
      tpu.enqueue_indirect_dma source(%dma_start3A_241 : memref<10000x128xf32, #tpu.memory_space<hbm>>) target(%dma_start3A_235 : memref<40x128xf32, #tpu.memory_space<vmem>>) offsets(%dma_start3A_238 : memref<40xi32, #tpu.memory_space<vmem>>) semaphore(%arg11 : memref<!tpu.dma_semaphore, #tpu.memory_space<semaphore_mem>>)
      %dma_wait3A_242 = arith.constant 2 : i32
      %dma_wait3A_243 = arith.constant 0 : i32
      %dma_wait3A_244 = arith.constant 0 : i32
      %dma_wait3A_245 = tpu.memref_slice %arg7[%dma_wait3A_242, %dma_wait3A_243, %dma_wait3A_244] : memref<5x2x40xi32, #tpu.memory_space<vmem>> -> memref<1x1x40xi32, #tpu.memory_space<vmem>>
      %dma_wait3A_246 = tpu.memref_squeeze %dma_wait3A_245 : memref<1x1x40xi32, #tpu.memory_space<vmem>> -> memref<40xi32, #tpu.memory_space<vmem>>
      %dma_wait3A_247 = arith.constant 0 : i32
      %dma_wait3A_248 = tpu.memref_slice %arg3[%add3A, %add3A_96, %dma_wait3A_247] : memref<32x250x40xi32, #tpu.memory_space<hbm>> -> memref<1x1x40xi32, #tpu.memory_space<hbm>>
      %dma_wait3A_249 = tpu.memref_squeeze %dma_wait3A_248 : memref<1x1x40xi32, #tpu.memory_space<hbm>> -> memref<40xi32, #tpu.memory_space<hbm>>
      %dma_wait3A_250 = arith.constant 0 : i32
      %dma_wait3A_251 = tpu.memref_slice %arg7[%dma_wait3A_242, %dma_wait3A_243, %dma_wait3A_250] : memref<5x2x40xi32, #tpu.memory_space<vmem>> -> memref<1x1x40xi32, #tpu.memory_space<vmem>>
      %dma_wait3A_252 = tpu.memref_squeeze %dma_wait3A_251 : memref<1x1x40xi32, #tpu.memory_space<vmem>> -> memref<40xi32, #tpu.memory_space<vmem>>
      %dma_wait3A_253 = arith.constant 0 : i32
      %dma_wait3A_254 = tpu.memref_slice %arg3[%add3A, %add3A_96, %dma_wait3A_253] : memref<32x250x40xi32, #tpu.memory_space<hbm>> -> memref<1x1x40xi32, #tpu.memory_space<hbm>>
      %dma_wait3A_255 = tpu.memref_squeeze %dma_wait3A_254 : memref<1x1x40xi32, #tpu.memory_space<hbm>> -> memref<40xi32, #tpu.memory_space<hbm>>
      tpu.wait_dma2 semaphore(%arg17 : memref<!tpu.dma_semaphore, #tpu.memory_space<semaphore_mem>>) src(%dma_wait3A_255 : memref<40xi32, #tpu.memory_space<hbm>>) dst(%dma_wait3A_252 : memref<40xi32, #tpu.memory_space<vmem>>)
      %dma_start3A_256 = arith.constant 2 : i32
      %dma_start3A_257 = arith.constant 0 : i32
      %dma_start3A_258 = arith.constant 2 : i32
      %dma_start3A_259 = arith.constant 0 : i32
      %dma_start3A_260 = arith.constant 0 : i32
      %dma_start3A_261 = tpu.memref_slice %arg8[%dma_start3A_258, %dma_start3A_259, %dma_start3A_260] : memref<5x40x128xf32, #tpu.memory_space<vmem>> -> memref<1x40x128xf32, #tpu.memory_space<vmem>>
      %dma_start3A_262 = tpu.memref_squeeze %dma_start3A_261 : memref<1x40x128xf32, #tpu.memory_space<vmem>> -> memref<40x128xf32, #tpu.memory_space<vmem>>
      %dma_start3A_263 = arith.constant 0 : i32
      %dma_start3A_264 = tpu.memref_slice %arg7[%dma_start3A_256, %dma_start3A_257, %dma_start3A_263] : memref<5x2x40xi32, #tpu.memory_space<vmem>> -> memref<1x1x40xi32, #tpu.memory_space<vmem>>
      %dma_start3A_265 = tpu.memref_squeeze %dma_start3A_264 : memref<1x1x40xi32, #tpu.memory_space<vmem>> -> memref<40xi32, #tpu.memory_space<vmem>>
      %dma_start3A_266 = arith.constant 0 : i32
      %dma_start3A_267 = arith.constant 0 : i32
      %dma_start3A_268 = tpu.memref_slice %arg2[%dma_start3A_266, %dma_start3A_267] : memref<10000x128xf32, #tpu.memory_space<hbm>> -> memref<10000x128xf32, #tpu.memory_space<hbm>>
      tpu.enqueue_indirect_dma source(%dma_start3A_268 : memref<10000x128xf32, #tpu.memory_space<hbm>>) target(%dma_start3A_262 : memref<40x128xf32, #tpu.memory_space<vmem>>) offsets(%dma_start3A_265 : memref<40xi32, #tpu.memory_space<vmem>>) semaphore(%arg12 : memref<!tpu.dma_semaphore, #tpu.memory_space<semaphore_mem>>)
      %dma_wait3A_269 = arith.constant 3 : i32
      %dma_wait3A_270 = arith.constant 0 : i32
      %dma_wait3A_271 = arith.constant 0 : i32
      %dma_wait3A_272 = tpu.memref_slice %arg7[%dma_wait3A_269, %dma_wait3A_270, %dma_wait3A_271] : memref<5x2x40xi32, #tpu.memory_space<vmem>> -> memref<1x1x40xi32, #tpu.memory_space<vmem>>
      %dma_wait3A_273 = tpu.memref_squeeze %dma_wait3A_272 : memref<1x1x40xi32, #tpu.memory_space<vmem>> -> memref<40xi32, #tpu.memory_space<vmem>>
      %dma_wait3A_274 = arith.constant 0 : i32
      %dma_wait3A_275 = tpu.memref_slice %arg3[%add3A, %add3A_128, %dma_wait3A_274] : memref<32x250x40xi32, #tpu.memory_space<hbm>> -> memref<1x1x40xi32, #tpu.memory_space<hbm>>
      %dma_wait3A_276 = tpu.memref_squeeze %dma_wait3A_275 : memref<1x1x40xi32, #tpu.memory_space<hbm>> -> memref<40xi32, #tpu.memory_space<hbm>>
      %dma_wait3A_277 = arith.constant 0 : i32
      %dma_wait3A_278 = tpu.memref_slice %arg7[%dma_wait3A_269, %dma_wait3A_270, %dma_wait3A_277] : memref<5x2x40xi32, #tpu.memory_space<vmem>> -> memref<1x1x40xi32, #tpu.memory_space<vmem>>
      %dma_wait3A_279 = tpu.memref_squeeze %dma_wait3A_278 : memref<1x1x40xi32, #tpu.memory_space<vmem>> -> memref<40xi32, #tpu.memory_space<vmem>>
      %dma_wait3A_280 = arith.constant 0 : i32
      %dma_wait3A_281 = tpu.memref_slice %arg3[%add3A, %add3A_128, %dma_wait3A_280] : memref<32x250x40xi32, #tpu.memory_space<hbm>> -> memref<1x1x40xi32, #tpu.memory_space<hbm>>
      %dma_wait3A_282 = tpu.memref_squeeze %dma_wait3A_281 : memref<1x1x40xi32, #tpu.memory_space<hbm>> -> memref<40xi32, #tpu.memory_space<hbm>>
      tpu.wait_dma2 semaphore(%arg18 : memref<!tpu.dma_semaphore, #tpu.memory_space<semaphore_mem>>) src(%dma_wait3A_282 : memref<40xi32, #tpu.memory_space<hbm>>) dst(%dma_wait3A_279 : memref<40xi32, #tpu.memory_space<vmem>>)
      %dma_start3A_283 = arith.constant 3 : i32
      %dma_start3A_284 = arith.constant 0 : i32
      %dma_start3A_285 = arith.constant 3 : i32
      %dma_start3A_286 = arith.constant 0 : i32
      %dma_start3A_287 = arith.constant 0 : i32
      %dma_start3A_288 = tpu.memref_slice %arg8[%dma_start3A_285, %dma_start3A_286, %dma_start3A_287] : memref<5x40x128xf32, #tpu.memory_space<vmem>> -> memref<1x40x128xf32, #tpu.memory_space<vmem>>
      %dma_start3A_289 = tpu.memref_squeeze %dma_start3A_288 : memref<1x40x128xf32, #tpu.memory_space<vmem>> -> memref<40x128xf32, #tpu.memory_space<vmem>>
      %dma_start3A_290 = arith.constant 0 : i32
      %dma_start3A_291 = tpu.memref_slice %arg7[%dma_start3A_283, %dma_start3A_284, %dma_start3A_290] : memref<5x2x40xi32, #tpu.memory_space<vmem>> -> memref<1x1x40xi32, #tpu.memory_space<vmem>>
      %dma_start3A_292 = tpu.memref_squeeze %dma_start3A_291 : memref<1x1x40xi32, #tpu.memory_space<vmem>> -> memref<40xi32, #tpu.memory_space<vmem>>
      %dma_start3A_293 = arith.constant 0 : i32
      %dma_start3A_294 = arith.constant 0 : i32
      %dma_start3A_295 = tpu.memref_slice %arg2[%dma_start3A_293, %dma_start3A_294] : memref<10000x128xf32, #tpu.memory_space<hbm>> -> memref<10000x128xf32, #tpu.memory_space<hbm>>
      tpu.enqueue_indirect_dma source(%dma_start3A_295 : memref<10000x128xf32, #tpu.memory_space<hbm>>) target(%dma_start3A_289 : memref<40x128xf32, #tpu.memory_space<vmem>>) offsets(%dma_start3A_292 : memref<40xi32, #tpu.memory_space<vmem>>) semaphore(%arg13 : memref<!tpu.dma_semaphore, #tpu.memory_space<semaphore_mem>>)
      %dma_wait3A_296 = arith.constant 4 : i32
      %dma_wait3A_297 = arith.constant 0 : i32
      %dma_wait3A_298 = arith.constant 0 : i32
      %dma_wait3A_299 = tpu.memref_slice %arg7[%dma_wait3A_296, %dma_wait3A_297, %dma_wait3A_298] : memref<5x2x40xi32, #tpu.memory_space<vmem>> -> memref<1x1x40xi32, #tpu.memory_space<vmem>>
      %dma_wait3A_300 = tpu.memref_squeeze %dma_wait3A_299 : memref<1x1x40xi32, #tpu.memory_space<vmem>> -> memref<40xi32, #tpu.memory_space<vmem>>
      %dma_wait3A_301 = arith.constant 0 : i32
      %dma_wait3A_302 = tpu.memref_slice %arg3[%add3A, %add3A_160, %dma_wait3A_301] : memref<32x250x40xi32, #tpu.memory_space<hbm>> -> memref<1x1x40xi32, #tpu.memory_space<hbm>>
      %dma_wait3A_303 = tpu.memref_squeeze %dma_wait3A_302 : memref<1x1x40xi32, #tpu.memory_space<hbm>> -> memref<40xi32, #tpu.memory_space<hbm>>
      %dma_wait3A_304 = arith.constant 0 : i32
      %dma_wait3A_305 = tpu.memref_slice %arg7[%dma_wait3A_296, %dma_wait3A_297, %dma_wait3A_304] : memref<5x2x40xi32, #tpu.memory_space<vmem>> -> memref<1x1x40xi32, #tpu.memory_space<vmem>>
      %dma_wait3A_306 = tpu.memref_squeeze %dma_wait3A_305 : memref<1x1x40xi32, #tpu.memory_space<vmem>> -> memref<40xi32, #tpu.memory_space<vmem>>
      %dma_wait3A_307 = arith.constant 0 : i32
      %dma_wait3A_308 = tpu.memref_slice %arg3[%add3A, %add3A_160, %dma_wait3A_307] : memref<32x250x40xi32, #tpu.memory_space<hbm>> -> memref<1x1x40xi32, #tpu.memory_space<hbm>>
      %dma_wait3A_309 = tpu.memref_squeeze %dma_wait3A_308 : memref<1x1x40xi32, #tpu.memory_space<hbm>> -> memref<40xi32, #tpu.memory_space<hbm>>
      tpu.wait_dma2 semaphore(%arg19 : memref<!tpu.dma_semaphore, #tpu.memory_space<semaphore_mem>>) src(%dma_wait3A_309 : memref<40xi32, #tpu.memory_space<hbm>>) dst(%dma_wait3A_306 : memref<40xi32, #tpu.memory_space<vmem>>)
      %dma_start3A_310 = arith.constant 4 : i32
      %dma_start3A_311 = arith.constant 0 : i32
      %dma_start3A_312 = arith.constant 4 : i32
      %dma_start3A_313 = arith.constant 0 : i32
      %dma_start3A_314 = arith.constant 0 : i32
      %dma_start3A_315 = tpu.memref_slice %arg8[%dma_start3A_312, %dma_start3A_313, %dma_start3A_314] : memref<5x40x128xf32, #tpu.memory_space<vmem>> -> memref<1x40x128xf32, #tpu.memory_space<vmem>>
      %dma_start3A_316 = tpu.memref_squeeze %dma_start3A_315 : memref<1x40x128xf32, #tpu.memory_space<vmem>> -> memref<40x128xf32, #tpu.memory_space<vmem>>
      %dma_start3A_317 = arith.constant 0 : i32
      %dma_start3A_318 = tpu.memref_slice %arg7[%dma_start3A_310, %dma_start3A_311, %dma_start3A_317] : memref<5x2x40xi32, #tpu.memory_space<vmem>> -> memref<1x1x40xi32, #tpu.memory_space<vmem>>
      %dma_start3A_319 = tpu.memref_squeeze %dma_start3A_318 : memref<1x1x40xi32, #tpu.memory_space<vmem>> -> memref<40xi32, #tpu.memory_space<vmem>>
      %dma_start3A_320 = arith.constant 0 : i32
      %dma_start3A_321 = arith.constant 0 : i32
      %dma_start3A_322 = tpu.memref_slice %arg2[%dma_start3A_320, %dma_start3A_321] : memref<10000x128xf32, #tpu.memory_space<hbm>> -> memref<10000x128xf32, #tpu.memory_space<hbm>>
      tpu.enqueue_indirect_dma source(%dma_start3A_322 : memref<10000x128xf32, #tpu.memory_space<hbm>>) target(%dma_start3A_316 : memref<40x128xf32, #tpu.memory_space<vmem>>) offsets(%dma_start3A_319 : memref<40xi32, #tpu.memory_space<vmem>>) semaphore(%arg14 : memref<!tpu.dma_semaphore, #tpu.memory_space<semaphore_mem>>)
      %dma_wait3A_323 = arith.constant 0 : i32
      %dma_wait3A_324 = arith.constant 1 : i32
      %dma_wait3A_325 = arith.constant 0 : i32
      %dma_wait3A_326 = tpu.memref_slice %arg7[%dma_wait3A_323, %dma_wait3A_324, %dma_wait3A_325] : memref<5x2x40xi32, #tpu.memory_space<vmem>> -> memref<1x1x40xi32, #tpu.memory_space<vmem>>
      %dma_wait3A_327 = tpu.memref_squeeze %dma_wait3A_326 : memref<1x1x40xi32, #tpu.memory_space<vmem>> -> memref<40xi32, #tpu.memory_space<vmem>>
      %dma_wait3A_328 = arith.constant 0 : i32
      %dma_wait3A_329 = tpu.memref_slice %arg4[%add3A, %add3A_33, %dma_wait3A_328] : memref<32x250x40xi32, #tpu.memory_space<hbm>> -> memref<1x1x40xi32, #tpu.memory_space<hbm>>
      %dma_wait3A_330 = tpu.memref_squeeze %dma_wait3A_329 : memref<1x1x40xi32, #tpu.memory_space<hbm>> -> memref<40xi32, #tpu.memory_space<hbm>>
      %dma_wait3A_331 = arith.constant 0 : i32
      %dma_wait3A_332 = tpu.memref_slice %arg7[%dma_wait3A_323, %dma_wait3A_324, %dma_wait3A_331] : memref<5x2x40xi32, #tpu.memory_space<vmem>> -> memref<1x1x40xi32, #tpu.memory_space<vmem>>
      %dma_wait3A_333 = tpu.memref_squeeze %dma_wait3A_332 : memref<1x1x40xi32, #tpu.memory_space<vmem>> -> memref<40xi32, #tpu.memory_space<vmem>>
      %dma_wait3A_334 = arith.constant 0 : i32
      %dma_wait3A_335 = tpu.memref_slice %arg4[%add3A, %add3A_33, %dma_wait3A_334] : memref<32x250x40xi32, #tpu.memory_space<hbm>> -> memref<1x1x40xi32, #tpu.memory_space<hbm>>
      %dma_wait3A_336 = tpu.memref_squeeze %dma_wait3A_335 : memref<1x1x40xi32, #tpu.memory_space<hbm>> -> memref<40xi32, #tpu.memory_space<hbm>>
      tpu.wait_dma2 semaphore(%arg20 : memref<!tpu.dma_semaphore, #tpu.memory_space<semaphore_mem>>) src(%dma_wait3A_336 : memref<40xi32, #tpu.memory_space<hbm>>) dst(%dma_wait3A_333 : memref<40xi32, #tpu.memory_space<vmem>>)
      %dma_wait3A_337 = arith.constant 0 : i32
      %dma_wait3A_338 = arith.constant 0 : i32
      %dma_wait3A_339 = arith.constant 0 : i32
      %dma_wait3A_340 = arith.constant 0 : i32
      %dma_wait3A_341 = arith.constant 0 : i32
      %dma_wait3A_342 = tpu.memref_slice %arg8[%dma_wait3A_339, %dma_wait3A_340, %dma_wait3A_341] : memref<5x40x128xf32, #tpu.memory_space<vmem>> -> memref<1x40x128xf32, #tpu.memory_space<vmem>>
      %dma_wait3A_343 = tpu.memref_squeeze %dma_wait3A_342 : memref<1x40x128xf32, #tpu.memory_space<vmem>> -> memref<40x128xf32, #tpu.memory_space<vmem>>
      %dma_wait3A_344 = arith.constant 0 : i32
      %dma_wait3A_345 = tpu.memref_slice %arg7[%dma_wait3A_337, %dma_wait3A_338, %dma_wait3A_344] : memref<5x2x40xi32, #tpu.memory_space<vmem>> -> memref<1x1x40xi32, #tpu.memory_space<vmem>>
      %dma_wait3A_346 = tpu.memref_squeeze %dma_wait3A_345 : memref<1x1x40xi32, #tpu.memory_space<vmem>> -> memref<40xi32, #tpu.memory_space<vmem>>
      %dma_wait3A_347 = arith.constant 0 : i32
      %dma_wait3A_348 = arith.constant 0 : i32
      %dma_wait3A_349 = tpu.memref_slice %arg2[%dma_wait3A_347, %dma_wait3A_348] : memref<10000x128xf32, #tpu.memory_space<hbm>> -> memref<10000x128xf32, #tpu.memory_space<hbm>>
      tpu.wait_indirect_dma semaphore(%arg10 : memref<!tpu.dma_semaphore, #tpu.memory_space<semaphore_mem>>) src(%dma_wait3A_349 : memref<10000x128xf32, #tpu.memory_space<hbm>>) dst(%dma_wait3A_343 : memref<40x128xf32, #tpu.memory_space<vmem>>)
      %run_scoped3A = arith.constant 0 : i32
      %run_scoped3A_350 = arith.constant 0 : i32
      %run_scoped3A_351 = arith.constant 1 : i32
      "tpu.region"() ({
        %run_scoped3A_472 = tpu.sem_alloc : memref<!tpu.dma_semaphore, #tpu.memory_space<semaphore_mem>>
        %dma_start3A_473 = arith.constant 0 : i32
        %dma_start3A_474 = arith.constant 0 : i32
        %dma_start3A_475 = tpu.memref_slice %arg8[%run_scoped3A, %dma_start3A_473, %dma_start3A_474] : memref<5x40x128xf32, #tpu.memory_space<vmem>> -> memref<1x40x128xf32, #tpu.memory_space<vmem>>
        %dma_start3A_476 = tpu.memref_squeeze %dma_start3A_475 : memref<1x40x128xf32, #tpu.memory_space<vmem>> -> memref<40x128xf32, #tpu.memory_space<vmem>>
        %dma_start3A_477 = arith.constant 0 : i32
        %dma_start3A_478 = tpu.memref_slice %arg7[%run_scoped3A_350, %run_scoped3A_351, %dma_start3A_477] : memref<5x2x40xi32, #tpu.memory_space<vmem>> -> memref<1x1x40xi32, #tpu.memory_space<vmem>>
        %dma_start3A_479 = tpu.memref_squeeze %dma_start3A_478 : memref<1x1x40xi32, #tpu.memory_space<vmem>> -> memref<40xi32, #tpu.memory_space<vmem>>
        %dma_start3A_480 = arith.constant 0 : i32
        %dma_start3A_481 = arith.constant 0 : i32
        %dma_start3A_482 = tpu.memref_slice %arg9[%dma_start3A_480, %dma_start3A_481] : memref<10000x128xf32, #tpu.memory_space<vmem_shared>> -> memref<10000x128xf32, #tpu.memory_space<vmem_shared>>
        tpu.enqueue_indirect_dma source(%dma_start3A_476 : memref<40x128xf32, #tpu.memory_space<vmem>>) target(%dma_start3A_482 : memref<10000x128xf32, #tpu.memory_space<vmem_shared>>) offsets(%dma_start3A_479 : memref<40xi32, #tpu.memory_space<vmem>>) semaphore(%run_scoped3A_472 : memref<!tpu.dma_semaphore, #tpu.memory_space<semaphore_mem>>) {add = true}
        %dma_wait3A_483 = arith.constant 0 : i32
        %dma_wait3A_484 = arith.constant 0 : i32
        %dma_wait3A_485 = tpu.memref_slice %arg8[%run_scoped3A, %dma_wait3A_483, %dma_wait3A_484] : memref<5x40x128xf32, #tpu.memory_space<vmem>> -> memref<1x40x128xf32, #tpu.memory_space<vmem>>
        %dma_wait3A_486 = tpu.memref_squeeze %dma_wait3A_485 : memref<1x40x128xf32, #tpu.memory_space<vmem>> -> memref<40x128xf32, #tpu.memory_space<vmem>>
        %dma_wait3A_487 = arith.constant 0 : i32
        %dma_wait3A_488 = tpu.memref_slice %arg7[%run_scoped3A_350, %run_scoped3A_351, %dma_wait3A_487] : memref<5x2x40xi32, #tpu.memory_space<vmem>> -> memref<1x1x40xi32, #tpu.memory_space<vmem>>
        %dma_wait3A_489 = tpu.memref_squeeze %dma_wait3A_488 : memref<1x1x40xi32, #tpu.memory_space<vmem>> -> memref<40xi32, #tpu.memory_space<vmem>>
        %dma_wait3A_490 = arith.constant 0 : i32
        %dma_wait3A_491 = arith.constant 0 : i32
        %dma_wait3A_492 = tpu.memref_slice %arg9[%dma_wait3A_490, %dma_wait3A_491] : memref<10000x128xf32, #tpu.memory_space<vmem_shared>> -> memref<10000x128xf32, #tpu.memory_space<vmem_shared>>
        tpu.wait_indirect_dma semaphore(%run_scoped3A_472 : memref<!tpu.dma_semaphore, #tpu.memory_space<semaphore_mem>>) src(%dma_wait3A_486 : memref<40x128xf32, #tpu.memory_space<vmem>>) dst(%dma_wait3A_492 : memref<10000x128xf32, #tpu.memory_space<vmem_shared>>)
        tpu.yield
      }) : () -> ()
      %dma_wait3A_352 = arith.constant 1 : i32
      %dma_wait3A_353 = arith.constant 1 : i32
      %dma_wait3A_354 = arith.constant 0 : i32
      %dma_wait3A_355 = tpu.memref_slice %arg7[%dma_wait3A_352, %dma_wait3A_353, %dma_wait3A_354] : memref<5x2x40xi32, #tpu.memory_space<vmem>> -> memref<1x1x40xi32, #tpu.memory_space<vmem>>
      %dma_wait3A_356 = tpu.memref_squeeze %dma_wait3A_355 : memref<1x1x40xi32, #tpu.memory_space<vmem>> -> memref<40xi32, #tpu.memory_space<vmem>>
      %dma_wait3A_357 = arith.constant 0 : i32
      %dma_wait3A_358 = tpu.memref_slice %arg4[%add3A, %add3A_64, %dma_wait3A_357] : memref<32x250x40xi32, #tpu.memory_space<hbm>> -> memref<1x1x40xi32, #tpu.memory_space<hbm>>
      %dma_wait3A_359 = tpu.memref_squeeze %dma_wait3A_358 : memref<1x1x40xi32, #tpu.memory_space<hbm>> -> memref<40xi32, #tpu.memory_space<hbm>>
      %dma_wait3A_360 = arith.constant 0 : i32
      %dma_wait3A_361 = tpu.memref_slice %arg7[%dma_wait3A_352, %dma_wait3A_353, %dma_wait3A_360] : memref<5x2x40xi32, #tpu.memory_space<vmem>> -> memref<1x1x40xi32, #tpu.memory_space<vmem>>
      %dma_wait3A_362 = tpu.memref_squeeze %dma_wait3A_361 : memref<1x1x40xi32, #tpu.memory_space<vmem>> -> memref<40xi32, #tpu.memory_space<vmem>>
      %dma_wait3A_363 = arith.constant 0 : i32
      %dma_wait3A_364 = tpu.memref_slice %arg4[%add3A, %add3A_64, %dma_wait3A_363] : memref<32x250x40xi32, #tpu.memory_space<hbm>> -> memref<1x1x40xi32, #tpu.memory_space<hbm>>
      %dma_wait3A_365 = tpu.memref_squeeze %dma_wait3A_364 : memref<1x1x40xi32, #tpu.memory_space<hbm>> -> memref<40xi32, #tpu.memory_space<hbm>>
      tpu.wait_dma2 semaphore(%arg21 : memref<!tpu.dma_semaphore, #tpu.memory_space<semaphore_mem>>) src(%dma_wait3A_365 : memref<40xi32, #tpu.memory_space<hbm>>) dst(%dma_wait3A_362 : memref<40xi32, #tpu.memory_space<vmem>>)
      %dma_wait3A_366 = arith.constant 1 : i32
      %dma_wait3A_367 = arith.constant 0 : i32
      %dma_wait3A_368 = arith.constant 1 : i32
      %dma_wait3A_369 = arith.constant 0 : i32
      %dma_wait3A_370 = arith.constant 0 : i32
      %dma_wait3A_371 = tpu.memref_slice %arg8[%dma_wait3A_368, %dma_wait3A_369, %dma_wait3A_370] : memref<5x40x128xf32, #tpu.memory_space<vmem>> -> memref<1x40x128xf32, #tpu.memory_space<vmem>>
      %dma_wait3A_372 = tpu.memref_squeeze %dma_wait3A_371 : memref<1x40x128xf32, #tpu.memory_space<vmem>> -> memref<40x128xf32, #tpu.memory_space<vmem>>
      %dma_wait3A_373 = arith.constant 0 : i32
      %dma_wait3A_374 = tpu.memref_slice %arg7[%dma_wait3A_366, %dma_wait3A_367, %dma_wait3A_373] : memref<5x2x40xi32, #tpu.memory_space<vmem>> -> memref<1x1x40xi32, #tpu.memory_space<vmem>>
      %dma_wait3A_375 = tpu.memref_squeeze %dma_wait3A_374 : memref<1x1x40xi32, #tpu.memory_space<vmem>> -> memref<40xi32, #tpu.memory_space<vmem>>
      %dma_wait3A_376 = arith.constant 0 : i32
      %dma_wait3A_377 = arith.constant 0 : i32
      %dma_wait3A_378 = tpu.memref_slice %arg2[%dma_wait3A_376, %dma_wait3A_377] : memref<10000x128xf32, #tpu.memory_space<hbm>> -> memref<10000x128xf32, #tpu.memory_space<hbm>>
      tpu.wait_indirect_dma semaphore(%arg11 : memref<!tpu.dma_semaphore, #tpu.memory_space<semaphore_mem>>) src(%dma_wait3A_378 : memref<10000x128xf32, #tpu.memory_space<hbm>>) dst(%dma_wait3A_372 : memref<40x128xf32, #tpu.memory_space<vmem>>)
      %run_scoped3A_379 = arith.constant 1 : i32
      %run_scoped3A_380 = arith.constant 1 : i32
      %run_scoped3A_381 = arith.constant 1 : i32
      "tpu.region"() ({
        %run_scoped3A_472 = tpu.sem_alloc : memref<!tpu.dma_semaphore, #tpu.memory_space<semaphore_mem>>
        %dma_start3A_473 = arith.constant 0 : i32
        %dma_start3A_474 = arith.constant 0 : i32
        %dma_start3A_475 = tpu.memref_slice %arg8[%run_scoped3A_379, %dma_start3A_473, %dma_start3A_474] : memref<5x40x128xf32, #tpu.memory_space<vmem>> -> memref<1x40x128xf32, #tpu.memory_space<vmem>>
        %dma_start3A_476 = tpu.memref_squeeze %dma_start3A_475 : memref<1x40x128xf32, #tpu.memory_space<vmem>> -> memref<40x128xf32, #tpu.memory_space<vmem>>
        %dma_start3A_477 = arith.constant 0 : i32
        %dma_start3A_478 = tpu.memref_slice %arg7[%run_scoped3A_380, %run_scoped3A_381, %dma_start3A_477] : memref<5x2x40xi32, #tpu.memory_space<vmem>> -> memref<1x1x40xi32, #tpu.memory_space<vmem>>
        %dma_start3A_479 = tpu.memref_squeeze %dma_start3A_478 : memref<1x1x40xi32, #tpu.memory_space<vmem>> -> memref<40xi32, #tpu.memory_space<vmem>>
        %dma_start3A_480 = arith.constant 0 : i32
        %dma_start3A_481 = arith.constant 0 : i32
        %dma_start3A_482 = tpu.memref_slice %arg9[%dma_start3A_480, %dma_start3A_481] : memref<10000x128xf32, #tpu.memory_space<vmem_shared>> -> memref<10000x128xf32, #tpu.memory_space<vmem_shared>>
        tpu.enqueue_indirect_dma source(%dma_start3A_476 : memref<40x128xf32, #tpu.memory_space<vmem>>) target(%dma_start3A_482 : memref<10000x128xf32, #tpu.memory_space<vmem_shared>>) offsets(%dma_start3A_479 : memref<40xi32, #tpu.memory_space<vmem>>) semaphore(%run_scoped3A_472 : memref<!tpu.dma_semaphore, #tpu.memory_space<semaphore_mem>>) {add = true}
        %dma_wait3A_483 = arith.constant 0 : i32
        %dma_wait3A_484 = arith.constant 0 : i32
        %dma_wait3A_485 = tpu.memref_slice %arg8[%run_scoped3A_379, %dma_wait3A_483, %dma_wait3A_484] : memref<5x40x128xf32, #tpu.memory_space<vmem>> -> memref<1x40x128xf32, #tpu.memory_space<vmem>>
        %dma_wait3A_486 = tpu.memref_squeeze %dma_wait3A_485 : memref<1x40x128xf32, #tpu.memory_space<vmem>> -> memref<40x128xf32, #tpu.memory_space<vmem>>
        %dma_wait3A_487 = arith.constant 0 : i32
        %dma_wait3A_488 = tpu.memref_slice %arg7[%run_scoped3A_380, %run_scoped3A_381, %dma_wait3A_487] : memref<5x2x40xi32, #tpu.memory_space<vmem>> -> memref<1x1x40xi32, #tpu.memory_space<vmem>>
        %dma_wait3A_489 = tpu.memref_squeeze %dma_wait3A_488 : memref<1x1x40xi32, #tpu.memory_space<vmem>> -> memref<40xi32, #tpu.memory_space<vmem>>
        %dma_wait3A_490 = arith.constant 0 : i32
        %dma_wait3A_491 = arith.constant 0 : i32
        %dma_wait3A_492 = tpu.memref_slice %arg9[%dma_wait3A_490, %dma_wait3A_491] : memref<10000x128xf32, #tpu.memory_space<vmem_shared>> -> memref<10000x128xf32, #tpu.memory_space<vmem_shared>>
        tpu.wait_indirect_dma semaphore(%run_scoped3A_472 : memref<!tpu.dma_semaphore, #tpu.memory_space<semaphore_mem>>) src(%dma_wait3A_486 : memref<40x128xf32, #tpu.memory_space<vmem>>) dst(%dma_wait3A_492 : memref<10000x128xf32, #tpu.memory_space<vmem_shared>>)
        tpu.yield
      }) : () -> ()
      %dma_wait3A_382 = arith.constant 2 : i32
      %dma_wait3A_383 = arith.constant 1 : i32
      %dma_wait3A_384 = arith.constant 0 : i32
      %dma_wait3A_385 = tpu.memref_slice %arg7[%dma_wait3A_382, %dma_wait3A_383, %dma_wait3A_384] : memref<5x2x40xi32, #tpu.memory_space<vmem>> -> memref<1x1x40xi32, #tpu.memory_space<vmem>>
      %dma_wait3A_386 = tpu.memref_squeeze %dma_wait3A_385 : memref<1x1x40xi32, #tpu.memory_space<vmem>> -> memref<40xi32, #tpu.memory_space<vmem>>
      %dma_wait3A_387 = arith.constant 0 : i32
      %dma_wait3A_388 = tpu.memref_slice %arg4[%add3A, %add3A_96, %dma_wait3A_387] : memref<32x250x40xi32, #tpu.memory_space<hbm>> -> memref<1x1x40xi32, #tpu.memory_space<hbm>>
      %dma_wait3A_389 = tpu.memref_squeeze %dma_wait3A_388 : memref<1x1x40xi32, #tpu.memory_space<hbm>> -> memref<40xi32, #tpu.memory_space<hbm>>
      %dma_wait3A_390 = arith.constant 0 : i32
      %dma_wait3A_391 = tpu.memref_slice %arg7[%dma_wait3A_382, %dma_wait3A_383, %dma_wait3A_390] : memref<5x2x40xi32, #tpu.memory_space<vmem>> -> memref<1x1x40xi32, #tpu.memory_space<vmem>>
      %dma_wait3A_392 = tpu.memref_squeeze %dma_wait3A_391 : memref<1x1x40xi32, #tpu.memory_space<vmem>> -> memref<40xi32, #tpu.memory_space<vmem>>
      %dma_wait3A_393 = arith.constant 0 : i32
      %dma_wait3A_394 = tpu.memref_slice %arg4[%add3A, %add3A_96, %dma_wait3A_393] : memref<32x250x40xi32, #tpu.memory_space<hbm>> -> memref<1x1x40xi32, #tpu.memory_space<hbm>>
      %dma_wait3A_395 = tpu.memref_squeeze %dma_wait3A_394 : memref<1x1x40xi32, #tpu.memory_space<hbm>> -> memref<40xi32, #tpu.memory_space<hbm>>
      tpu.wait_dma2 semaphore(%arg22 : memref<!tpu.dma_semaphore, #tpu.memory_space<semaphore_mem>>) src(%dma_wait3A_395 : memref<40xi32, #tpu.memory_space<hbm>>) dst(%dma_wait3A_392 : memref<40xi32, #tpu.memory_space<vmem>>)
      %dma_wait3A_396 = arith.constant 2 : i32
      %dma_wait3A_397 = arith.constant 0 : i32
      %dma_wait3A_398 = arith.constant 2 : i32
      %dma_wait3A_399 = arith.constant 0 : i32
      %dma_wait3A_400 = arith.constant 0 : i32
      %dma_wait3A_401 = tpu.memref_slice %arg8[%dma_wait3A_398, %dma_wait3A_399, %dma_wait3A_400] : memref<5x40x128xf32, #tpu.memory_space<vmem>> -> memref<1x40x128xf32, #tpu.memory_space<vmem>>
      %dma_wait3A_402 = tpu.memref_squeeze %dma_wait3A_401 : memref<1x40x128xf32, #tpu.memory_space<vmem>> -> memref<40x128xf32, #tpu.memory_space<vmem>>
      %dma_wait3A_403 = arith.constant 0 : i32
      %dma_wait3A_404 = tpu.memref_slice %arg7[%dma_wait3A_396, %dma_wait3A_397, %dma_wait3A_403] : memref<5x2x40xi32, #tpu.memory_space<vmem>> -> memref<1x1x40xi32, #tpu.memory_space<vmem>>
      %dma_wait3A_405 = tpu.memref_squeeze %dma_wait3A_404 : memref<1x1x40xi32, #tpu.memory_space<vmem>> -> memref<40xi32, #tpu.memory_space<vmem>>
      %dma_wait3A_406 = arith.constant 0 : i32
      %dma_wait3A_407 = arith.constant 0 : i32
      %dma_wait3A_408 = tpu.memref_slice %arg2[%dma_wait3A_406, %dma_wait3A_407] : memref<10000x128xf32, #tpu.memory_space<hbm>> -> memref<10000x128xf32, #tpu.memory_space<hbm>>
      tpu.wait_indirect_dma semaphore(%arg12 : memref<!tpu.dma_semaphore, #tpu.memory_space<semaphore_mem>>) src(%dma_wait3A_408 : memref<10000x128xf32, #tpu.memory_space<hbm>>) dst(%dma_wait3A_402 : memref<40x128xf32, #tpu.memory_space<vmem>>)
      %run_scoped3A_409 = arith.constant 2 : i32
      %run_scoped3A_410 = arith.constant 2 : i32
      %run_scoped3A_411 = arith.constant 1 : i32
      "tpu.region"() ({
        %run_scoped3A_472 = tpu.sem_alloc : memref<!tpu.dma_semaphore, #tpu.memory_space<semaphore_mem>>
        %dma_start3A_473 = arith.constant 0 : i32
        %dma_start3A_474 = arith.constant 0 : i32
        %dma_start3A_475 = tpu.memref_slice %arg8[%run_scoped3A_409, %dma_start3A_473, %dma_start3A_474] : memref<5x40x128xf32, #tpu.memory_space<vmem>> -> memref<1x40x128xf32, #tpu.memory_space<vmem>>
        %dma_start3A_476 = tpu.memref_squeeze %dma_start3A_475 : memref<1x40x128xf32, #tpu.memory_space<vmem>> -> memref<40x128xf32, #tpu.memory_space<vmem>>
        %dma_start3A_477 = arith.constant 0 : i32
        %dma_start3A_478 = tpu.memref_slice %arg7[%run_scoped3A_410, %run_scoped3A_411, %dma_start3A_477] : memref<5x2x40xi32, #tpu.memory_space<vmem>> -> memref<1x1x40xi32, #tpu.memory_space<vmem>>
        %dma_start3A_479 = tpu.memref_squeeze %dma_start3A_478 : memref<1x1x40xi32, #tpu.memory_space<vmem>> -> memref<40xi32, #tpu.memory_space<vmem>>
        %dma_start3A_480 = arith.constant 0 : i32
        %dma_start3A_481 = arith.constant 0 : i32
        %dma_start3A_482 = tpu.memref_slice %arg9[%dma_start3A_480, %dma_start3A_481] : memref<10000x128xf32, #tpu.memory_space<vmem_shared>> -> memref<10000x128xf32, #tpu.memory_space<vmem_shared>>
        tpu.enqueue_indirect_dma source(%dma_start3A_476 : memref<40x128xf32, #tpu.memory_space<vmem>>) target(%dma_start3A_482 : memref<10000x128xf32, #tpu.memory_space<vmem_shared>>) offsets(%dma_start3A_479 : memref<40xi32, #tpu.memory_space<vmem>>) semaphore(%run_scoped3A_472 : memref<!tpu.dma_semaphore, #tpu.memory_space<semaphore_mem>>) {add = true}
        %dma_wait3A_483 = arith.constant 0 : i32
        %dma_wait3A_484 = arith.constant 0 : i32
        %dma_wait3A_485 = tpu.memref_slice %arg8[%run_scoped3A_409, %dma_wait3A_483, %dma_wait3A_484] : memref<5x40x128xf32, #tpu.memory_space<vmem>> -> memref<1x40x128xf32, #tpu.memory_space<vmem>>
        %dma_wait3A_486 = tpu.memref_squeeze %dma_wait3A_485 : memref<1x40x128xf32, #tpu.memory_space<vmem>> -> memref<40x128xf32, #tpu.memory_space<vmem>>
        %dma_wait3A_487 = arith.constant 0 : i32
        %dma_wait3A_488 = tpu.memref_slice %arg7[%run_scoped3A_410, %run_scoped3A_411, %dma_wait3A_487] : memref<5x2x40xi32, #tpu.memory_space<vmem>> -> memref<1x1x40xi32, #tpu.memory_space<vmem>>
        %dma_wait3A_489 = tpu.memref_squeeze %dma_wait3A_488 : memref<1x1x40xi32, #tpu.memory_space<vmem>> -> memref<40xi32, #tpu.memory_space<vmem>>
        %dma_wait3A_490 = arith.constant 0 : i32
        %dma_wait3A_491 = arith.constant 0 : i32
        %dma_wait3A_492 = tpu.memref_slice %arg9[%dma_wait3A_490, %dma_wait3A_491] : memref<10000x128xf32, #tpu.memory_space<vmem_shared>> -> memref<10000x128xf32, #tpu.memory_space<vmem_shared>>
        tpu.wait_indirect_dma semaphore(%run_scoped3A_472 : memref<!tpu.dma_semaphore, #tpu.memory_space<semaphore_mem>>) src(%dma_wait3A_486 : memref<40x128xf32, #tpu.memory_space<vmem>>) dst(%dma_wait3A_492 : memref<10000x128xf32, #tpu.memory_space<vmem_shared>>)
        tpu.yield
      }) : () -> ()
      %dma_wait3A_412 = arith.constant 3 : i32
      %dma_wait3A_413 = arith.constant 1 : i32
      %dma_wait3A_414 = arith.constant 0 : i32
      %dma_wait3A_415 = tpu.memref_slice %arg7[%dma_wait3A_412, %dma_wait3A_413, %dma_wait3A_414] : memref<5x2x40xi32, #tpu.memory_space<vmem>> -> memref<1x1x40xi32, #tpu.memory_space<vmem>>
      %dma_wait3A_416 = tpu.memref_squeeze %dma_wait3A_415 : memref<1x1x40xi32, #tpu.memory_space<vmem>> -> memref<40xi32, #tpu.memory_space<vmem>>
      %dma_wait3A_417 = arith.constant 0 : i32
      %dma_wait3A_418 = tpu.memref_slice %arg4[%add3A, %add3A_128, %dma_wait3A_417] : memref<32x250x40xi32, #tpu.memory_space<hbm>> -> memref<1x1x40xi32, #tpu.memory_space<hbm>>
      %dma_wait3A_419 = tpu.memref_squeeze %dma_wait3A_418 : memref<1x1x40xi32, #tpu.memory_space<hbm>> -> memref<40xi32, #tpu.memory_space<hbm>>
      %dma_wait3A_420 = arith.constant 0 : i32
      %dma_wait3A_421 = tpu.memref_slice %arg7[%dma_wait3A_412, %dma_wait3A_413, %dma_wait3A_420] : memref<5x2x40xi32, #tpu.memory_space<vmem>> -> memref<1x1x40xi32, #tpu.memory_space<vmem>>
      %dma_wait3A_422 = tpu.memref_squeeze %dma_wait3A_421 : memref<1x1x40xi32, #tpu.memory_space<vmem>> -> memref<40xi32, #tpu.memory_space<vmem>>
      %dma_wait3A_423 = arith.constant 0 : i32
      %dma_wait3A_424 = tpu.memref_slice %arg4[%add3A, %add3A_128, %dma_wait3A_423] : memref<32x250x40xi32, #tpu.memory_space<hbm>> -> memref<1x1x40xi32, #tpu.memory_space<hbm>>
      %dma_wait3A_425 = tpu.memref_squeeze %dma_wait3A_424 : memref<1x1x40xi32, #tpu.memory_space<hbm>> -> memref<40xi32, #tpu.memory_space<hbm>>
      tpu.wait_dma2 semaphore(%arg23 : memref<!tpu.dma_semaphore, #tpu.memory_space<semaphore_mem>>) src(%dma_wait3A_425 : memref<40xi32, #tpu.memory_space<hbm>>) dst(%dma_wait3A_422 : memref<40xi32, #tpu.memory_space<vmem>>)
      %dma_wait3A_426 = arith.constant 3 : i32
      %dma_wait3A_427 = arith.constant 0 : i32
      %dma_wait3A_428 = arith.constant 3 : i32
      %dma_wait3A_429 = arith.constant 0 : i32
      %dma_wait3A_430 = arith.constant 0 : i32
      %dma_wait3A_431 = tpu.memref_slice %arg8[%dma_wait3A_428, %dma_wait3A_429, %dma_wait3A_430] : memref<5x40x128xf32, #tpu.memory_space<vmem>> -> memref<1x40x128xf32, #tpu.memory_space<vmem>>
      %dma_wait3A_432 = tpu.memref_squeeze %dma_wait3A_431 : memref<1x40x128xf32, #tpu.memory_space<vmem>> -> memref<40x128xf32, #tpu.memory_space<vmem>>
      %dma_wait3A_433 = arith.constant 0 : i32
      %dma_wait3A_434 = tpu.memref_slice %arg7[%dma_wait3A_426, %dma_wait3A_427, %dma_wait3A_433] : memref<5x2x40xi32, #tpu.memory_space<vmem>> -> memref<1x1x40xi32, #tpu.memory_space<vmem>>
      %dma_wait3A_435 = tpu.memref_squeeze %dma_wait3A_434 : memref<1x1x40xi32, #tpu.memory_space<vmem>> -> memref<40xi32, #tpu.memory_space<vmem>>
      %dma_wait3A_436 = arith.constant 0 : i32
      %dma_wait3A_437 = arith.constant 0 : i32
      %dma_wait3A_438 = tpu.memref_slice %arg2[%dma_wait3A_436, %dma_wait3A_437] : memref<10000x128xf32, #tpu.memory_space<hbm>> -> memref<10000x128xf32, #tpu.memory_space<hbm>>
      tpu.wait_indirect_dma semaphore(%arg13 : memref<!tpu.dma_semaphore, #tpu.memory_space<semaphore_mem>>) src(%dma_wait3A_438 : memref<10000x128xf32, #tpu.memory_space<hbm>>) dst(%dma_wait3A_432 : memref<40x128xf32, #tpu.memory_space<vmem>>)
      %run_scoped3A_439 = arith.constant 3 : i32
      %run_scoped3A_440 = arith.constant 3 : i32
      %run_scoped3A_441 = arith.constant 1 : i32
      "tpu.region"() ({
        %run_scoped3A_472 = tpu.sem_alloc : memref<!tpu.dma_semaphore, #tpu.memory_space<semaphore_mem>>
        %dma_start3A_473 = arith.constant 0 : i32
        %dma_start3A_474 = arith.constant 0 : i32
        %dma_start3A_475 = tpu.memref_slice %arg8[%run_scoped3A_439, %dma_start3A_473, %dma_start3A_474] : memref<5x40x128xf32, #tpu.memory_space<vmem>> -> memref<1x40x128xf32, #tpu.memory_space<vmem>>
        %dma_start3A_476 = tpu.memref_squeeze %dma_start3A_475 : memref<1x40x128xf32, #tpu.memory_space<vmem>> -> memref<40x128xf32, #tpu.memory_space<vmem>>
        %dma_start3A_477 = arith.constant 0 : i32
        %dma_start3A_478 = tpu.memref_slice %arg7[%run_scoped3A_440, %run_scoped3A_441, %dma_start3A_477] : memref<5x2x40xi32, #tpu.memory_space<vmem>> -> memref<1x1x40xi32, #tpu.memory_space<vmem>>
        %dma_start3A_479 = tpu.memref_squeeze %dma_start3A_478 : memref<1x1x40xi32, #tpu.memory_space<vmem>> -> memref<40xi32, #tpu.memory_space<vmem>>
        %dma_start3A_480 = arith.constant 0 : i32
        %dma_start3A_481 = arith.constant 0 : i32
        %dma_start3A_482 = tpu.memref_slice %arg9[%dma_start3A_480, %dma_start3A_481] : memref<10000x128xf32, #tpu.memory_space<vmem_shared>> -> memref<10000x128xf32, #tpu.memory_space<vmem_shared>>
        tpu.enqueue_indirect_dma source(%dma_start3A_476 : memref<40x128xf32, #tpu.memory_space<vmem>>) target(%dma_start3A_482 : memref<10000x128xf32, #tpu.memory_space<vmem_shared>>) offsets(%dma_start3A_479 : memref<40xi32, #tpu.memory_space<vmem>>) semaphore(%run_scoped3A_472 : memref<!tpu.dma_semaphore, #tpu.memory_space<semaphore_mem>>) {add = true}
        %dma_wait3A_483 = arith.constant 0 : i32
        %dma_wait3A_484 = arith.constant 0 : i32
        %dma_wait3A_485 = tpu.memref_slice %arg8[%run_scoped3A_439, %dma_wait3A_483, %dma_wait3A_484] : memref<5x40x128xf32, #tpu.memory_space<vmem>> -> memref<1x40x128xf32, #tpu.memory_space<vmem>>
        %dma_wait3A_486 = tpu.memref_squeeze %dma_wait3A_485 : memref<1x40x128xf32, #tpu.memory_space<vmem>> -> memref<40x128xf32, #tpu.memory_space<vmem>>
        %dma_wait3A_487 = arith.constant 0 : i32
        %dma_wait3A_488 = tpu.memref_slice %arg7[%run_scoped3A_440, %run_scoped3A_441, %dma_wait3A_487] : memref<5x2x40xi32, #tpu.memory_space<vmem>> -> memref<1x1x40xi32, #tpu.memory_space<vmem>>
        %dma_wait3A_489 = tpu.memref_squeeze %dma_wait3A_488 : memref<1x1x40xi32, #tpu.memory_space<vmem>> -> memref<40xi32, #tpu.memory_space<vmem>>
        %dma_wait3A_490 = arith.constant 0 : i32
        %dma_wait3A_491 = arith.constant 0 : i32
        %dma_wait3A_492 = tpu.memref_slice %arg9[%dma_wait3A_490, %dma_wait3A_491] : memref<10000x128xf32, #tpu.memory_space<vmem_shared>> -> memref<10000x128xf32, #tpu.memory_space<vmem_shared>>
        tpu.wait_indirect_dma semaphore(%run_scoped3A_472 : memref<!tpu.dma_semaphore, #tpu.memory_space<semaphore_mem>>) src(%dma_wait3A_486 : memref<40x128xf32, #tpu.memory_space<vmem>>) dst(%dma_wait3A_492 : memref<10000x128xf32, #tpu.memory_space<vmem_shared>>)
        tpu.yield
      }) : () -> ()
      %dma_wait3A_442 = arith.constant 4 : i32
      %dma_wait3A_443 = arith.constant 1 : i32
      %dma_wait3A_444 = arith.constant 0 : i32
      %dma_wait3A_445 = tpu.memref_slice %arg7[%dma_wait3A_442, %dma_wait3A_443, %dma_wait3A_444] : memref<5x2x40xi32, #tpu.memory_space<vmem>> -> memref<1x1x40xi32, #tpu.memory_space<vmem>>
      %dma_wait3A_446 = tpu.memref_squeeze %dma_wait3A_445 : memref<1x1x40xi32, #tpu.memory_space<vmem>> -> memref<40xi32, #tpu.memory_space<vmem>>
      %dma_wait3A_447 = arith.constant 0 : i32
      %dma_wait3A_448 = tpu.memref_slice %arg4[%add3A, %add3A_160, %dma_wait3A_447] : memref<32x250x40xi32, #tpu.memory_space<hbm>> -> memref<1x1x40xi32, #tpu.memory_space<hbm>>
      %dma_wait3A_449 = tpu.memref_squeeze %dma_wait3A_448 : memref<1x1x40xi32, #tpu.memory_space<hbm>> -> memref<40xi32, #tpu.memory_space<hbm>>
      %dma_wait3A_450 = arith.constant 0 : i32
      %dma_wait3A_451 = tpu.memref_slice %arg7[%dma_wait3A_442, %dma_wait3A_443, %dma_wait3A_450] : memref<5x2x40xi32, #tpu.memory_space<vmem>> -> memref<1x1x40xi32, #tpu.memory_space<vmem>>
      %dma_wait3A_452 = tpu.memref_squeeze %dma_wait3A_451 : memref<1x1x40xi32, #tpu.memory_space<vmem>> -> memref<40xi32, #tpu.memory_space<vmem>>
      %dma_wait3A_453 = arith.constant 0 : i32
      %dma_wait3A_454 = tpu.memref_slice %arg4[%add3A, %add3A_160, %dma_wait3A_453] : memref<32x250x40xi32, #tpu.memory_space<hbm>> -> memref<1x1x40xi32, #tpu.memory_space<hbm>>
      %dma_wait3A_455 = tpu.memref_squeeze %dma_wait3A_454 : memref<1x1x40xi32, #tpu.memory_space<hbm>> -> memref<40xi32, #tpu.memory_space<hbm>>
      tpu.wait_dma2 semaphore(%arg24 : memref<!tpu.dma_semaphore, #tpu.memory_space<semaphore_mem>>) src(%dma_wait3A_455 : memref<40xi32, #tpu.memory_space<hbm>>) dst(%dma_wait3A_452 : memref<40xi32, #tpu.memory_space<vmem>>)
      %dma_wait3A_456 = arith.constant 4 : i32
      %dma_wait3A_457 = arith.constant 0 : i32
      %dma_wait3A_458 = arith.constant 4 : i32
      %dma_wait3A_459 = arith.constant 0 : i32
      %dma_wait3A_460 = arith.constant 0 : i32
      %dma_wait3A_461 = tpu.memref_slice %arg8[%dma_wait3A_458, %dma_wait3A_459, %dma_wait3A_460] : memref<5x40x128xf32, #tpu.memory_space<vmem>> -> memref<1x40x128xf32, #tpu.memory_space<vmem>>
      %dma_wait3A_462 = tpu.memref_squeeze %dma_wait3A_461 : memref<1x40x128xf32, #tpu.memory_space<vmem>> -> memref<40x128xf32, #tpu.memory_space<vmem>>
      %dma_wait3A_463 = arith.constant 0 : i32
      %dma_wait3A_464 = tpu.memref_slice %arg7[%dma_wait3A_456, %dma_wait3A_457, %dma_wait3A_463] : memref<5x2x40xi32, #tpu.memory_space<vmem>> -> memref<1x1x40xi32, #tpu.memory_space<vmem>>
      %dma_wait3A_465 = tpu.memref_squeeze %dma_wait3A_464 : memref<1x1x40xi32, #tpu.memory_space<vmem>> -> memref<40xi32, #tpu.memory_space<vmem>>
      %dma_wait3A_466 = arith.constant 0 : i32
      %dma_wait3A_467 = arith.constant 0 : i32
      %dma_wait3A_468 = tpu.memref_slice %arg2[%dma_wait3A_466, %dma_wait3A_467] : memref<10000x128xf32, #tpu.memory_space<hbm>> -> memref<10000x128xf32, #tpu.memory_space<hbm>>
      tpu.wait_indirect_dma semaphore(%arg14 : memref<!tpu.dma_semaphore, #tpu.memory_space<semaphore_mem>>) src(%dma_wait3A_468 : memref<10000x128xf32, #tpu.memory_space<hbm>>) dst(%dma_wait3A_462 : memref<40x128xf32, #tpu.memory_space<vmem>>)
      %run_scoped3A_469 = arith.constant 4 : i32
      %run_scoped3A_470 = arith.constant 4 : i32
      %run_scoped3A_471 = arith.constant 1 : i32
      "tpu.region"() ({
        %run_scoped3A_472 = tpu.sem_alloc : memref<!tpu.dma_semaphore, #tpu.memory_space<semaphore_mem>>
        %dma_start3A_473 = arith.constant 0 : i32
        %dma_start3A_474 = arith.constant 0 : i32
        %dma_start3A_475 = tpu.memref_slice %arg8[%run_scoped3A_469, %dma_start3A_473, %dma_start3A_474] : memref<5x40x128xf32, #tpu.memory_space<vmem>> -> memref<1x40x128xf32, #tpu.memory_space<vmem>>
        %dma_start3A_476 = tpu.memref_squeeze %dma_start3A_475 : memref<1x40x128xf32, #tpu.memory_space<vmem>> -> memref<40x128xf32, #tpu.memory_space<vmem>>
        %dma_start3A_477 = arith.constant 0 : i32
        %dma_start3A_478 = tpu.memref_slice %arg7[%run_scoped3A_470, %run_scoped3A_471, %dma_start3A_477] : memref<5x2x40xi32, #tpu.memory_space<vmem>> -> memref<1x1x40xi32, #tpu.memory_space<vmem>>
        %dma_start3A_479 = tpu.memref_squeeze %dma_start3A_478 : memref<1x1x40xi32, #tpu.memory_space<vmem>> -> memref<40xi32, #tpu.memory_space<vmem>>
        %dma_start3A_480 = arith.constant 0 : i32
        %dma_start3A_481 = arith.constant 0 : i32
        %dma_start3A_482 = tpu.memref_slice %arg9[%dma_start3A_480, %dma_start3A_481] : memref<10000x128xf32, #tpu.memory_space<vmem_shared>> -> memref<10000x128xf32, #tpu.memory_space<vmem_shared>>
        tpu.enqueue_indirect_dma source(%dma_start3A_476 : memref<40x128xf32, #tpu.memory_space<vmem>>) target(%dma_start3A_482 : memref<10000x128xf32, #tpu.memory_space<vmem_shared>>) offsets(%dma_start3A_479 : memref<40xi32, #tpu.memory_space<vmem>>) semaphore(%run_scoped3A_472 : memref<!tpu.dma_semaphore, #tpu.memory_space<semaphore_mem>>) {add = true}
        %dma_wait3A_483 = arith.constant 0 : i32
        %dma_wait3A_484 = arith.constant 0 : i32
        %dma_wait3A_485 = tpu.memref_slice %arg8[%run_scoped3A_469, %dma_wait3A_483, %dma_wait3A_484] : memref<5x40x128xf32, #tpu.memory_space<vmem>> -> memref<1x40x128xf32, #tpu.memory_space<vmem>>
        %dma_wait3A_486 = tpu.memref_squeeze %dma_wait3A_485 : memref<1x40x128xf32, #tpu.memory_space<vmem>> -> memref<40x128xf32, #tpu.memory_space<vmem>>
        %dma_wait3A_487 = arith.constant 0 : i32
        %dma_wait3A_488 = tpu.memref_slice %arg7[%run_scoped3A_470, %run_scoped3A_471, %dma_wait3A_487] : memref<5x2x40xi32, #tpu.memory_space<vmem>> -> memref<1x1x40xi32, #tpu.memory_space<vmem>>
        %dma_wait3A_489 = tpu.memref_squeeze %dma_wait3A_488 : memref<1x1x40xi32, #tpu.memory_space<vmem>> -> memref<40xi32, #tpu.memory_space<vmem>>
        %dma_wait3A_490 = arith.constant 0 : i32
        %dma_wait3A_491 = arith.constant 0 : i32
        %dma_wait3A_492 = tpu.memref_slice %arg9[%dma_wait3A_490, %dma_wait3A_491] : memref<10000x128xf32, #tpu.memory_space<vmem_shared>> -> memref<10000x128xf32, #tpu.memory_space<vmem_shared>>
        tpu.wait_indirect_dma semaphore(%run_scoped3A_472 : memref<!tpu.dma_semaphore, #tpu.memory_space<semaphore_mem>>) src(%dma_wait3A_486 : memref<40x128xf32, #tpu.memory_space<vmem>>) dst(%dma_wait3A_492 : memref<10000x128xf32, #tpu.memory_space<vmem_shared>>)
        tpu.yield
      }) : () -> ()
    }
    %scan3A_25 = arith.constant 50 : i32
    %barrier3A_26 = arith.constant 0 : index
    tpu.barrier barrier_id(%barrier3A_26)
    %mul3A_27 = arith.constant 625 : i32
    %mul3A_28 = arith.muli %arg1, %mul3A_27 : i32
    "tpu.region"() ({
      %run_scoped3A = tpu.sem_alloc : memref<!tpu.dma_semaphore, #tpu.memory_space<semaphore_mem>>
      %dma_start3A = arith.constant 0 : i32
      %dma_start3A_29 = arith.constant 0 : i32
      %dma_start3A_30 = tpu.memref_slice %arg6[%arg0, %arg1, %dma_start3A, %dma_start3A_29] : memref<2x16x625x128xf32, #tpu.memory_space<hbm>> -> memref<1x1x625x128xf32, #tpu.memory_space<hbm>>
      %dma_start3A_31 = tpu.memref_squeeze %dma_start3A_30 : memref<1x1x625x128xf32, #tpu.memory_space<hbm>> -> memref<625x128xf32, #tpu.memory_space<hbm>>
      %dma_start3A_32 = arith.constant 0 : i32
      %dma_start3A_33 = tpu.memref_slice %arg9[%mul3A_28, %dma_start3A_32] : memref<10000x128xf32, #tpu.memory_space<vmem_shared>> -> memref<625x128xf32, #tpu.memory_space<vmem_shared>>
      tpu.enqueue_dma source(%dma_start3A_33 : memref<625x128xf32, #tpu.memory_space<vmem_shared>>) target(%dma_start3A_31 : memref<625x128xf32, #tpu.memory_space<hbm>>) target_semaphore(%run_scoped3A : memref<!tpu.dma_semaphore, #tpu.memory_space<semaphore_mem>>)
      %dma_wait3A = arith.constant 0 : i32
      %dma_wait3A_34 = arith.constant 0 : i32
      %dma_wait3A_35 = tpu.memref_slice %arg6[%arg0, %arg1, %dma_wait3A, %dma_wait3A_34] : memref<2x16x625x128xf32, #tpu.memory_space<hbm>> -> memref<1x1x625x128xf32, #tpu.memory_space<hbm>>
      %dma_wait3A_36 = tpu.memref_squeeze %dma_wait3A_35 : memref<1x1x625x128xf32, #tpu.memory_space<hbm>> -> memref<625x128xf32, #tpu.memory_space<hbm>>
      %dma_wait3A_37 = arith.constant 0 : i32
      %dma_wait3A_38 = tpu.memref_slice %arg9[%mul3A_28, %dma_wait3A_37] : memref<10000x128xf32, #tpu.memory_space<vmem_shared>> -> memref<625x128xf32, #tpu.memory_space<vmem_shared>>
      tpu.wait_dma2 semaphore(%run_scoped3A : memref<!tpu.dma_semaphore, #tpu.memory_space<semaphore_mem>>) src(%dma_wait3A_38 : memref<625x128xf32, #tpu.memory_space<vmem_shared>>) dst(%dma_wait3A_36 : memref<625x128xf32, #tpu.memory_space<hbm>>)
      tpu.yield
    }) : () -> ()
    return
  }
}

#map = affine_map<(d0, d1) -> (0)>
#map1 = affine_map<(d0, d1) -> (0, 0, 0)>
module attributes {stable_mosaic.version = 14 : i64} {
  func.func @_deg_body(%arg0: i32, %arg1: i32, %arg2: memref<320000xi32, #tpu.memory_space<hbm>>, %arg3: memref<320000xi32, #tpu.memory_space<hbm>>, %arg4: memref<10000xf32, #tpu.memory_space<hbm>>, %arg5: memref<2x16x10000xf32, #tpu.memory_space<hbm>>, %arg6: memref<2x16x10000xf32, #tpu.memory_space<hbm>>, %arg7: memref<10000xi32, #tpu.memory_space<vmem>>, %arg8: memref<10000xi32, #tpu.memory_space<vmem>>, %arg9: memref<10000xf32, #tpu.memory_space<vmem>>, %arg10: memref<10000xf32, #tpu.memory_space<vmem>>) attributes {dimension_semantics = [#tpu.dimension_semantics<core_parallel>, #tpu.dimension_semantics<subcore_parallel>], iteration_bounds = array<i64: 2, 16>, scalar_prefetch = 0 : i64, scratch_operands = 4 : i64, tpu.core_type = #tpu.core_type<sc_vector_subcore>, window_params = [{transform_indices = #map}, {transform_indices = #map}, {transform_indices = #map}, {transform_indices = #map1}, {transform_indices = #map1}]} {
    %mul3A = arith.constant 2 : i32
    %mul3A_0 = arith.muli %arg1, %mul3A : i32
    %add3A = arith.addi %mul3A_0, %arg0 : i32
    %mul3A_1 = arith.constant 10000 : i32
    %mul3A_2 = arith.muli %add3A, %mul3A_1 : i32
    "tpu.region"() ({
      %run_scoped3A = tpu.sem_alloc : memref<!tpu.dma_semaphore, #tpu.memory_space<semaphore_mem>>
      %dma_start3A = tpu.memref_slice %arg2[%mul3A_2] : memref<320000xi32, #tpu.memory_space<hbm>> -> memref<10000xi32, #tpu.memory_space<hbm>>
      %dma_start3A_9 = tpu.memref_slice %arg2[%mul3A_2] : memref<320000xi32, #tpu.memory_space<hbm>> -> memref<10000xi32, #tpu.memory_space<hbm>>
      tpu.enqueue_dma source(%dma_start3A_9 : memref<10000xi32, #tpu.memory_space<hbm>>) target(%arg7 : memref<10000xi32, #tpu.memory_space<vmem>>) target_semaphore(%run_scoped3A : memref<!tpu.dma_semaphore, #tpu.memory_space<semaphore_mem>>)
      %dma_wait3A = tpu.memref_slice %arg2[%mul3A_2] : memref<320000xi32, #tpu.memory_space<hbm>> -> memref<10000xi32, #tpu.memory_space<hbm>>
      %dma_wait3A_10 = tpu.memref_slice %arg2[%mul3A_2] : memref<320000xi32, #tpu.memory_space<hbm>> -> memref<10000xi32, #tpu.memory_space<hbm>>
      tpu.wait_dma2 semaphore(%run_scoped3A : memref<!tpu.dma_semaphore, #tpu.memory_space<semaphore_mem>>) src(%dma_wait3A_10 : memref<10000xi32, #tpu.memory_space<hbm>>) dst(%arg7 : memref<10000xi32, #tpu.memory_space<vmem>>)
      tpu.yield
    }) : () -> ()
    "tpu.region"() ({
      %run_scoped3A = tpu.sem_alloc : memref<!tpu.dma_semaphore, #tpu.memory_space<semaphore_mem>>
      %dma_start3A = tpu.memref_slice %arg3[%mul3A_2] : memref<320000xi32, #tpu.memory_space<hbm>> -> memref<10000xi32, #tpu.memory_space<hbm>>
      %dma_start3A_9 = tpu.memref_slice %arg3[%mul3A_2] : memref<320000xi32, #tpu.memory_space<hbm>> -> memref<10000xi32, #tpu.memory_space<hbm>>
      tpu.enqueue_dma source(%dma_start3A_9 : memref<10000xi32, #tpu.memory_space<hbm>>) target(%arg8 : memref<10000xi32, #tpu.memory_space<vmem>>) target_semaphore(%run_scoped3A : memref<!tpu.dma_semaphore, #tpu.memory_space<semaphore_mem>>)
      %dma_wait3A = tpu.memref_slice %arg3[%mul3A_2] : memref<320000xi32, #tpu.memory_space<hbm>> -> memref<10000xi32, #tpu.memory_space<hbm>>
      %dma_wait3A_10 = tpu.memref_slice %arg3[%mul3A_2] : memref<320000xi32, #tpu.memory_space<hbm>> -> memref<10000xi32, #tpu.memory_space<hbm>>
      tpu.wait_dma2 semaphore(%run_scoped3A : memref<!tpu.dma_semaphore, #tpu.memory_space<semaphore_mem>>) src(%dma_wait3A_10 : memref<10000xi32, #tpu.memory_space<hbm>>) dst(%arg8 : memref<10000xi32, #tpu.memory_space<vmem>>)
      tpu.yield
    }) : () -> ()
    "tpu.region"() ({
      %run_scoped3A = tpu.sem_alloc : memref<!tpu.dma_semaphore, #tpu.memory_space<semaphore_mem>>
      tpu.enqueue_dma source(%arg4 : memref<10000xf32, #tpu.memory_space<hbm>>) target(%arg9 : memref<10000xf32, #tpu.memory_space<vmem>>) target_semaphore(%run_scoped3A : memref<!tpu.dma_semaphore, #tpu.memory_space<semaphore_mem>>)
      tpu.wait_dma2 semaphore(%run_scoped3A : memref<!tpu.dma_semaphore, #tpu.memory_space<semaphore_mem>>) src(%arg4 : memref<10000xf32, #tpu.memory_space<hbm>>) dst(%arg9 : memref<10000xf32, #tpu.memory_space<vmem>>)
      tpu.yield
    }) : () -> ()
    "tpu.region"() ({
      %run_scoped3A = tpu.sem_alloc : memref<!tpu.dma_semaphore, #tpu.memory_space<semaphore_mem>>
      tpu.enqueue_dma source(%arg4 : memref<10000xf32, #tpu.memory_space<hbm>>) target(%arg10 : memref<10000xf32, #tpu.memory_space<vmem>>) target_semaphore(%run_scoped3A : memref<!tpu.dma_semaphore, #tpu.memory_space<semaphore_mem>>)
      tpu.wait_dma2 semaphore(%run_scoped3A : memref<!tpu.dma_semaphore, #tpu.memory_space<semaphore_mem>>) src(%arg4 : memref<10000xf32, #tpu.memory_space<hbm>>) dst(%arg10 : memref<10000xf32, #tpu.memory_space<vmem>>)
      tpu.yield
    }) : () -> ()
    %broadcast_in_dim3A = arith.constant 1.000000e+00 : f32
    %broadcast_in_dim3A_3 = vector.broadcast %broadcast_in_dim3A : f32 to vector<16xf32>
    %scan3A = arith.constant 0 : i32
    %scan3A_4 = arith.constant 0 : i32
    %scan3A_5 = arith.constant 625 : i32
    %scan3A_6 = arith.addi %scan3A_4, %scan3A_5 : i32
    %scan3A_7 = arith.constant 1 : i32
    scf.for %scan3A_9 = %scan3A_4 to %scan3A_6 step %scan3A_7  : i32 {
      %mul3A_10 = arith.constant 16 : i32
      %mul3A_11 = arith.muli %scan3A_9, %mul3A_10 : i32
      %get3A = arith.index_cast %mul3A_11 : i32 to index
      %get3A_12 = tpu.vector_load %arg7[%get3A] {strides = array<i32>} : memref<10000xi32, #tpu.memory_space<vmem>>, vector<16xi32>,
      tpu.vector_store_idx %arg9[%get3A_12], %broadcast_in_dim3A_3 {add = true} : memref<10000xf32, #tpu.memory_space<vmem>>[vector<16xi32>], vector<16xf32>,
      %get3A_13 = arith.index_cast %mul3A_11 : i32 to index
      %get3A_14 = tpu.vector_load %arg8[%get3A_13] {strides = array<i32>} : memref<10000xi32, #tpu.memory_space<vmem>>, vector<16xi32>,
      tpu.vector_store_idx %arg10[%get3A_14], %broadcast_in_dim3A_3 {add = true} : memref<10000xf32, #tpu.memory_space<vmem>>[vector<16xi32>], vector<16xf32>,
    }
    %scan3A_8 = arith.constant 625 : i32
    "tpu.region"() ({
      %run_scoped3A = tpu.sem_alloc : memref<!tpu.dma_semaphore, #tpu.memory_space<semaphore_mem>>
      %dma_start3A = arith.constant 0 : i32
      %dma_start3A_9 = tpu.memref_slice %arg5[%arg0, %arg1, %dma_start3A] : memref<2x16x10000xf32, #tpu.memory_space<hbm>> -> memref<1x1x10000xf32, #tpu.memory_space<hbm>>
      %dma_start3A_10 = tpu.memref_squeeze %dma_start3A_9 : memref<1x1x10000xf32, #tpu.memory_space<hbm>> -> memref<10000xf32, #tpu.memory_space<hbm>>
      %dma_start3A_11 = arith.constant 0 : i32
      %dma_start3A_12 = tpu.memref_slice %arg5[%arg0, %arg1, %dma_start3A_11] : memref<2x16x10000xf32, #tpu.memory_space<hbm>> -> memref<1x1x10000xf32, #tpu.memory_space<hbm>>
      %dma_start3A_13 = tpu.memref_squeeze %dma_start3A_12 : memref<1x1x10000xf32, #tpu.memory_space<hbm>> -> memref<10000xf32, #tpu.memory_space<hbm>>
      tpu.enqueue_dma source(%arg9 : memref<10000xf32, #tpu.memory_space<vmem>>) target(%dma_start3A_13 : memref<10000xf32, #tpu.memory_space<hbm>>) target_semaphore(%run_scoped3A : memref<!tpu.dma_semaphore, #tpu.memory_space<semaphore_mem>>)
      %dma_wait3A = arith.constant 0 : i32
      %dma_wait3A_14 = tpu.memref_slice %arg5[%arg0, %arg1, %dma_wait3A] : memref<2x16x10000xf32, #tpu.memory_space<hbm>> -> memref<1x1x10000xf32, #tpu.memory_space<hbm>>
      %dma_wait3A_15 = tpu.memref_squeeze %dma_wait3A_14 : memref<1x1x10000xf32, #tpu.memory_space<hbm>> -> memref<10000xf32, #tpu.memory_space<hbm>>
      %dma_wait3A_16 = arith.constant 0 : i32
      %dma_wait3A_17 = tpu.memref_slice %arg5[%arg0, %arg1, %dma_wait3A_16] : memref<2x16x10000xf32, #tpu.memory_space<hbm>> -> memref<1x1x10000xf32, #tpu.memory_space<hbm>>
      %dma_wait3A_18 = tpu.memref_squeeze %dma_wait3A_17 : memref<1x1x10000xf32, #tpu.memory_space<hbm>> -> memref<10000xf32, #tpu.memory_space<hbm>>
      tpu.wait_dma2 semaphore(%run_scoped3A : memref<!tpu.dma_semaphore, #tpu.memory_space<semaphore_mem>>) src(%arg9 : memref<10000xf32, #tpu.memory_space<vmem>>) dst(%dma_wait3A_18 : memref<10000xf32, #tpu.memory_space<hbm>>)
      tpu.yield
    }) : () -> ()
    "tpu.region"() ({
      %run_scoped3A = tpu.sem_alloc : memref<!tpu.dma_semaphore, #tpu.memory_space<semaphore_mem>>
      %dma_start3A = arith.constant 0 : i32
      %dma_start3A_9 = tpu.memref_slice %arg6[%arg0, %arg1, %dma_start3A] : memref<2x16x10000xf32, #tpu.memory_space<hbm>> -> memref<1x1x10000xf32, #tpu.memory_space<hbm>>
      %dma_start3A_10 = tpu.memref_squeeze %dma_start3A_9 : memref<1x1x10000xf32, #tpu.memory_space<hbm>> -> memref<10000xf32, #tpu.memory_space<hbm>>
      %dma_start3A_11 = arith.constant 0 : i32
      %dma_start3A_12 = tpu.memref_slice %arg6[%arg0, %arg1, %dma_start3A_11] : memref<2x16x10000xf32, #tpu.memory_space<hbm>> -> memref<1x1x10000xf32, #tpu.memory_space<hbm>>
      %dma_start3A_13 = tpu.memref_squeeze %dma_start3A_12 : memref<1x1x10000xf32, #tpu.memory_space<hbm>> -> memref<10000xf32, #tpu.memory_space<hbm>>
      tpu.enqueue_dma source(%arg10 : memref<10000xf32, #tpu.memory_space<vmem>>) target(%dma_start3A_13 : memref<10000xf32, #tpu.memory_space<hbm>>) target_semaphore(%run_scoped3A : memref<!tpu.dma_semaphore, #tpu.memory_space<semaphore_mem>>)
      %dma_wait3A = arith.constant 0 : i32
      %dma_wait3A_14 = tpu.memref_slice %arg6[%arg0, %arg1, %dma_wait3A] : memref<2x16x10000xf32, #tpu.memory_space<hbm>> -> memref<1x1x10000xf32, #tpu.memory_space<hbm>>
      %dma_wait3A_15 = tpu.memref_squeeze %dma_wait3A_14 : memref<1x1x10000xf32, #tpu.memory_space<hbm>> -> memref<10000xf32, #tpu.memory_space<hbm>>
      %dma_wait3A_16 = arith.constant 0 : i32
      %dma_wait3A_17 = tpu.memref_slice %arg6[%arg0, %arg1, %dma_wait3A_16] : memref<2x16x10000xf32, #tpu.memory_space<hbm>> -> memref<1x1x10000xf32, #tpu.memory_space<hbm>>
      %dma_wait3A_18 = tpu.memref_squeeze %dma_wait3A_17 : memref<1x1x10000xf32, #tpu.memory_space<hbm>> -> memref<10000xf32, #tpu.memory_space<hbm>>
      tpu.wait_dma2 semaphore(%run_scoped3A : memref<!tpu.dma_semaphore, #tpu.memory_space<semaphore_mem>>) src(%arg10 : memref<10000xf32, #tpu.memory_space<vmem>>) dst(%dma_wait3A_18 : memref<10000xf32, #tpu.memory_space<hbm>>)
      tpu.yield
    }) : () -> ()
    return
  }
}

#map = affine_map<(d0, d1) -> (0, 0)>
#map1 = affine_map<(d0, d1) -> (0, 0, 0)>
#map2 = affine_map<(d0, d1) -> (0, 0, 0, 0)>
module attributes {stable_mosaic.version = 14 : i64} {
  func.func @_segsum_body(%arg0: i32, %arg1: i32, %arg2: memref<10000x128xf32, #tpu.memory_space<hbm>>, %arg3: memref<32x250x40xi32, #tpu.memory_space<hbm>>, %arg4: memref<32x250x40xi32, #tpu.memory_space<hbm>>, %arg5: memref<125x128xf32, #tpu.memory_space<hbm>>, %arg6: memref<2x16x625x128xf32, #tpu.memory_space<hbm>>, %arg7: memref<5x2x40xi32, #tpu.memory_space<vmem>>, %arg8: memref<5x40x128xf32, #tpu.memory_space<vmem>>, %arg9: memref<10000x128xf32, #tpu.memory_space<vmem_shared>>, %arg10: memref<!tpu.dma_semaphore, #tpu.memory_space<semaphore_mem>>, %arg11: memref<!tpu.dma_semaphore, #tpu.memory_space<semaphore_mem>>, %arg12: memref<!tpu.dma_semaphore, #tpu.memory_space<semaphore_mem>>, %arg13: memref<!tpu.dma_semaphore, #tpu.memory_space<semaphore_mem>>, %arg14: memref<!tpu.dma_semaphore, #tpu.memory_space<semaphore_mem>>, %arg15: memref<!tpu.dma_semaphore, #tpu.memory_space<semaphore_mem>>, %arg16: memref<!tpu.dma_semaphore, #tpu.memory_space<semaphore_mem>>, %arg17: memref<!tpu.dma_semaphore, #tpu.memory_space<semaphore_mem>>, %arg18: memref<!tpu.dma_semaphore, #tpu.memory_space<semaphore_mem>>, %arg19: memref<!tpu.dma_semaphore, #tpu.memory_space<semaphore_mem>>, %arg20: memref<!tpu.dma_semaphore, #tpu.memory_space<semaphore_mem>>, %arg21: memref<!tpu.dma_semaphore, #tpu.memory_space<semaphore_mem>>, %arg22: memref<!tpu.dma_semaphore, #tpu.memory_space<semaphore_mem>>, %arg23: memref<!tpu.dma_semaphore, #tpu.memory_space<semaphore_mem>>, %arg24: memref<!tpu.dma_semaphore, #tpu.memory_space<semaphore_mem>>) attributes {dimension_semantics = [#tpu.dimension_semantics<core_parallel>, #tpu.dimension_semantics<subcore_parallel>], iteration_bounds = array<i64: 2, 16>, scalar_prefetch = 0 : i64, scratch_operands = 18 : i64, tpu.core_type = #tpu.core_type<sc_vector_subcore>, window_params = [{transform_indices = #map}, {transform_indices = #map1}, {transform_indices = #map1}, {transform_indices = #map}, {transform_indices = #map2}]} {
    %mul3A = arith.constant 2 : i32
    %mul3A_0 = arith.muli %arg1, %mul3A : i32
    %add3A = arith.addi %mul3A_0, %arg0 : i32
    %mul3A_1 = arith.constant 625 : i32
    %mul3A_2 = arith.muli %arg1, %mul3A_1 : i32
    %add3A_3 = arith.constant 0 : i32
    %add3A_4 = arith.addi %mul3A_2, %add3A_3 : i32
    "tpu.region"() ({
      %run_scoped3A = tpu.sem_alloc : memref<!tpu.dma_semaphore, #tpu.memory_space<semaphore_mem>>
      %dma_start3A = arith.constant 0 : i32
      %dma_start3A_29 = tpu.memref_slice %arg9[%add3A_4, %dma_start3A] : memref<10000x128xf32, #tpu.memory_space<vmem_shared>> -> memref<125x128xf32, #tpu.memory_space<vmem_shared>>
      tpu.enqueue_dma source(%arg5 : memref<125x128xf32, #tpu.memory_space<hbm>>) target(%dma_start3A_29 : memref<125x128xf32, #tpu.memory_space<vmem_shared>>) target_semaphore(%run_scoped3A : memref<!tpu.dma_semaphore, #tpu.memory_space<semaphore_mem>>)
      %dma_wait3A = arith.constant 0 : i32
      %dma_wait3A_30 = tpu.memref_slice %arg9[%add3A_4, %dma_wait3A] : memref<10000x128xf32, #tpu.memory_space<vmem_shared>> -> memref<125x128xf32, #tpu.memory_space<vmem_shared>>
      tpu.wait_dma2 semaphore(%run_scoped3A : memref<!tpu.dma_semaphore, #tpu.memory_space<semaphore_mem>>) src(%arg5 : memref<125x128xf32, #tpu.memory_space<hbm>>) dst(%dma_wait3A_30 : memref<125x128xf32, #tpu.memory_space<vmem_shared>>)
      tpu.yield
    }) : () -> ()
    %mul3A_5 = arith.constant 625 : i32
    %mul3A_6 = arith.muli %arg1, %mul3A_5 : i32
    %add3A_7 = arith.constant 125 : i32
    %add3A_8 = arith.addi %mul3A_6, %add3A_7 : i32
    "tpu.region"() ({
      %run_scoped3A = tpu.sem_alloc : memref<!tpu.dma_semaphore, #tpu.memory_space<semaphore_mem>>
      %dma_start3A = arith.constant 0 : i32
      %dma_start3A_29 = tpu.memref_slice %arg9[%add3A_8, %dma_start3A] : memref<10000x128xf32, #tpu.memory_space<vmem_shared>> -> memref<125x128xf32, #tpu.memory_space<vmem_shared>>
      tpu.enqueue_dma source(%arg5 : memref<125x128xf32, #tpu.memory_space<hbm>>) target(%dma_start3A_29 : memref<125x128xf32, #tpu.memory_space<vmem_shared>>) target_semaphore(%run_scoped3A : memref<!tpu.dma_semaphore, #tpu.memory_space<semaphore_mem>>)
      %dma_wait3A = arith.constant 0 : i32
      %dma_wait3A_30 = tpu.memref_slice %arg9[%add3A_8, %dma_wait3A] : memref<10000x128xf32, #tpu.memory_space<vmem_shared>> -> memref<125x128xf32, #tpu.memory_space<vmem_shared>>
      tpu.wait_dma2 semaphore(%run_scoped3A : memref<!tpu.dma_semaphore, #tpu.memory_space<semaphore_mem>>) src(%arg5 : memref<125x128xf32, #tpu.memory_space<hbm>>) dst(%dma_wait3A_30 : memref<125x128xf32, #tpu.memory_space<vmem_shared>>)
      tpu.yield
    }) : () -> ()
    %mul3A_9 = arith.constant 625 : i32
    %mul3A_10 = arith.muli %arg1, %mul3A_9 : i32
    %add3A_11 = arith.constant 250 : i32
    %add3A_12 = arith.addi %mul3A_10, %add3A_11 : i32
    "tpu.region"() ({
      %run_scoped3A = tpu.sem_alloc : memref<!tpu.dma_semaphore, #tpu.memory_space<semaphore_mem>>
      %dma_start3A = arith.constant 0 : i32
      %dma_start3A_29 = tpu.memref_slice %arg9[%add3A_12, %dma_start3A] : memref<10000x128xf32, #tpu.memory_space<vmem_shared>> -> memref<125x128xf32, #tpu.memory_space<vmem_shared>>
      tpu.enqueue_dma source(%arg5 : memref<125x128xf32, #tpu.memory_space<hbm>>) target(%dma_start3A_29 : memref<125x128xf32, #tpu.memory_space<vmem_shared>>) target_semaphore(%run_scoped3A : memref<!tpu.dma_semaphore, #tpu.memory_space<semaphore_mem>>)
      %dma_wait3A = arith.constant 0 : i32
      %dma_wait3A_30 = tpu.memref_slice %arg9[%add3A_12, %dma_wait3A] : memref<10000x128xf32, #tpu.memory_space<vmem_shared>> -> memref<125x128xf32, #tpu.memory_space<vmem_shared>>
      tpu.wait_dma2 semaphore(%run_scoped3A : memref<!tpu.dma_semaphore, #tpu.memory_space<semaphore_mem>>) src(%arg5 : memref<125x128xf32, #tpu.memory_space<hbm>>) dst(%dma_wait3A_30 : memref<125x128xf32, #tpu.memory_space<vmem_shared>>)
      tpu.yield
    }) : () -> ()
    %mul3A_13 = arith.constant 625 : i32
    %mul3A_14 = arith.muli %arg1, %mul3A_13 : i32
    %add3A_15 = arith.constant 375 : i32
    %add3A_16 = arith.addi %mul3A_14, %add3A_15 : i32
    "tpu.region"() ({
      %run_scoped3A = tpu.sem_alloc : memref<!tpu.dma_semaphore, #tpu.memory_space<semaphore_mem>>
      %dma_start3A = arith.constant 0 : i32
      %dma_start3A_29 = tpu.memref_slice %arg9[%add3A_16, %dma_start3A] : memref<10000x128xf32, #tpu.memory_space<vmem_shared>> -> memref<125x128xf32, #tpu.memory_space<vmem_shared>>
      tpu.enqueue_dma source(%arg5 : memref<125x128xf32, #tpu.memory_space<hbm>>) target(%dma_start3A_29 : memref<125x128xf32, #tpu.memory_space<vmem_shared>>) target_semaphore(%run_scoped3A : memref<!tpu.dma_semaphore, #tpu.memory_space<semaphore_mem>>)
      %dma_wait3A = arith.constant 0 : i32
      %dma_wait3A_30 = tpu.memref_slice %arg9[%add3A_16, %dma_wait3A] : memref<10000x128xf32, #tpu.memory_space<vmem_shared>> -> memref<125x128xf32, #tpu.memory_space<vmem_shared>>
      tpu.wait_dma2 semaphore(%run_scoped3A : memref<!tpu.dma_semaphore, #tpu.memory_space<semaphore_mem>>) src(%arg5 : memref<125x128xf32, #tpu.memory_space<hbm>>) dst(%dma_wait3A_30 : memref<125x128xf32, #tpu.memory_space<vmem_shared>>)
      tpu.yield
    }) : () -> ()
    %mul3A_17 = arith.constant 625 : i32
    %mul3A_18 = arith.muli %arg1, %mul3A_17 : i32
    %add3A_19 = arith.constant 500 : i32
    %add3A_20 = arith.addi %mul3A_18, %add3A_19 : i32
    "tpu.region"() ({
      %run_scoped3A = tpu.sem_alloc : memref<!tpu.dma_semaphore, #tpu.memory_space<semaphore_mem>>
      %dma_start3A = arith.constant 0 : i32
      %dma_start3A_29 = tpu.memref_slice %arg9[%add3A_20, %dma_start3A] : memref<10000x128xf32, #tpu.memory_space<vmem_shared>> -> memref<125x128xf32, #tpu.memory_space<vmem_shared>>
      tpu.enqueue_dma source(%arg5 : memref<125x128xf32, #tpu.memory_space<hbm>>) target(%dma_start3A_29 : memref<125x128xf32, #tpu.memory_space<vmem_shared>>) target_semaphore(%run_scoped3A : memref<!tpu.dma_semaphore, #tpu.memory_space<semaphore_mem>>)
      %dma_wait3A = arith.constant 0 : i32
      %dma_wait3A_30 = tpu.memref_slice %arg9[%add3A_20, %dma_wait3A] : memref<10000x128xf32, #tpu.memory_space<vmem_shared>> -> memref<125x128xf32, #tpu.memory_space<vmem_shared>>
      tpu.wait_dma2 semaphore(%run_scoped3A : memref<!tpu.dma_semaphore, #tpu.memory_space<semaphore_mem>>) src(%arg5 : memref<125x128xf32, #tpu.memory_space<hbm>>) dst(%dma_wait3A_30 : memref<125x128xf32, #tpu.memory_space<vmem_shared>>)
      tpu.yield
    }) : () -> ()
    %barrier3A = arith.constant 0 : index
    tpu.barrier barrier_id(%barrier3A)
    %scan3A = arith.constant 0 : i32
    %scan3A_21 = arith.constant 0 : i32
    %scan3A_22 = arith.constant 50 : i32
    %scan3A_23 = arith.addi %scan3A_21, %scan3A_22 : i32
    %scan3A_24 = arith.constant 1 : i32
    scf.for %scan3A_29 = %scan3A_21 to %scan3A_23 step %scan3A_24  : i32 {
      %mul3A_30 = arith.constant 5 : i32
      %mul3A_31 = arith.muli %scan3A_29, %mul3A_30 : i32
      %add3A_32 = arith.constant 0 : i32
      %add3A_33 = arith.addi %mul3A_31, %add3A_32 : i32
      %dma_start3A = arith.constant 0 : i32
      %dma_start3A_34 = arith.constant 0 : i32
      %dma_start3A_35 = arith.constant 0 : i32
      %dma_start3A_36 = tpu.memref_slice %arg7[%dma_start3A, %dma_start3A_34, %dma_start3A_35] : memref<5x2x40xi32, #tpu.memory_space<vmem>> -> memref<1x1x40xi32, #tpu.memory_space<vmem>>
      %dma_start3A_37 = tpu.memref_squeeze %dma_start3A_36 : memref<1x1x40xi32, #tpu.memory_space<vmem>> -> memref<40xi32, #tpu.memory_space<vmem>>
      %dma_start3A_38 = arith.constant 0 : i32
      %dma_start3A_39 = tpu.memref_slice %arg3[%add3A, %add3A_33, %dma_start3A_38] : memref<32x250x40xi32, #tpu.memory_space<hbm>> -> memref<1x1x40xi32, #tpu.memory_space<hbm>>
      %dma_start3A_40 = tpu.memref_squeeze %dma_start3A_39 : memref<1x1x40xi32, #tpu.memory_space<hbm>> -> memref<40xi32, #tpu.memory_space<hbm>>
      %dma_start3A_41 = arith.constant 0 : i32
      %dma_start3A_42 = tpu.memref_slice %arg7[%dma_start3A, %dma_start3A_34, %dma_start3A_41] : memref<5x2x40xi32, #tpu.memory_space<vmem>> -> memref<1x1x40xi32, #tpu.memory_space<vmem>>
      %dma_start3A_43 = tpu.memref_squeeze %dma_start3A_42 : memref<1x1x40xi32, #tpu.memory_space<vmem>> -> memref<40xi32, #tpu.memory_space<vmem>>
      %dma_start3A_44 = arith.constant 0 : i32
      %dma_start3A_45 = tpu.memref_slice %arg3[%add3A, %add3A_33, %dma_start3A_44] : memref<32x250x40xi32, #tpu.memory_space<hbm>> -> memref<1x1x40xi32, #tpu.memory_space<hbm>>
      %dma_start3A_46 = tpu.memref_squeeze %dma_start3A_45 : memref<1x1x40xi32, #tpu.memory_space<hbm>> -> memref<40xi32, #tpu.memory_space<hbm>>
      tpu.enqueue_dma source(%dma_start3A_46 : memref<40xi32, #tpu.memory_space<hbm>>) target(%dma_start3A_43 : memref<40xi32, #tpu.memory_space<vmem>>) target_semaphore(%arg15 : memref<!tpu.dma_semaphore, #tpu.memory_space<semaphore_mem>>)
      %dma_start3A_47 = arith.constant 0 : i32
      %dma_start3A_48 = arith.constant 1 : i32
      %dma_start3A_49 = arith.constant 0 : i32
      %dma_start3A_50 = tpu.memref_slice %arg7[%dma_start3A_47, %dma_start3A_48, %dma_start3A_49] : memref<5x2x40xi32, #tpu.memory_space<vmem>> -> memref<1x1x40xi32, #tpu.memory_space<vmem>>
      %dma_start3A_51 = tpu.memref_squeeze %dma_start3A_50 : memref<1x1x40xi32, #tpu.memory_space<vmem>> -> memref<40xi32, #tpu.memory_space<vmem>>
      %dma_start3A_52 = arith.constant 0 : i32
      %dma_start3A_53 = tpu.memref_slice %arg4[%add3A, %add3A_33, %dma_start3A_52] : memref<32x250x40xi32, #tpu.memory_space<hbm>> -> memref<1x1x40xi32, #tpu.memory_space<hbm>>
      %dma_start3A_54 = tpu.memref_squeeze %dma_start3A_53 : memref<1x1x40xi32, #tpu.memory_space<hbm>> -> memref<40xi32, #tpu.memory_space<hbm>>
      %dma_start3A_55 = arith.constant 0 : i32
      %dma_start3A_56 = tpu.memref_slice %arg7[%dma_start3A_47, %dma_start3A_48, %dma_start3A_55] : memref<5x2x40xi32, #tpu.memory_space<vmem>> -> memref<1x1x40xi32, #tpu.memory_space<vmem>>
      %dma_start3A_57 = tpu.memref_squeeze %dma_start3A_56 : memref<1x1x40xi32, #tpu.memory_space<vmem>> -> memref<40xi32, #tpu.memory_space<vmem>>
      %dma_start3A_58 = arith.constant 0 : i32
      %dma_start3A_59 = tpu.memref_slice %arg4[%add3A, %add3A_33, %dma_start3A_58] : memref<32x250x40xi32, #tpu.memory_space<hbm>> -> memref<1x1x40xi32, #tpu.memory_space<hbm>>
      %dma_start3A_60 = tpu.memref_squeeze %dma_start3A_59 : memref<1x1x40xi32, #tpu.memory_space<hbm>> -> memref<40xi32, #tpu.memory_space<hbm>>
      tpu.enqueue_dma source(%dma_start3A_60 : memref<40xi32, #tpu.memory_space<hbm>>) target(%dma_start3A_57 : memref<40xi32, #tpu.memory_space<vmem>>) target_semaphore(%arg20 : memref<!tpu.dma_semaphore, #tpu.memory_space<semaphore_mem>>)
      %mul3A_61 = arith.constant 5 : i32
      %mul3A_62 = arith.muli %scan3A_29, %mul3A_61 : i32
      %add3A_63 = arith.constant 1 : i32
      %add3A_64 = arith.addi %mul3A_62, %add3A_63 : i32
      %dma_start3A_65 = arith.constant 1 : i32
      %dma_start3A_66 = arith.constant 0 : i32
      %dma_start3A_67 = arith.constant 0 : i32
      %dma_start3A_68 = tpu.memref_slice %arg7[%dma_start3A_65, %dma_start3A_66, %dma_start3A_67] : memref<5x2x40xi32, #tpu.memory_space<vmem>> -> memref<1x1x40xi32, #tpu.memory_space<vmem>>
      %dma_start3A_69 = tpu.memref_squeeze %dma_start3A_68 : memref<1x1x40xi32, #tpu.memory_space<vmem>> -> memref<40xi32, #tpu.memory_space<vmem>>
      %dma_start3A_70 = arith.constant 0 : i32
      %dma_start3A_71 = tpu.memref_slice %arg3[%add3A, %add3A_64, %dma_start3A_70] : memref<32x250x40xi32, #tpu.memory_space<hbm>> -> memref<1x1x40xi32, #tpu.memory_space<hbm>>
      %dma_start3A_72 = tpu.memref_squeeze %dma_start3A_71 : memref<1x1x40xi32, #tpu.memory_space<hbm>> -> memref<40xi32, #tpu.memory_space<hbm>>
      %dma_start3A_73 = arith.constant 0 : i32
      %dma_start3A_74 = tpu.memref_slice %arg7[%dma_start3A_65, %dma_start3A_66, %dma_start3A_73] : memref<5x2x40xi32, #tpu.memory_space<vmem>> -> memref<1x1x40xi32, #tpu.memory_space<vmem>>
      %dma_start3A_75 = tpu.memref_squeeze %dma_start3A_74 : memref<1x1x40xi32, #tpu.memory_space<vmem>> -> memref<40xi32, #tpu.memory_space<vmem>>
      %dma_start3A_76 = arith.constant 0 : i32
      %dma_start3A_77 = tpu.memref_slice %arg3[%add3A, %add3A_64, %dma_start3A_76] : memref<32x250x40xi32, #tpu.memory_space<hbm>> -> memref<1x1x40xi32, #tpu.memory_space<hbm>>
      %dma_start3A_78 = tpu.memref_squeeze %dma_start3A_77 : memref<1x1x40xi32, #tpu.memory_space<hbm>> -> memref<40xi32, #tpu.memory_space<hbm>>
      tpu.enqueue_dma source(%dma_start3A_78 : memref<40xi32, #tpu.memory_space<hbm>>) target(%dma_start3A_75 : memref<40xi32, #tpu.memory_space<vmem>>) target_semaphore(%arg16 : memref<!tpu.dma_semaphore, #tpu.memory_space<semaphore_mem>>)
      %dma_start3A_79 = arith.constant 1 : i32
      %dma_start3A_80 = arith.constant 1 : i32
      %dma_start3A_81 = arith.constant 0 : i32
      %dma_start3A_82 = tpu.memref_slice %arg7[%dma_start3A_79, %dma_start3A_80, %dma_start3A_81] : memref<5x2x40xi32, #tpu.memory_space<vmem>> -> memref<1x1x40xi32, #tpu.memory_space<vmem>>
      %dma_start3A_83 = tpu.memref_squeeze %dma_start3A_82 : memref<1x1x40xi32, #tpu.memory_space<vmem>> -> memref<40xi32, #tpu.memory_space<vmem>>
      %dma_start3A_84 = arith.constant 0 : i32
      %dma_start3A_85 = tpu.memref_slice %arg4[%add3A, %add3A_64, %dma_start3A_84] : memref<32x250x40xi32, #tpu.memory_space<hbm>> -> memref<1x1x40xi32, #tpu.memory_space<hbm>>
      %dma_start3A_86 = tpu.memref_squeeze %dma_start3A_85 : memref<1x1x40xi32, #tpu.memory_space<hbm>> -> memref<40xi32, #tpu.memory_space<hbm>>
      %dma_start3A_87 = arith.constant 0 : i32
      %dma_start3A_88 = tpu.memref_slice %arg7[%dma_start3A_79, %dma_start3A_80, %dma_start3A_87] : memref<5x2x40xi32, #tpu.memory_space<vmem>> -> memref<1x1x40xi32, #tpu.memory_space<vmem>>
      %dma_start3A_89 = tpu.memref_squeeze %dma_start3A_88 : memref<1x1x40xi32, #tpu.memory_space<vmem>> -> memref<40xi32, #tpu.memory_space<vmem>>
      %dma_start3A_90 = arith.constant 0 : i32
      %dma_start3A_91 = tpu.memref_slice %arg4[%add3A, %add3A_64, %dma_start3A_90] : memref<32x250x40xi32, #tpu.memory_space<hbm>> -> memref<1x1x40xi32, #tpu.memory_space<hbm>>
      %dma_start3A_92 = tpu.memref_squeeze %dma_start3A_91 : memref<1x1x40xi32, #tpu.memory_space<hbm>> -> memref<40xi32, #tpu.memory_space<hbm>>
      tpu.enqueue_dma source(%dma_start3A_92 : memref<40xi32, #tpu.memory_space<hbm>>) target(%dma_start3A_89 : memref<40xi32, #tpu.memory_space<vmem>>) target_semaphore(%arg21 : memref<!tpu.dma_semaphore, #tpu.memory_space<semaphore_mem>>)
      %mul3A_93 = arith.constant 5 : i32
      %mul3A_94 = arith.muli %scan3A_29, %mul3A_93 : i32
      %add3A_95 = arith.constant 2 : i32
      %add3A_96 = arith.addi %mul3A_94, %add3A_95 : i32
      %dma_start3A_97 = arith.constant 2 : i32
      %dma_start3A_98 = arith.constant 0 : i32
      %dma_start3A_99 = arith.constant 0 : i32
      %dma_start3A_100 = tpu.memref_slice %arg7[%dma_start3A_97, %dma_start3A_98, %dma_start3A_99] : memref<5x2x40xi32, #tpu.memory_space<vmem>> -> memref<1x1x40xi32, #tpu.memory_space<vmem>>
      %dma_start3A_101 = tpu.memref_squeeze %dma_start3A_100 : memref<1x1x40xi32, #tpu.memory_space<vmem>> -> memref<40xi32, #tpu.memory_space<vmem>>
      %dma_start3A_102 = arith.constant 0 : i32
      %dma_start3A_103 = tpu.memref_slice %arg3[%add3A, %add3A_96, %dma_start3A_102] : memref<32x250x40xi32, #tpu.memory_space<hbm>> -> memref<1x1x40xi32, #tpu.memory_space<hbm>>
      %dma_start3A_104 = tpu.memref_squeeze %dma_start3A_103 : memref<1x1x40xi32, #tpu.memory_space<hbm>> -> memref<40xi32, #tpu.memory_space<hbm>>
      %dma_start3A_105 = arith.constant 0 : i32
      %dma_start3A_106 = tpu.memref_slice %arg7[%dma_start3A_97, %dma_start3A_98, %dma_start3A_105] : memref<5x2x40xi32, #tpu.memory_space<vmem>> -> memref<1x1x40xi32, #tpu.memory_space<vmem>>
      %dma_start3A_107 = tpu.memref_squeeze %dma_start3A_106 : memref<1x1x40xi32, #tpu.memory_space<vmem>> -> memref<40xi32, #tpu.memory_space<vmem>>
      %dma_start3A_108 = arith.constant 0 : i32
      %dma_start3A_109 = tpu.memref_slice %arg3[%add3A, %add3A_96, %dma_start3A_108] : memref<32x250x40xi32, #tpu.memory_space<hbm>> -> memref<1x1x40xi32, #tpu.memory_space<hbm>>
      %dma_start3A_110 = tpu.memref_squeeze %dma_start3A_109 : memref<1x1x40xi32, #tpu.memory_space<hbm>> -> memref<40xi32, #tpu.memory_space<hbm>>
      tpu.enqueue_dma source(%dma_start3A_110 : memref<40xi32, #tpu.memory_space<hbm>>) target(%dma_start3A_107 : memref<40xi32, #tpu.memory_space<vmem>>) target_semaphore(%arg17 : memref<!tpu.dma_semaphore, #tpu.memory_space<semaphore_mem>>)
      %dma_start3A_111 = arith.constant 2 : i32
      %dma_start3A_112 = arith.constant 1 : i32
      %dma_start3A_113 = arith.constant 0 : i32
      %dma_start3A_114 = tpu.memref_slice %arg7[%dma_start3A_111, %dma_start3A_112, %dma_start3A_113] : memref<5x2x40xi32, #tpu.memory_space<vmem>> -> memref<1x1x40xi32, #tpu.memory_space<vmem>>
      %dma_start3A_115 = tpu.memref_squeeze %dma_start3A_114 : memref<1x1x40xi32, #tpu.memory_space<vmem>> -> memref<40xi32, #tpu.memory_space<vmem>>
      %dma_start3A_116 = arith.constant 0 : i32
      %dma_start3A_117 = tpu.memref_slice %arg4[%add3A, %add3A_96, %dma_start3A_116] : memref<32x250x40xi32, #tpu.memory_space<hbm>> -> memref<1x1x40xi32, #tpu.memory_space<hbm>>
      %dma_start3A_118 = tpu.memref_squeeze %dma_start3A_117 : memref<1x1x40xi32, #tpu.memory_space<hbm>> -> memref<40xi32, #tpu.memory_space<hbm>>
      %dma_start3A_119 = arith.constant 0 : i32
      %dma_start3A_120 = tpu.memref_slice %arg7[%dma_start3A_111, %dma_start3A_112, %dma_start3A_119] : memref<5x2x40xi32, #tpu.memory_space<vmem>> -> memref<1x1x40xi32, #tpu.memory_space<vmem>>
      %dma_start3A_121 = tpu.memref_squeeze %dma_start3A_120 : memref<1x1x40xi32, #tpu.memory_space<vmem>> -> memref<40xi32, #tpu.memory_space<vmem>>
      %dma_start3A_122 = arith.constant 0 : i32
      %dma_start3A_123 = tpu.memref_slice %arg4[%add3A, %add3A_96, %dma_start3A_122] : memref<32x250x40xi32, #tpu.memory_space<hbm>> -> memref<1x1x40xi32, #tpu.memory_space<hbm>>
      %dma_start3A_124 = tpu.memref_squeeze %dma_start3A_123 : memref<1x1x40xi32, #tpu.memory_space<hbm>> -> memref<40xi32, #tpu.memory_space<hbm>>
      tpu.enqueue_dma source(%dma_start3A_124 : memref<40xi32, #tpu.memory_space<hbm>>) target(%dma_start3A_121 : memref<40xi32, #tpu.memory_space<vmem>>) target_semaphore(%arg22 : memref<!tpu.dma_semaphore, #tpu.memory_space<semaphore_mem>>)
      %mul3A_125 = arith.constant 5 : i32
      %mul3A_126 = arith.muli %scan3A_29, %mul3A_125 : i32
      %add3A_127 = arith.constant 3 : i32
      %add3A_128 = arith.addi %mul3A_126, %add3A_127 : i32
      %dma_start3A_129 = arith.constant 3 : i32
      %dma_start3A_130 = arith.constant 0 : i32
      %dma_start3A_131 = arith.constant 0 : i32
      %dma_start3A_132 = tpu.memref_slice %arg7[%dma_start3A_129, %dma_start3A_130, %dma_start3A_131] : memref<5x2x40xi32, #tpu.memory_space<vmem>> -> memref<1x1x40xi32, #tpu.memory_space<vmem>>
      %dma_start3A_133 = tpu.memref_squeeze %dma_start3A_132 : memref<1x1x40xi32, #tpu.memory_space<vmem>> -> memref<40xi32, #tpu.memory_space<vmem>>
      %dma_start3A_134 = arith.constant 0 : i32
      %dma_start3A_135 = tpu.memref_slice %arg3[%add3A, %add3A_128, %dma_start3A_134] : memref<32x250x40xi32, #tpu.memory_space<hbm>> -> memref<1x1x40xi32, #tpu.memory_space<hbm>>
      %dma_start3A_136 = tpu.memref_squeeze %dma_start3A_135 : memref<1x1x40xi32, #tpu.memory_space<hbm>> -> memref<40xi32, #tpu.memory_space<hbm>>
      %dma_start3A_137 = arith.constant 0 : i32
      %dma_start3A_138 = tpu.memref_slice %arg7[%dma_start3A_129, %dma_start3A_130, %dma_start3A_137] : memref<5x2x40xi32, #tpu.memory_space<vmem>> -> memref<1x1x40xi32, #tpu.memory_space<vmem>>
      %dma_start3A_139 = tpu.memref_squeeze %dma_start3A_138 : memref<1x1x40xi32, #tpu.memory_space<vmem>> -> memref<40xi32, #tpu.memory_space<vmem>>
      %dma_start3A_140 = arith.constant 0 : i32
      %dma_start3A_141 = tpu.memref_slice %arg3[%add3A, %add3A_128, %dma_start3A_140] : memref<32x250x40xi32, #tpu.memory_space<hbm>> -> memref<1x1x40xi32, #tpu.memory_space<hbm>>
      %dma_start3A_142 = tpu.memref_squeeze %dma_start3A_141 : memref<1x1x40xi32, #tpu.memory_space<hbm>> -> memref<40xi32, #tpu.memory_space<hbm>>
      tpu.enqueue_dma source(%dma_start3A_142 : memref<40xi32, #tpu.memory_space<hbm>>) target(%dma_start3A_139 : memref<40xi32, #tpu.memory_space<vmem>>) target_semaphore(%arg18 : memref<!tpu.dma_semaphore, #tpu.memory_space<semaphore_mem>>)
      %dma_start3A_143 = arith.constant 3 : i32
      %dma_start3A_144 = arith.constant 1 : i32
      %dma_start3A_145 = arith.constant 0 : i32
      %dma_start3A_146 = tpu.memref_slice %arg7[%dma_start3A_143, %dma_start3A_144, %dma_start3A_145] : memref<5x2x40xi32, #tpu.memory_space<vmem>> -> memref<1x1x40xi32, #tpu.memory_space<vmem>>
      %dma_start3A_147 = tpu.memref_squeeze %dma_start3A_146 : memref<1x1x40xi32, #tpu.memory_space<vmem>> -> memref<40xi32, #tpu.memory_space<vmem>>
      %dma_start3A_148 = arith.constant 0 : i32
      %dma_start3A_149 = tpu.memref_slice %arg4[%add3A, %add3A_128, %dma_start3A_148] : memref<32x250x40xi32, #tpu.memory_space<hbm>> -> memref<1x1x40xi32, #tpu.memory_space<hbm>>
      %dma_start3A_150 = tpu.memref_squeeze %dma_start3A_149 : memref<1x1x40xi32, #tpu.memory_space<hbm>> -> memref<40xi32, #tpu.memory_space<hbm>>
      %dma_start3A_151 = arith.constant 0 : i32
      %dma_start3A_152 = tpu.memref_slice %arg7[%dma_start3A_143, %dma_start3A_144, %dma_start3A_151] : memref<5x2x40xi32, #tpu.memory_space<vmem>> -> memref<1x1x40xi32, #tpu.memory_space<vmem>>
      %dma_start3A_153 = tpu.memref_squeeze %dma_start3A_152 : memref<1x1x40xi32, #tpu.memory_space<vmem>> -> memref<40xi32, #tpu.memory_space<vmem>>
      %dma_start3A_154 = arith.constant 0 : i32
      %dma_start3A_155 = tpu.memref_slice %arg4[%add3A, %add3A_128, %dma_start3A_154] : memref<32x250x40xi32, #tpu.memory_space<hbm>> -> memref<1x1x40xi32, #tpu.memory_space<hbm>>
      %dma_start3A_156 = tpu.memref_squeeze %dma_start3A_155 : memref<1x1x40xi32, #tpu.memory_space<hbm>> -> memref<40xi32, #tpu.memory_space<hbm>>
      tpu.enqueue_dma source(%dma_start3A_156 : memref<40xi32, #tpu.memory_space<hbm>>) target(%dma_start3A_153 : memref<40xi32, #tpu.memory_space<vmem>>) target_semaphore(%arg23 : memref<!tpu.dma_semaphore, #tpu.memory_space<semaphore_mem>>)
      %mul3A_157 = arith.constant 5 : i32
      %mul3A_158 = arith.muli %scan3A_29, %mul3A_157 : i32
      %add3A_159 = arith.constant 4 : i32
      %add3A_160 = arith.addi %mul3A_158, %add3A_159 : i32
      %dma_start3A_161 = arith.constant 4 : i32
      %dma_start3A_162 = arith.constant 0 : i32
      %dma_start3A_163 = arith.constant 0 : i32
      %dma_start3A_164 = tpu.memref_slice %arg7[%dma_start3A_161, %dma_start3A_162, %dma_start3A_163] : memref<5x2x40xi32, #tpu.memory_space<vmem>> -> memref<1x1x40xi32, #tpu.memory_space<vmem>>
      %dma_start3A_165 = tpu.memref_squeeze %dma_start3A_164 : memref<1x1x40xi32, #tpu.memory_space<vmem>> -> memref<40xi32, #tpu.memory_space<vmem>>
      %dma_start3A_166 = arith.constant 0 : i32
      %dma_start3A_167 = tpu.memref_slice %arg3[%add3A, %add3A_160, %dma_start3A_166] : memref<32x250x40xi32, #tpu.memory_space<hbm>> -> memref<1x1x40xi32, #tpu.memory_space<hbm>>
      %dma_start3A_168 = tpu.memref_squeeze %dma_start3A_167 : memref<1x1x40xi32, #tpu.memory_space<hbm>> -> memref<40xi32, #tpu.memory_space<hbm>>
      %dma_start3A_169 = arith.constant 0 : i32
      %dma_start3A_170 = tpu.memref_slice %arg7[%dma_start3A_161, %dma_start3A_162, %dma_start3A_169] : memref<5x2x40xi32, #tpu.memory_space<vmem>> -> memref<1x1x40xi32, #tpu.memory_space<vmem>>
      %dma_start3A_171 = tpu.memref_squeeze %dma_start3A_170 : memref<1x1x40xi32, #tpu.memory_space<vmem>> -> memref<40xi32, #tpu.memory_space<vmem>>
      %dma_start3A_172 = arith.constant 0 : i32
      %dma_start3A_173 = tpu.memref_slice %arg3[%add3A, %add3A_160, %dma_start3A_172] : memref<32x250x40xi32, #tpu.memory_space<hbm>> -> memref<1x1x40xi32, #tpu.memory_space<hbm>>
      %dma_start3A_174 = tpu.memref_squeeze %dma_start3A_173 : memref<1x1x40xi32, #tpu.memory_space<hbm>> -> memref<40xi32, #tpu.memory_space<hbm>>
      tpu.enqueue_dma source(%dma_start3A_174 : memref<40xi32, #tpu.memory_space<hbm>>) target(%dma_start3A_171 : memref<40xi32, #tpu.memory_space<vmem>>) target_semaphore(%arg19 : memref<!tpu.dma_semaphore, #tpu.memory_space<semaphore_mem>>)
      %dma_start3A_175 = arith.constant 4 : i32
      %dma_start3A_176 = arith.constant 1 : i32
      %dma_start3A_177 = arith.constant 0 : i32
      %dma_start3A_178 = tpu.memref_slice %arg7[%dma_start3A_175, %dma_start3A_176, %dma_start3A_177] : memref<5x2x40xi32, #tpu.memory_space<vmem>> -> memref<1x1x40xi32, #tpu.memory_space<vmem>>
      %dma_start3A_179 = tpu.memref_squeeze %dma_start3A_178 : memref<1x1x40xi32, #tpu.memory_space<vmem>> -> memref<40xi32, #tpu.memory_space<vmem>>
      %dma_start3A_180 = arith.constant 0 : i32
      %dma_start3A_181 = tpu.memref_slice %arg4[%add3A, %add3A_160, %dma_start3A_180] : memref<32x250x40xi32, #tpu.memory_space<hbm>> -> memref<1x1x40xi32, #tpu.memory_space<hbm>>
      %dma_start3A_182 = tpu.memref_squeeze %dma_start3A_181 : memref<1x1x40xi32, #tpu.memory_space<hbm>> -> memref<40xi32, #tpu.memory_space<hbm>>
      %dma_start3A_183 = arith.constant 0 : i32
      %dma_start3A_184 = tpu.memref_slice %arg7[%dma_start3A_175, %dma_start3A_176, %dma_start3A_183] : memref<5x2x40xi32, #tpu.memory_space<vmem>> -> memref<1x1x40xi32, #tpu.memory_space<vmem>>
      %dma_start3A_185 = tpu.memref_squeeze %dma_start3A_184 : memref<1x1x40xi32, #tpu.memory_space<vmem>> -> memref<40xi32, #tpu.memory_space<vmem>>
      %dma_start3A_186 = arith.constant 0 : i32
      %dma_start3A_187 = tpu.memref_slice %arg4[%add3A, %add3A_160, %dma_start3A_186] : memref<32x250x40xi32, #tpu.memory_space<hbm>> -> memref<1x1x40xi32, #tpu.memory_space<hbm>>
      %dma_start3A_188 = tpu.memref_squeeze %dma_start3A_187 : memref<1x1x40xi32, #tpu.memory_space<hbm>> -> memref<40xi32, #tpu.memory_space<hbm>>
      tpu.enqueue_dma source(%dma_start3A_188 : memref<40xi32, #tpu.memory_space<hbm>>) target(%dma_start3A_185 : memref<40xi32, #tpu.memory_space<vmem>>) target_semaphore(%arg24 : memref<!tpu.dma_semaphore, #tpu.memory_space<semaphore_mem>>)
      %dma_wait3A = arith.constant 0 : i32
      %dma_wait3A_189 = arith.constant 0 : i32
      %dma_wait3A_190 = arith.constant 0 : i32
      %dma_wait3A_191 = tpu.memref_slice %arg7[%dma_wait3A, %dma_wait3A_189, %dma_wait3A_190] : memref<5x2x40xi32, #tpu.memory_space<vmem>> -> memref<1x1x40xi32, #tpu.memory_space<vmem>>
      %dma_wait3A_192 = tpu.memref_squeeze %dma_wait3A_191 : memref<1x1x40xi32, #tpu.memory_space<vmem>> -> memref<40xi32, #tpu.memory_space<vmem>>
      %dma_wait3A_193 = arith.constant 0 : i32
      %dma_wait3A_194 = tpu.memref_slice %arg3[%add3A, %add3A_33, %dma_wait3A_193] : memref<32x250x40xi32, #tpu.memory_space<hbm>> -> memref<1x1x40xi32, #tpu.memory_space<hbm>>
      %dma_wait3A_195 = tpu.memref_squeeze %dma_wait3A_194 : memref<1x1x40xi32, #tpu.memory_space<hbm>> -> memref<40xi32, #tpu.memory_space<hbm>>
      %dma_wait3A_196 = arith.constant 0 : i32
      %dma_wait3A_197 = tpu.memref_slice %arg7[%dma_wait3A, %dma_wait3A_189, %dma_wait3A_196] : memref<5x2x40xi32, #tpu.memory_space<vmem>> -> memref<1x1x40xi32, #tpu.memory_space<vmem>>
      %dma_wait3A_198 = tpu.memref_squeeze %dma_wait3A_197 : memref<1x1x40xi32, #tpu.memory_space<vmem>> -> memref<40xi32, #tpu.memory_space<vmem>>
      %dma_wait3A_199 = arith.constant 0 : i32
      %dma_wait3A_200 = tpu.memref_slice %arg3[%add3A, %add3A_33, %dma_wait3A_199] : memref<32x250x40xi32, #tpu.memory_space<hbm>> -> memref<1x1x40xi32, #tpu.memory_space<hbm>>
      %dma_wait3A_201 = tpu.memref_squeeze %dma_wait3A_200 : memref<1x1x40xi32, #tpu.memory_space<hbm>> -> memref<40xi32, #tpu.memory_space<hbm>>
      tpu.wait_dma2 semaphore(%arg15 : memref<!tpu.dma_semaphore, #tpu.memory_space<semaphore_mem>>) src(%dma_wait3A_201 : memref<40xi32, #tpu.memory_space<hbm>>) dst(%dma_wait3A_198 : memref<40xi32, #tpu.memory_space<vmem>>)
      %dma_start3A_202 = arith.constant 0 : i32
      %dma_start3A_203 = arith.constant 0 : i32
      %dma_start3A_204 = arith.constant 0 : i32
      %dma_start3A_205 = arith.constant 0 : i32
      %dma_start3A_206 = arith.constant 0 : i32
      %dma_start3A_207 = tpu.memref_slice %arg8[%dma_start3A_204, %dma_start3A_205, %dma_start3A_206] : memref<5x40x128xf32, #tpu.memory_space<vmem>> -> memref<1x40x128xf32, #tpu.memory_space<vmem>>
      %dma_start3A_208 = tpu.memref_squeeze %dma_start3A_207 : memref<1x40x128xf32, #tpu.memory_space<vmem>> -> memref<40x128xf32, #tpu.memory_space<vmem>>
      %dma_start3A_209 = arith.constant 0 : i32
      %dma_start3A_210 = tpu.memref_slice %arg7[%dma_start3A_202, %dma_start3A_203, %dma_start3A_209] : memref<5x2x40xi32, #tpu.memory_space<vmem>> -> memref<1x1x40xi32, #tpu.memory_space<vmem>>
      %dma_start3A_211 = tpu.memref_squeeze %dma_start3A_210 : memref<1x1x40xi32, #tpu.memory_space<vmem>> -> memref<40xi32, #tpu.memory_space<vmem>>
      %dma_start3A_212 = arith.constant 0 : i32
      %dma_start3A_213 = arith.constant 0 : i32
      %dma_start3A_214 = tpu.memref_slice %arg2[%dma_start3A_212, %dma_start3A_213] : memref<10000x128xf32, #tpu.memory_space<hbm>> -> memref<10000x128xf32, #tpu.memory_space<hbm>>
      tpu.enqueue_indirect_dma source(%dma_start3A_214 : memref<10000x128xf32, #tpu.memory_space<hbm>>) target(%dma_start3A_208 : memref<40x128xf32, #tpu.memory_space<vmem>>) offsets(%dma_start3A_211 : memref<40xi32, #tpu.memory_space<vmem>>) semaphore(%arg10 : memref<!tpu.dma_semaphore, #tpu.memory_space<semaphore_mem>>)
      %dma_wait3A_215 = arith.constant 1 : i32
      %dma_wait3A_216 = arith.constant 0 : i32
      %dma_wait3A_217 = arith.constant 0 : i32
      %dma_wait3A_218 = tpu.memref_slice %arg7[%dma_wait3A_215, %dma_wait3A_216, %dma_wait3A_217] : memref<5x2x40xi32, #tpu.memory_space<vmem>> -> memref<1x1x40xi32, #tpu.memory_space<vmem>>
      %dma_wait3A_219 = tpu.memref_squeeze %dma_wait3A_218 : memref<1x1x40xi32, #tpu.memory_space<vmem>> -> memref<40xi32, #tpu.memory_space<vmem>>
      %dma_wait3A_220 = arith.constant 0 : i32
      %dma_wait3A_221 = tpu.memref_slice %arg3[%add3A, %add3A_64, %dma_wait3A_220] : memref<32x250x40xi32, #tpu.memory_space<hbm>> -> memref<1x1x40xi32, #tpu.memory_space<hbm>>
      %dma_wait3A_222 = tpu.memref_squeeze %dma_wait3A_221 : memref<1x1x40xi32, #tpu.memory_space<hbm>> -> memref<40xi32, #tpu.memory_space<hbm>>
      %dma_wait3A_223 = arith.constant 0 : i32
      %dma_wait3A_224 = tpu.memref_slice %arg7[%dma_wait3A_215, %dma_wait3A_216, %dma_wait3A_223] : memref<5x2x40xi32, #tpu.memory_space<vmem>> -> memref<1x1x40xi32, #tpu.memory_space<vmem>>
      %dma_wait3A_225 = tpu.memref_squeeze %dma_wait3A_224 : memref<1x1x40xi32, #tpu.memory_space<vmem>> -> memref<40xi32, #tpu.memory_space<vmem>>
      %dma_wait3A_226 = arith.constant 0 : i32
      %dma_wait3A_227 = tpu.memref_slice %arg3[%add3A, %add3A_64, %dma_wait3A_226] : memref<32x250x40xi32, #tpu.memory_space<hbm>> -> memref<1x1x40xi32, #tpu.memory_space<hbm>>
      %dma_wait3A_228 = tpu.memref_squeeze %dma_wait3A_227 : memref<1x1x40xi32, #tpu.memory_space<hbm>> -> memref<40xi32, #tpu.memory_space<hbm>>
      tpu.wait_dma2 semaphore(%arg16 : memref<!tpu.dma_semaphore, #tpu.memory_space<semaphore_mem>>) src(%dma_wait3A_228 : memref<40xi32, #tpu.memory_space<hbm>>) dst(%dma_wait3A_225 : memref<40xi32, #tpu.memory_space<vmem>>)
      %dma_start3A_229 = arith.constant 1 : i32
      %dma_start3A_230 = arith.constant 0 : i32
      %dma_start3A_231 = arith.constant 1 : i32
      %dma_start3A_232 = arith.constant 0 : i32
      %dma_start3A_233 = arith.constant 0 : i32
      %dma_start3A_234 = tpu.memref_slice %arg8[%dma_start3A_231, %dma_start3A_232, %dma_start3A_233] : memref<5x40x128xf32, #tpu.memory_space<vmem>> -> memref<1x40x128xf32, #tpu.memory_space<vmem>>
      %dma_start3A_235 = tpu.memref_squeeze %dma_start3A_234 : memref<1x40x128xf32, #tpu.memory_space<vmem>> -> memref<40x128xf32, #tpu.memory_space<vmem>>
      %dma_start3A_236 = arith.constant 0 : i32
      %dma_start3A_237 = tpu.memref_slice %arg7[%dma_start3A_229, %dma_start3A_230, %dma_start3A_236] : memref<5x2x40xi32, #tpu.memory_space<vmem>> -> memref<1x1x40xi32, #tpu.memory_space<vmem>>
      %dma_start3A_238 = tpu.memref_squeeze %dma_start3A_237 : memref<1x1x40xi32, #tpu.memory_space<vmem>> -> memref<40xi32, #tpu.memory_space<vmem>>
      %dma_start3A_239 = arith.constant 0 : i32
      %dma_start3A_240 = arith.constant 0 : i32
      %dma_start3A_241 = tpu.memref_slice %arg2[%dma_start3A_239, %dma_start3A_240] : memref<10000x128xf32, #tpu.memory_space<hbm>> -> memref<10000x128xf32, #tpu.memory_space<hbm>>
      tpu.enqueue_indirect_dma source(%dma_start3A_241 : memref<10000x128xf32, #tpu.memory_space<hbm>>) target(%dma_start3A_235 : memref<40x128xf32, #tpu.memory_space<vmem>>) offsets(%dma_start3A_238 : memref<40xi32, #tpu.memory_space<vmem>>) semaphore(%arg11 : memref<!tpu.dma_semaphore, #tpu.memory_space<semaphore_mem>>)
      %dma_wait3A_242 = arith.constant 2 : i32
      %dma_wait3A_243 = arith.constant 0 : i32
      %dma_wait3A_244 = arith.constant 0 : i32
      %dma_wait3A_245 = tpu.memref_slice %arg7[%dma_wait3A_242, %dma_wait3A_243, %dma_wait3A_244] : memref<5x2x40xi32, #tpu.memory_space<vmem>> -> memref<1x1x40xi32, #tpu.memory_space<vmem>>
      %dma_wait3A_246 = tpu.memref_squeeze %dma_wait3A_245 : memref<1x1x40xi32, #tpu.memory_space<vmem>> -> memref<40xi32, #tpu.memory_space<vmem>>
      %dma_wait3A_247 = arith.constant 0 : i32
      %dma_wait3A_248 = tpu.memref_slice %arg3[%add3A, %add3A_96, %dma_wait3A_247] : memref<32x250x40xi32, #tpu.memory_space<hbm>> -> memref<1x1x40xi32, #tpu.memory_space<hbm>>
      %dma_wait3A_249 = tpu.memref_squeeze %dma_wait3A_248 : memref<1x1x40xi32, #tpu.memory_space<hbm>> -> memref<40xi32, #tpu.memory_space<hbm>>
      %dma_wait3A_250 = arith.constant 0 : i32
      %dma_wait3A_251 = tpu.memref_slice %arg7[%dma_wait3A_242, %dma_wait3A_243, %dma_wait3A_250] : memref<5x2x40xi32, #tpu.memory_space<vmem>> -> memref<1x1x40xi32, #tpu.memory_space<vmem>>
      %dma_wait3A_252 = tpu.memref_squeeze %dma_wait3A_251 : memref<1x1x40xi32, #tpu.memory_space<vmem>> -> memref<40xi32, #tpu.memory_space<vmem>>
      %dma_wait3A_253 = arith.constant 0 : i32
      %dma_wait3A_254 = tpu.memref_slice %arg3[%add3A, %add3A_96, %dma_wait3A_253] : memref<32x250x40xi32, #tpu.memory_space<hbm>> -> memref<1x1x40xi32, #tpu.memory_space<hbm>>
      %dma_wait3A_255 = tpu.memref_squeeze %dma_wait3A_254 : memref<1x1x40xi32, #tpu.memory_space<hbm>> -> memref<40xi32, #tpu.memory_space<hbm>>
      tpu.wait_dma2 semaphore(%arg17 : memref<!tpu.dma_semaphore, #tpu.memory_space<semaphore_mem>>) src(%dma_wait3A_255 : memref<40xi32, #tpu.memory_space<hbm>>) dst(%dma_wait3A_252 : memref<40xi32, #tpu.memory_space<vmem>>)
      %dma_start3A_256 = arith.constant 2 : i32
      %dma_start3A_257 = arith.constant 0 : i32
      %dma_start3A_258 = arith.constant 2 : i32
      %dma_start3A_259 = arith.constant 0 : i32
      %dma_start3A_260 = arith.constant 0 : i32
      %dma_start3A_261 = tpu.memref_slice %arg8[%dma_start3A_258, %dma_start3A_259, %dma_start3A_260] : memref<5x40x128xf32, #tpu.memory_space<vmem>> -> memref<1x40x128xf32, #tpu.memory_space<vmem>>
      %dma_start3A_262 = tpu.memref_squeeze %dma_start3A_261 : memref<1x40x128xf32, #tpu.memory_space<vmem>> -> memref<40x128xf32, #tpu.memory_space<vmem>>
      %dma_start3A_263 = arith.constant 0 : i32
      %dma_start3A_264 = tpu.memref_slice %arg7[%dma_start3A_256, %dma_start3A_257, %dma_start3A_263] : memref<5x2x40xi32, #tpu.memory_space<vmem>> -> memref<1x1x40xi32, #tpu.memory_space<vmem>>
      %dma_start3A_265 = tpu.memref_squeeze %dma_start3A_264 : memref<1x1x40xi32, #tpu.memory_space<vmem>> -> memref<40xi32, #tpu.memory_space<vmem>>
      %dma_start3A_266 = arith.constant 0 : i32
      %dma_start3A_267 = arith.constant 0 : i32
      %dma_start3A_268 = tpu.memref_slice %arg2[%dma_start3A_266, %dma_start3A_267] : memref<10000x128xf32, #tpu.memory_space<hbm>> -> memref<10000x128xf32, #tpu.memory_space<hbm>>
      tpu.enqueue_indirect_dma source(%dma_start3A_268 : memref<10000x128xf32, #tpu.memory_space<hbm>>) target(%dma_start3A_262 : memref<40x128xf32, #tpu.memory_space<vmem>>) offsets(%dma_start3A_265 : memref<40xi32, #tpu.memory_space<vmem>>) semaphore(%arg12 : memref<!tpu.dma_semaphore, #tpu.memory_space<semaphore_mem>>)
      %dma_wait3A_269 = arith.constant 3 : i32
      %dma_wait3A_270 = arith.constant 0 : i32
      %dma_wait3A_271 = arith.constant 0 : i32
      %dma_wait3A_272 = tpu.memref_slice %arg7[%dma_wait3A_269, %dma_wait3A_270, %dma_wait3A_271] : memref<5x2x40xi32, #tpu.memory_space<vmem>> -> memref<1x1x40xi32, #tpu.memory_space<vmem>>
      %dma_wait3A_273 = tpu.memref_squeeze %dma_wait3A_272 : memref<1x1x40xi32, #tpu.memory_space<vmem>> -> memref<40xi32, #tpu.memory_space<vmem>>
      %dma_wait3A_274 = arith.constant 0 : i32
      %dma_wait3A_275 = tpu.memref_slice %arg3[%add3A, %add3A_128, %dma_wait3A_274] : memref<32x250x40xi32, #tpu.memory_space<hbm>> -> memref<1x1x40xi32, #tpu.memory_space<hbm>>
      %dma_wait3A_276 = tpu.memref_squeeze %dma_wait3A_275 : memref<1x1x40xi32, #tpu.memory_space<hbm>> -> memref<40xi32, #tpu.memory_space<hbm>>
      %dma_wait3A_277 = arith.constant 0 : i32
      %dma_wait3A_278 = tpu.memref_slice %arg7[%dma_wait3A_269, %dma_wait3A_270, %dma_wait3A_277] : memref<5x2x40xi32, #tpu.memory_space<vmem>> -> memref<1x1x40xi32, #tpu.memory_space<vmem>>
      %dma_wait3A_279 = tpu.memref_squeeze %dma_wait3A_278 : memref<1x1x40xi32, #tpu.memory_space<vmem>> -> memref<40xi32, #tpu.memory_space<vmem>>
      %dma_wait3A_280 = arith.constant 0 : i32
      %dma_wait3A_281 = tpu.memref_slice %arg3[%add3A, %add3A_128, %dma_wait3A_280] : memref<32x250x40xi32, #tpu.memory_space<hbm>> -> memref<1x1x40xi32, #tpu.memory_space<hbm>>
      %dma_wait3A_282 = tpu.memref_squeeze %dma_wait3A_281 : memref<1x1x40xi32, #tpu.memory_space<hbm>> -> memref<40xi32, #tpu.memory_space<hbm>>
      tpu.wait_dma2 semaphore(%arg18 : memref<!tpu.dma_semaphore, #tpu.memory_space<semaphore_mem>>) src(%dma_wait3A_282 : memref<40xi32, #tpu.memory_space<hbm>>) dst(%dma_wait3A_279 : memref<40xi32, #tpu.memory_space<vmem>>)
      %dma_start3A_283 = arith.constant 3 : i32
      %dma_start3A_284 = arith.constant 0 : i32
      %dma_start3A_285 = arith.constant 3 : i32
      %dma_start3A_286 = arith.constant 0 : i32
      %dma_start3A_287 = arith.constant 0 : i32
      %dma_start3A_288 = tpu.memref_slice %arg8[%dma_start3A_285, %dma_start3A_286, %dma_start3A_287] : memref<5x40x128xf32, #tpu.memory_space<vmem>> -> memref<1x40x128xf32, #tpu.memory_space<vmem>>
      %dma_start3A_289 = tpu.memref_squeeze %dma_start3A_288 : memref<1x40x128xf32, #tpu.memory_space<vmem>> -> memref<40x128xf32, #tpu.memory_space<vmem>>
      %dma_start3A_290 = arith.constant 0 : i32
      %dma_start3A_291 = tpu.memref_slice %arg7[%dma_start3A_283, %dma_start3A_284, %dma_start3A_290] : memref<5x2x40xi32, #tpu.memory_space<vmem>> -> memref<1x1x40xi32, #tpu.memory_space<vmem>>
      %dma_start3A_292 = tpu.memref_squeeze %dma_start3A_291 : memref<1x1x40xi32, #tpu.memory_space<vmem>> -> memref<40xi32, #tpu.memory_space<vmem>>
      %dma_start3A_293 = arith.constant 0 : i32
      %dma_start3A_294 = arith.constant 0 : i32
      %dma_start3A_295 = tpu.memref_slice %arg2[%dma_start3A_293, %dma_start3A_294] : memref<10000x128xf32, #tpu.memory_space<hbm>> -> memref<10000x128xf32, #tpu.memory_space<hbm>>
      tpu.enqueue_indirect_dma source(%dma_start3A_295 : memref<10000x128xf32, #tpu.memory_space<hbm>>) target(%dma_start3A_289 : memref<40x128xf32, #tpu.memory_space<vmem>>) offsets(%dma_start3A_292 : memref<40xi32, #tpu.memory_space<vmem>>) semaphore(%arg13 : memref<!tpu.dma_semaphore, #tpu.memory_space<semaphore_mem>>)
      %dma_wait3A_296 = arith.constant 4 : i32
      %dma_wait3A_297 = arith.constant 0 : i32
      %dma_wait3A_298 = arith.constant 0 : i32
      %dma_wait3A_299 = tpu.memref_slice %arg7[%dma_wait3A_296, %dma_wait3A_297, %dma_wait3A_298] : memref<5x2x40xi32, #tpu.memory_space<vmem>> -> memref<1x1x40xi32, #tpu.memory_space<vmem>>
      %dma_wait3A_300 = tpu.memref_squeeze %dma_wait3A_299 : memref<1x1x40xi32, #tpu.memory_space<vmem>> -> memref<40xi32, #tpu.memory_space<vmem>>
      %dma_wait3A_301 = arith.constant 0 : i32
      %dma_wait3A_302 = tpu.memref_slice %arg3[%add3A, %add3A_160, %dma_wait3A_301] : memref<32x250x40xi32, #tpu.memory_space<hbm>> -> memref<1x1x40xi32, #tpu.memory_space<hbm>>
      %dma_wait3A_303 = tpu.memref_squeeze %dma_wait3A_302 : memref<1x1x40xi32, #tpu.memory_space<hbm>> -> memref<40xi32, #tpu.memory_space<hbm>>
      %dma_wait3A_304 = arith.constant 0 : i32
      %dma_wait3A_305 = tpu.memref_slice %arg7[%dma_wait3A_296, %dma_wait3A_297, %dma_wait3A_304] : memref<5x2x40xi32, #tpu.memory_space<vmem>> -> memref<1x1x40xi32, #tpu.memory_space<vmem>>
      %dma_wait3A_306 = tpu.memref_squeeze %dma_wait3A_305 : memref<1x1x40xi32, #tpu.memory_space<vmem>> -> memref<40xi32, #tpu.memory_space<vmem>>
      %dma_wait3A_307 = arith.constant 0 : i32
      %dma_wait3A_308 = tpu.memref_slice %arg3[%add3A, %add3A_160, %dma_wait3A_307] : memref<32x250x40xi32, #tpu.memory_space<hbm>> -> memref<1x1x40xi32, #tpu.memory_space<hbm>>
      %dma_wait3A_309 = tpu.memref_squeeze %dma_wait3A_308 : memref<1x1x40xi32, #tpu.memory_space<hbm>> -> memref<40xi32, #tpu.memory_space<hbm>>
      tpu.wait_dma2 semaphore(%arg19 : memref<!tpu.dma_semaphore, #tpu.memory_space<semaphore_mem>>) src(%dma_wait3A_309 : memref<40xi32, #tpu.memory_space<hbm>>) dst(%dma_wait3A_306 : memref<40xi32, #tpu.memory_space<vmem>>)
      %dma_start3A_310 = arith.constant 4 : i32
      %dma_start3A_311 = arith.constant 0 : i32
      %dma_start3A_312 = arith.constant 4 : i32
      %dma_start3A_313 = arith.constant 0 : i32
      %dma_start3A_314 = arith.constant 0 : i32
      %dma_start3A_315 = tpu.memref_slice %arg8[%dma_start3A_312, %dma_start3A_313, %dma_start3A_314] : memref<5x40x128xf32, #tpu.memory_space<vmem>> -> memref<1x40x128xf32, #tpu.memory_space<vmem>>
      %dma_start3A_316 = tpu.memref_squeeze %dma_start3A_315 : memref<1x40x128xf32, #tpu.memory_space<vmem>> -> memref<40x128xf32, #tpu.memory_space<vmem>>
      %dma_start3A_317 = arith.constant 0 : i32
      %dma_start3A_318 = tpu.memref_slice %arg7[%dma_start3A_310, %dma_start3A_311, %dma_start3A_317] : memref<5x2x40xi32, #tpu.memory_space<vmem>> -> memref<1x1x40xi32, #tpu.memory_space<vmem>>
      %dma_start3A_319 = tpu.memref_squeeze %dma_start3A_318 : memref<1x1x40xi32, #tpu.memory_space<vmem>> -> memref<40xi32, #tpu.memory_space<vmem>>
      %dma_start3A_320 = arith.constant 0 : i32
      %dma_start3A_321 = arith.constant 0 : i32
      %dma_start3A_322 = tpu.memref_slice %arg2[%dma_start3A_320, %dma_start3A_321] : memref<10000x128xf32, #tpu.memory_space<hbm>> -> memref<10000x128xf32, #tpu.memory_space<hbm>>
      tpu.enqueue_indirect_dma source(%dma_start3A_322 : memref<10000x128xf32, #tpu.memory_space<hbm>>) target(%dma_start3A_316 : memref<40x128xf32, #tpu.memory_space<vmem>>) offsets(%dma_start3A_319 : memref<40xi32, #tpu.memory_space<vmem>>) semaphore(%arg14 : memref<!tpu.dma_semaphore, #tpu.memory_space<semaphore_mem>>)
      %dma_wait3A_323 = arith.constant 0 : i32
      %dma_wait3A_324 = arith.constant 1 : i32
      %dma_wait3A_325 = arith.constant 0 : i32
      %dma_wait3A_326 = tpu.memref_slice %arg7[%dma_wait3A_323, %dma_wait3A_324, %dma_wait3A_325] : memref<5x2x40xi32, #tpu.memory_space<vmem>> -> memref<1x1x40xi32, #tpu.memory_space<vmem>>
      %dma_wait3A_327 = tpu.memref_squeeze %dma_wait3A_326 : memref<1x1x40xi32, #tpu.memory_space<vmem>> -> memref<40xi32, #tpu.memory_space<vmem>>
      %dma_wait3A_328 = arith.constant 0 : i32
      %dma_wait3A_329 = tpu.memref_slice %arg4[%add3A, %add3A_33, %dma_wait3A_328] : memref<32x250x40xi32, #tpu.memory_space<hbm>> -> memref<1x1x40xi32, #tpu.memory_space<hbm>>
      %dma_wait3A_330 = tpu.memref_squeeze %dma_wait3A_329 : memref<1x1x40xi32, #tpu.memory_space<hbm>> -> memref<40xi32, #tpu.memory_space<hbm>>
      %dma_wait3A_331 = arith.constant 0 : i32
      %dma_wait3A_332 = tpu.memref_slice %arg7[%dma_wait3A_323, %dma_wait3A_324, %dma_wait3A_331] : memref<5x2x40xi32, #tpu.memory_space<vmem>> -> memref<1x1x40xi32, #tpu.memory_space<vmem>>
      %dma_wait3A_333 = tpu.memref_squeeze %dma_wait3A_332 : memref<1x1x40xi32, #tpu.memory_space<vmem>> -> memref<40xi32, #tpu.memory_space<vmem>>
      %dma_wait3A_334 = arith.constant 0 : i32
      %dma_wait3A_335 = tpu.memref_slice %arg4[%add3A, %add3A_33, %dma_wait3A_334] : memref<32x250x40xi32, #tpu.memory_space<hbm>> -> memref<1x1x40xi32, #tpu.memory_space<hbm>>
      %dma_wait3A_336 = tpu.memref_squeeze %dma_wait3A_335 : memref<1x1x40xi32, #tpu.memory_space<hbm>> -> memref<40xi32, #tpu.memory_space<hbm>>
      tpu.wait_dma2 semaphore(%arg20 : memref<!tpu.dma_semaphore, #tpu.memory_space<semaphore_mem>>) src(%dma_wait3A_336 : memref<40xi32, #tpu.memory_space<hbm>>) dst(%dma_wait3A_333 : memref<40xi32, #tpu.memory_space<vmem>>)
      %dma_wait3A_337 = arith.constant 0 : i32
      %dma_wait3A_338 = arith.constant 0 : i32
      %dma_wait3A_339 = arith.constant 0 : i32
      %dma_wait3A_340 = arith.constant 0 : i32
      %dma_wait3A_341 = arith.constant 0 : i32
      %dma_wait3A_342 = tpu.memref_slice %arg8[%dma_wait3A_339, %dma_wait3A_340, %dma_wait3A_341] : memref<5x40x128xf32, #tpu.memory_space<vmem>> -> memref<1x40x128xf32, #tpu.memory_space<vmem>>
      %dma_wait3A_343 = tpu.memref_squeeze %dma_wait3A_342 : memref<1x40x128xf32, #tpu.memory_space<vmem>> -> memref<40x128xf32, #tpu.memory_space<vmem>>
      %dma_wait3A_344 = arith.constant 0 : i32
      %dma_wait3A_345 = tpu.memref_slice %arg7[%dma_wait3A_337, %dma_wait3A_338, %dma_wait3A_344] : memref<5x2x40xi32, #tpu.memory_space<vmem>> -> memref<1x1x40xi32, #tpu.memory_space<vmem>>
      %dma_wait3A_346 = tpu.memref_squeeze %dma_wait3A_345 : memref<1x1x40xi32, #tpu.memory_space<vmem>> -> memref<40xi32, #tpu.memory_space<vmem>>
      %dma_wait3A_347 = arith.constant 0 : i32
      %dma_wait3A_348 = arith.constant 0 : i32
      %dma_wait3A_349 = tpu.memref_slice %arg2[%dma_wait3A_347, %dma_wait3A_348] : memref<10000x128xf32, #tpu.memory_space<hbm>> -> memref<10000x128xf32, #tpu.memory_space<hbm>>
      tpu.wait_indirect_dma semaphore(%arg10 : memref<!tpu.dma_semaphore, #tpu.memory_space<semaphore_mem>>) src(%dma_wait3A_349 : memref<10000x128xf32, #tpu.memory_space<hbm>>) dst(%dma_wait3A_343 : memref<40x128xf32, #tpu.memory_space<vmem>>)
      %run_scoped3A = arith.constant 0 : i32
      %run_scoped3A_350 = arith.constant 0 : i32
      %run_scoped3A_351 = arith.constant 1 : i32
      "tpu.region"() ({
        %run_scoped3A_472 = tpu.sem_alloc : memref<!tpu.dma_semaphore, #tpu.memory_space<semaphore_mem>>
        %dma_start3A_473 = arith.constant 0 : i32
        %dma_start3A_474 = arith.constant 0 : i32
        %dma_start3A_475 = tpu.memref_slice %arg8[%run_scoped3A, %dma_start3A_473, %dma_start3A_474] : memref<5x40x128xf32, #tpu.memory_space<vmem>> -> memref<1x40x128xf32, #tpu.memory_space<vmem>>
        %dma_start3A_476 = tpu.memref_squeeze %dma_start3A_475 : memref<1x40x128xf32, #tpu.memory_space<vmem>> -> memref<40x128xf32, #tpu.memory_space<vmem>>
        %dma_start3A_477 = arith.constant 0 : i32
        %dma_start3A_478 = tpu.memref_slice %arg7[%run_scoped3A_350, %run_scoped3A_351, %dma_start3A_477] : memref<5x2x40xi32, #tpu.memory_space<vmem>> -> memref<1x1x40xi32, #tpu.memory_space<vmem>>
        %dma_start3A_479 = tpu.memref_squeeze %dma_start3A_478 : memref<1x1x40xi32, #tpu.memory_space<vmem>> -> memref<40xi32, #tpu.memory_space<vmem>>
        %dma_start3A_480 = arith.constant 0 : i32
        %dma_start3A_481 = arith.constant 0 : i32
        %dma_start3A_482 = tpu.memref_slice %arg9[%dma_start3A_480, %dma_start3A_481] : memref<10000x128xf32, #tpu.memory_space<vmem_shared>> -> memref<10000x128xf32, #tpu.memory_space<vmem_shared>>
        tpu.enqueue_indirect_dma source(%dma_start3A_476 : memref<40x128xf32, #tpu.memory_space<vmem>>) target(%dma_start3A_482 : memref<10000x128xf32, #tpu.memory_space<vmem_shared>>) offsets(%dma_start3A_479 : memref<40xi32, #tpu.memory_space<vmem>>) semaphore(%run_scoped3A_472 : memref<!tpu.dma_semaphore, #tpu.memory_space<semaphore_mem>>) {add = true}
        %dma_wait3A_483 = arith.constant 0 : i32
        %dma_wait3A_484 = arith.constant 0 : i32
        %dma_wait3A_485 = tpu.memref_slice %arg8[%run_scoped3A, %dma_wait3A_483, %dma_wait3A_484] : memref<5x40x128xf32, #tpu.memory_space<vmem>> -> memref<1x40x128xf32, #tpu.memory_space<vmem>>
        %dma_wait3A_486 = tpu.memref_squeeze %dma_wait3A_485 : memref<1x40x128xf32, #tpu.memory_space<vmem>> -> memref<40x128xf32, #tpu.memory_space<vmem>>
        %dma_wait3A_487 = arith.constant 0 : i32
        %dma_wait3A_488 = tpu.memref_slice %arg7[%run_scoped3A_350, %run_scoped3A_351, %dma_wait3A_487] : memref<5x2x40xi32, #tpu.memory_space<vmem>> -> memref<1x1x40xi32, #tpu.memory_space<vmem>>
        %dma_wait3A_489 = tpu.memref_squeeze %dma_wait3A_488 : memref<1x1x40xi32, #tpu.memory_space<vmem>> -> memref<40xi32, #tpu.memory_space<vmem>>
        %dma_wait3A_490 = arith.constant 0 : i32
        %dma_wait3A_491 = arith.constant 0 : i32
        %dma_wait3A_492 = tpu.memref_slice %arg9[%dma_wait3A_490, %dma_wait3A_491] : memref<10000x128xf32, #tpu.memory_space<vmem_shared>> -> memref<10000x128xf32, #tpu.memory_space<vmem_shared>>
        tpu.wait_indirect_dma semaphore(%run_scoped3A_472 : memref<!tpu.dma_semaphore, #tpu.memory_space<semaphore_mem>>) src(%dma_wait3A_486 : memref<40x128xf32, #tpu.memory_space<vmem>>) dst(%dma_wait3A_492 : memref<10000x128xf32, #tpu.memory_space<vmem_shared>>)
        tpu.yield
      }) : () -> ()
      %dma_wait3A_352 = arith.constant 1 : i32
      %dma_wait3A_353 = arith.constant 1 : i32
      %dma_wait3A_354 = arith.constant 0 : i32
      %dma_wait3A_355 = tpu.memref_slice %arg7[%dma_wait3A_352, %dma_wait3A_353, %dma_wait3A_354] : memref<5x2x40xi32, #tpu.memory_space<vmem>> -> memref<1x1x40xi32, #tpu.memory_space<vmem>>
      %dma_wait3A_356 = tpu.memref_squeeze %dma_wait3A_355 : memref<1x1x40xi32, #tpu.memory_space<vmem>> -> memref<40xi32, #tpu.memory_space<vmem>>
      %dma_wait3A_357 = arith.constant 0 : i32
      %dma_wait3A_358 = tpu.memref_slice %arg4[%add3A, %add3A_64, %dma_wait3A_357] : memref<32x250x40xi32, #tpu.memory_space<hbm>> -> memref<1x1x40xi32, #tpu.memory_space<hbm>>
      %dma_wait3A_359 = tpu.memref_squeeze %dma_wait3A_358 : memref<1x1x40xi32, #tpu.memory_space<hbm>> -> memref<40xi32, #tpu.memory_space<hbm>>
      %dma_wait3A_360 = arith.constant 0 : i32
      %dma_wait3A_361 = tpu.memref_slice %arg7[%dma_wait3A_352, %dma_wait3A_353, %dma_wait3A_360] : memref<5x2x40xi32, #tpu.memory_space<vmem>> -> memref<1x1x40xi32, #tpu.memory_space<vmem>>
      %dma_wait3A_362 = tpu.memref_squeeze %dma_wait3A_361 : memref<1x1x40xi32, #tpu.memory_space<vmem>> -> memref<40xi32, #tpu.memory_space<vmem>>
      %dma_wait3A_363 = arith.constant 0 : i32
      %dma_wait3A_364 = tpu.memref_slice %arg4[%add3A, %add3A_64, %dma_wait3A_363] : memref<32x250x40xi32, #tpu.memory_space<hbm>> -> memref<1x1x40xi32, #tpu.memory_space<hbm>>
      %dma_wait3A_365 = tpu.memref_squeeze %dma_wait3A_364 : memref<1x1x40xi32, #tpu.memory_space<hbm>> -> memref<40xi32, #tpu.memory_space<hbm>>
      tpu.wait_dma2 semaphore(%arg21 : memref<!tpu.dma_semaphore, #tpu.memory_space<semaphore_mem>>) src(%dma_wait3A_365 : memref<40xi32, #tpu.memory_space<hbm>>) dst(%dma_wait3A_362 : memref<40xi32, #tpu.memory_space<vmem>>)
      %dma_wait3A_366 = arith.constant 1 : i32
      %dma_wait3A_367 = arith.constant 0 : i32
      %dma_wait3A_368 = arith.constant 1 : i32
      %dma_wait3A_369 = arith.constant 0 : i32
      %dma_wait3A_370 = arith.constant 0 : i32
      %dma_wait3A_371 = tpu.memref_slice %arg8[%dma_wait3A_368, %dma_wait3A_369, %dma_wait3A_370] : memref<5x40x128xf32, #tpu.memory_space<vmem>> -> memref<1x40x128xf32, #tpu.memory_space<vmem>>
      %dma_wait3A_372 = tpu.memref_squeeze %dma_wait3A_371 : memref<1x40x128xf32, #tpu.memory_space<vmem>> -> memref<40x128xf32, #tpu.memory_space<vmem>>
      %dma_wait3A_373 = arith.constant 0 : i32
      %dma_wait3A_374 = tpu.memref_slice %arg7[%dma_wait3A_366, %dma_wait3A_367, %dma_wait3A_373] : memref<5x2x40xi32, #tpu.memory_space<vmem>> -> memref<1x1x40xi32, #tpu.memory_space<vmem>>
      %dma_wait3A_375 = tpu.memref_squeeze %dma_wait3A_374 : memref<1x1x40xi32, #tpu.memory_space<vmem>> -> memref<40xi32, #tpu.memory_space<vmem>>
      %dma_wait3A_376 = arith.constant 0 : i32
      %dma_wait3A_377 = arith.constant 0 : i32
      %dma_wait3A_378 = tpu.memref_slice %arg2[%dma_wait3A_376, %dma_wait3A_377] : memref<10000x128xf32, #tpu.memory_space<hbm>> -> memref<10000x128xf32, #tpu.memory_space<hbm>>
      tpu.wait_indirect_dma semaphore(%arg11 : memref<!tpu.dma_semaphore, #tpu.memory_space<semaphore_mem>>) src(%dma_wait3A_378 : memref<10000x128xf32, #tpu.memory_space<hbm>>) dst(%dma_wait3A_372 : memref<40x128xf32, #tpu.memory_space<vmem>>)
      %run_scoped3A_379 = arith.constant 1 : i32
      %run_scoped3A_380 = arith.constant 1 : i32
      %run_scoped3A_381 = arith.constant 1 : i32
      "tpu.region"() ({
        %run_scoped3A_472 = tpu.sem_alloc : memref<!tpu.dma_semaphore, #tpu.memory_space<semaphore_mem>>
        %dma_start3A_473 = arith.constant 0 : i32
        %dma_start3A_474 = arith.constant 0 : i32
        %dma_start3A_475 = tpu.memref_slice %arg8[%run_scoped3A_379, %dma_start3A_473, %dma_start3A_474] : memref<5x40x128xf32, #tpu.memory_space<vmem>> -> memref<1x40x128xf32, #tpu.memory_space<vmem>>
        %dma_start3A_476 = tpu.memref_squeeze %dma_start3A_475 : memref<1x40x128xf32, #tpu.memory_space<vmem>> -> memref<40x128xf32, #tpu.memory_space<vmem>>
        %dma_start3A_477 = arith.constant 0 : i32
        %dma_start3A_478 = tpu.memref_slice %arg7[%run_scoped3A_380, %run_scoped3A_381, %dma_start3A_477] : memref<5x2x40xi32, #tpu.memory_space<vmem>> -> memref<1x1x40xi32, #tpu.memory_space<vmem>>
        %dma_start3A_479 = tpu.memref_squeeze %dma_start3A_478 : memref<1x1x40xi32, #tpu.memory_space<vmem>> -> memref<40xi32, #tpu.memory_space<vmem>>
        %dma_start3A_480 = arith.constant 0 : i32
        %dma_start3A_481 = arith.constant 0 : i32
        %dma_start3A_482 = tpu.memref_slice %arg9[%dma_start3A_480, %dma_start3A_481] : memref<10000x128xf32, #tpu.memory_space<vmem_shared>> -> memref<10000x128xf32, #tpu.memory_space<vmem_shared>>
        tpu.enqueue_indirect_dma source(%dma_start3A_476 : memref<40x128xf32, #tpu.memory_space<vmem>>) target(%dma_start3A_482 : memref<10000x128xf32, #tpu.memory_space<vmem_shared>>) offsets(%dma_start3A_479 : memref<40xi32, #tpu.memory_space<vmem>>) semaphore(%run_scoped3A_472 : memref<!tpu.dma_semaphore, #tpu.memory_space<semaphore_mem>>) {add = true}
        %dma_wait3A_483 = arith.constant 0 : i32
        %dma_wait3A_484 = arith.constant 0 : i32
        %dma_wait3A_485 = tpu.memref_slice %arg8[%run_scoped3A_379, %dma_wait3A_483, %dma_wait3A_484] : memref<5x40x128xf32, #tpu.memory_space<vmem>> -> memref<1x40x128xf32, #tpu.memory_space<vmem>>
        %dma_wait3A_486 = tpu.memref_squeeze %dma_wait3A_485 : memref<1x40x128xf32, #tpu.memory_space<vmem>> -> memref<40x128xf32, #tpu.memory_space<vmem>>
        %dma_wait3A_487 = arith.constant 0 : i32
        %dma_wait3A_488 = tpu.memref_slice %arg7[%run_scoped3A_380, %run_scoped3A_381, %dma_wait3A_487] : memref<5x2x40xi32, #tpu.memory_space<vmem>> -> memref<1x1x40xi32, #tpu.memory_space<vmem>>
        %dma_wait3A_489 = tpu.memref_squeeze %dma_wait3A_488 : memref<1x1x40xi32, #tpu.memory_space<vmem>> -> memref<40xi32, #tpu.memory_space<vmem>>
        %dma_wait3A_490 = arith.constant 0 : i32
        %dma_wait3A_491 = arith.constant 0 : i32
        %dma_wait3A_492 = tpu.memref_slice %arg9[%dma_wait3A_490, %dma_wait3A_491] : memref<10000x128xf32, #tpu.memory_space<vmem_shared>> -> memref<10000x128xf32, #tpu.memory_space<vmem_shared>>
        tpu.wait_indirect_dma semaphore(%run_scoped3A_472 : memref<!tpu.dma_semaphore, #tpu.memory_space<semaphore_mem>>) src(%dma_wait3A_486 : memref<40x128xf32, #tpu.memory_space<vmem>>) dst(%dma_wait3A_492 : memref<10000x128xf32, #tpu.memory_space<vmem_shared>>)
        tpu.yield
      }) : () -> ()
      %dma_wait3A_382 = arith.constant 2 : i32
      %dma_wait3A_383 = arith.constant 1 : i32
      %dma_wait3A_384 = arith.constant 0 : i32
      %dma_wait3A_385 = tpu.memref_slice %arg7[%dma_wait3A_382, %dma_wait3A_383, %dma_wait3A_384] : memref<5x2x40xi32, #tpu.memory_space<vmem>> -> memref<1x1x40xi32, #tpu.memory_space<vmem>>
      %dma_wait3A_386 = tpu.memref_squeeze %dma_wait3A_385 : memref<1x1x40xi32, #tpu.memory_space<vmem>> -> memref<40xi32, #tpu.memory_space<vmem>>
      %dma_wait3A_387 = arith.constant 0 : i32
      %dma_wait3A_388 = tpu.memref_slice %arg4[%add3A, %add3A_96, %dma_wait3A_387] : memref<32x250x40xi32, #tpu.memory_space<hbm>> -> memref<1x1x40xi32, #tpu.memory_space<hbm>>
      %dma_wait3A_389 = tpu.memref_squeeze %dma_wait3A_388 : memref<1x1x40xi32, #tpu.memory_space<hbm>> -> memref<40xi32, #tpu.memory_space<hbm>>
      %dma_wait3A_390 = arith.constant 0 : i32
      %dma_wait3A_391 = tpu.memref_slice %arg7[%dma_wait3A_382, %dma_wait3A_383, %dma_wait3A_390] : memref<5x2x40xi32, #tpu.memory_space<vmem>> -> memref<1x1x40xi32, #tpu.memory_space<vmem>>
      %dma_wait3A_392 = tpu.memref_squeeze %dma_wait3A_391 : memref<1x1x40xi32, #tpu.memory_space<vmem>> -> memref<40xi32, #tpu.memory_space<vmem>>
      %dma_wait3A_393 = arith.constant 0 : i32
      %dma_wait3A_394 = tpu.memref_slice %arg4[%add3A, %add3A_96, %dma_wait3A_393] : memref<32x250x40xi32, #tpu.memory_space<hbm>> -> memref<1x1x40xi32, #tpu.memory_space<hbm>>
      %dma_wait3A_395 = tpu.memref_squeeze %dma_wait3A_394 : memref<1x1x40xi32, #tpu.memory_space<hbm>> -> memref<40xi32, #tpu.memory_space<hbm>>
      tpu.wait_dma2 semaphore(%arg22 : memref<!tpu.dma_semaphore, #tpu.memory_space<semaphore_mem>>) src(%dma_wait3A_395 : memref<40xi32, #tpu.memory_space<hbm>>) dst(%dma_wait3A_392 : memref<40xi32, #tpu.memory_space<vmem>>)
      %dma_wait3A_396 = arith.constant 2 : i32
      %dma_wait3A_397 = arith.constant 0 : i32
      %dma_wait3A_398 = arith.constant 2 : i32
      %dma_wait3A_399 = arith.constant 0 : i32
      %dma_wait3A_400 = arith.constant 0 : i32
      %dma_wait3A_401 = tpu.memref_slice %arg8[%dma_wait3A_398, %dma_wait3A_399, %dma_wait3A_400] : memref<5x40x128xf32, #tpu.memory_space<vmem>> -> memref<1x40x128xf32, #tpu.memory_space<vmem>>
      %dma_wait3A_402 = tpu.memref_squeeze %dma_wait3A_401 : memref<1x40x128xf32, #tpu.memory_space<vmem>> -> memref<40x128xf32, #tpu.memory_space<vmem>>
      %dma_wait3A_403 = arith.constant 0 : i32
      %dma_wait3A_404 = tpu.memref_slice %arg7[%dma_wait3A_396, %dma_wait3A_397, %dma_wait3A_403] : memref<5x2x40xi32, #tpu.memory_space<vmem>> -> memref<1x1x40xi32, #tpu.memory_space<vmem>>
      %dma_wait3A_405 = tpu.memref_squeeze %dma_wait3A_404 : memref<1x1x40xi32, #tpu.memory_space<vmem>> -> memref<40xi32, #tpu.memory_space<vmem>>
      %dma_wait3A_406 = arith.constant 0 : i32
      %dma_wait3A_407 = arith.constant 0 : i32
      %dma_wait3A_408 = tpu.memref_slice %arg2[%dma_wait3A_406, %dma_wait3A_407] : memref<10000x128xf32, #tpu.memory_space<hbm>> -> memref<10000x128xf32, #tpu.memory_space<hbm>>
      tpu.wait_indirect_dma semaphore(%arg12 : memref<!tpu.dma_semaphore, #tpu.memory_space<semaphore_mem>>) src(%dma_wait3A_408 : memref<10000x128xf32, #tpu.memory_space<hbm>>) dst(%dma_wait3A_402 : memref<40x128xf32, #tpu.memory_space<vmem>>)
      %run_scoped3A_409 = arith.constant 2 : i32
      %run_scoped3A_410 = arith.constant 2 : i32
      %run_scoped3A_411 = arith.constant 1 : i32
      "tpu.region"() ({
        %run_scoped3A_472 = tpu.sem_alloc : memref<!tpu.dma_semaphore, #tpu.memory_space<semaphore_mem>>
        %dma_start3A_473 = arith.constant 0 : i32
        %dma_start3A_474 = arith.constant 0 : i32
        %dma_start3A_475 = tpu.memref_slice %arg8[%run_scoped3A_409, %dma_start3A_473, %dma_start3A_474] : memref<5x40x128xf32, #tpu.memory_space<vmem>> -> memref<1x40x128xf32, #tpu.memory_space<vmem>>
        %dma_start3A_476 = tpu.memref_squeeze %dma_start3A_475 : memref<1x40x128xf32, #tpu.memory_space<vmem>> -> memref<40x128xf32, #tpu.memory_space<vmem>>
        %dma_start3A_477 = arith.constant 0 : i32
        %dma_start3A_478 = tpu.memref_slice %arg7[%run_scoped3A_410, %run_scoped3A_411, %dma_start3A_477] : memref<5x2x40xi32, #tpu.memory_space<vmem>> -> memref<1x1x40xi32, #tpu.memory_space<vmem>>
        %dma_start3A_479 = tpu.memref_squeeze %dma_start3A_478 : memref<1x1x40xi32, #tpu.memory_space<vmem>> -> memref<40xi32, #tpu.memory_space<vmem>>
        %dma_start3A_480 = arith.constant 0 : i32
        %dma_start3A_481 = arith.constant 0 : i32
        %dma_start3A_482 = tpu.memref_slice %arg9[%dma_start3A_480, %dma_start3A_481] : memref<10000x128xf32, #tpu.memory_space<vmem_shared>> -> memref<10000x128xf32, #tpu.memory_space<vmem_shared>>
        tpu.enqueue_indirect_dma source(%dma_start3A_476 : memref<40x128xf32, #tpu.memory_space<vmem>>) target(%dma_start3A_482 : memref<10000x128xf32, #tpu.memory_space<vmem_shared>>) offsets(%dma_start3A_479 : memref<40xi32, #tpu.memory_space<vmem>>) semaphore(%run_scoped3A_472 : memref<!tpu.dma_semaphore, #tpu.memory_space<semaphore_mem>>) {add = true}
        %dma_wait3A_483 = arith.constant 0 : i32
        %dma_wait3A_484 = arith.constant 0 : i32
        %dma_wait3A_485 = tpu.memref_slice %arg8[%run_scoped3A_409, %dma_wait3A_483, %dma_wait3A_484] : memref<5x40x128xf32, #tpu.memory_space<vmem>> -> memref<1x40x128xf32, #tpu.memory_space<vmem>>
        %dma_wait3A_486 = tpu.memref_squeeze %dma_wait3A_485 : memref<1x40x128xf32, #tpu.memory_space<vmem>> -> memref<40x128xf32, #tpu.memory_space<vmem>>
        %dma_wait3A_487 = arith.constant 0 : i32
        %dma_wait3A_488 = tpu.memref_slice %arg7[%run_scoped3A_410, %run_scoped3A_411, %dma_wait3A_487] : memref<5x2x40xi32, #tpu.memory_space<vmem>> -> memref<1x1x40xi32, #tpu.memory_space<vmem>>
        %dma_wait3A_489 = tpu.memref_squeeze %dma_wait3A_488 : memref<1x1x40xi32, #tpu.memory_space<vmem>> -> memref<40xi32, #tpu.memory_space<vmem>>
        %dma_wait3A_490 = arith.constant 0 : i32
        %dma_wait3A_491 = arith.constant 0 : i32
        %dma_wait3A_492 = tpu.memref_slice %arg9[%dma_wait3A_490, %dma_wait3A_491] : memref<10000x128xf32, #tpu.memory_space<vmem_shared>> -> memref<10000x128xf32, #tpu.memory_space<vmem_shared>>
        tpu.wait_indirect_dma semaphore(%run_scoped3A_472 : memref<!tpu.dma_semaphore, #tpu.memory_space<semaphore_mem>>) src(%dma_wait3A_486 : memref<40x128xf32, #tpu.memory_space<vmem>>) dst(%dma_wait3A_492 : memref<10000x128xf32, #tpu.memory_space<vmem_shared>>)
        tpu.yield
      }) : () -> ()
      %dma_wait3A_412 = arith.constant 3 : i32
      %dma_wait3A_413 = arith.constant 1 : i32
      %dma_wait3A_414 = arith.constant 0 : i32
      %dma_wait3A_415 = tpu.memref_slice %arg7[%dma_wait3A_412, %dma_wait3A_413, %dma_wait3A_414] : memref<5x2x40xi32, #tpu.memory_space<vmem>> -> memref<1x1x40xi32, #tpu.memory_space<vmem>>
      %dma_wait3A_416 = tpu.memref_squeeze %dma_wait3A_415 : memref<1x1x40xi32, #tpu.memory_space<vmem>> -> memref<40xi32, #tpu.memory_space<vmem>>
      %dma_wait3A_417 = arith.constant 0 : i32
      %dma_wait3A_418 = tpu.memref_slice %arg4[%add3A, %add3A_128, %dma_wait3A_417] : memref<32x250x40xi32, #tpu.memory_space<hbm>> -> memref<1x1x40xi32, #tpu.memory_space<hbm>>
      %dma_wait3A_419 = tpu.memref_squeeze %dma_wait3A_418 : memref<1x1x40xi32, #tpu.memory_space<hbm>> -> memref<40xi32, #tpu.memory_space<hbm>>
      %dma_wait3A_420 = arith.constant 0 : i32
      %dma_wait3A_421 = tpu.memref_slice %arg7[%dma_wait3A_412, %dma_wait3A_413, %dma_wait3A_420] : memref<5x2x40xi32, #tpu.memory_space<vmem>> -> memref<1x1x40xi32, #tpu.memory_space<vmem>>
      %dma_wait3A_422 = tpu.memref_squeeze %dma_wait3A_421 : memref<1x1x40xi32, #tpu.memory_space<vmem>> -> memref<40xi32, #tpu.memory_space<vmem>>
      %dma_wait3A_423 = arith.constant 0 : i32
      %dma_wait3A_424 = tpu.memref_slice %arg4[%add3A, %add3A_128, %dma_wait3A_423] : memref<32x250x40xi32, #tpu.memory_space<hbm>> -> memref<1x1x40xi32, #tpu.memory_space<hbm>>
      %dma_wait3A_425 = tpu.memref_squeeze %dma_wait3A_424 : memref<1x1x40xi32, #tpu.memory_space<hbm>> -> memref<40xi32, #tpu.memory_space<hbm>>
      tpu.wait_dma2 semaphore(%arg23 : memref<!tpu.dma_semaphore, #tpu.memory_space<semaphore_mem>>) src(%dma_wait3A_425 : memref<40xi32, #tpu.memory_space<hbm>>) dst(%dma_wait3A_422 : memref<40xi32, #tpu.memory_space<vmem>>)
      %dma_wait3A_426 = arith.constant 3 : i32
      %dma_wait3A_427 = arith.constant 0 : i32
      %dma_wait3A_428 = arith.constant 3 : i32
      %dma_wait3A_429 = arith.constant 0 : i32
      %dma_wait3A_430 = arith.constant 0 : i32
      %dma_wait3A_431 = tpu.memref_slice %arg8[%dma_wait3A_428, %dma_wait3A_429, %dma_wait3A_430] : memref<5x40x128xf32, #tpu.memory_space<vmem>> -> memref<1x40x128xf32, #tpu.memory_space<vmem>>
      %dma_wait3A_432 = tpu.memref_squeeze %dma_wait3A_431 : memref<1x40x128xf32, #tpu.memory_space<vmem>> -> memref<40x128xf32, #tpu.memory_space<vmem>>
      %dma_wait3A_433 = arith.constant 0 : i32
      %dma_wait3A_434 = tpu.memref_slice %arg7[%dma_wait3A_426, %dma_wait3A_427, %dma_wait3A_433] : memref<5x2x40xi32, #tpu.memory_space<vmem>> -> memref<1x1x40xi32, #tpu.memory_space<vmem>>
      %dma_wait3A_435 = tpu.memref_squeeze %dma_wait3A_434 : memref<1x1x40xi32, #tpu.memory_space<vmem>> -> memref<40xi32, #tpu.memory_space<vmem>>
      %dma_wait3A_436 = arith.constant 0 : i32
      %dma_wait3A_437 = arith.constant 0 : i32
      %dma_wait3A_438 = tpu.memref_slice %arg2[%dma_wait3A_436, %dma_wait3A_437] : memref<10000x128xf32, #tpu.memory_space<hbm>> -> memref<10000x128xf32, #tpu.memory_space<hbm>>
      tpu.wait_indirect_dma semaphore(%arg13 : memref<!tpu.dma_semaphore, #tpu.memory_space<semaphore_mem>>) src(%dma_wait3A_438 : memref<10000x128xf32, #tpu.memory_space<hbm>>) dst(%dma_wait3A_432 : memref<40x128xf32, #tpu.memory_space<vmem>>)
      %run_scoped3A_439 = arith.constant 3 : i32
      %run_scoped3A_440 = arith.constant 3 : i32
      %run_scoped3A_441 = arith.constant 1 : i32
      "tpu.region"() ({
        %run_scoped3A_472 = tpu.sem_alloc : memref<!tpu.dma_semaphore, #tpu.memory_space<semaphore_mem>>
        %dma_start3A_473 = arith.constant 0 : i32
        %dma_start3A_474 = arith.constant 0 : i32
        %dma_start3A_475 = tpu.memref_slice %arg8[%run_scoped3A_439, %dma_start3A_473, %dma_start3A_474] : memref<5x40x128xf32, #tpu.memory_space<vmem>> -> memref<1x40x128xf32, #tpu.memory_space<vmem>>
        %dma_start3A_476 = tpu.memref_squeeze %dma_start3A_475 : memref<1x40x128xf32, #tpu.memory_space<vmem>> -> memref<40x128xf32, #tpu.memory_space<vmem>>
        %dma_start3A_477 = arith.constant 0 : i32
        %dma_start3A_478 = tpu.memref_slice %arg7[%run_scoped3A_440, %run_scoped3A_441, %dma_start3A_477] : memref<5x2x40xi32, #tpu.memory_space<vmem>> -> memref<1x1x40xi32, #tpu.memory_space<vmem>>
        %dma_start3A_479 = tpu.memref_squeeze %dma_start3A_478 : memref<1x1x40xi32, #tpu.memory_space<vmem>> -> memref<40xi32, #tpu.memory_space<vmem>>
        %dma_start3A_480 = arith.constant 0 : i32
        %dma_start3A_481 = arith.constant 0 : i32
        %dma_start3A_482 = tpu.memref_slice %arg9[%dma_start3A_480, %dma_start3A_481] : memref<10000x128xf32, #tpu.memory_space<vmem_shared>> -> memref<10000x128xf32, #tpu.memory_space<vmem_shared>>
        tpu.enqueue_indirect_dma source(%dma_start3A_476 : memref<40x128xf32, #tpu.memory_space<vmem>>) target(%dma_start3A_482 : memref<10000x128xf32, #tpu.memory_space<vmem_shared>>) offsets(%dma_start3A_479 : memref<40xi32, #tpu.memory_space<vmem>>) semaphore(%run_scoped3A_472 : memref<!tpu.dma_semaphore, #tpu.memory_space<semaphore_mem>>) {add = true}
        %dma_wait3A_483 = arith.constant 0 : i32
        %dma_wait3A_484 = arith.constant 0 : i32
        %dma_wait3A_485 = tpu.memref_slice %arg8[%run_scoped3A_439, %dma_wait3A_483, %dma_wait3A_484] : memref<5x40x128xf32, #tpu.memory_space<vmem>> -> memref<1x40x128xf32, #tpu.memory_space<vmem>>
        %dma_wait3A_486 = tpu.memref_squeeze %dma_wait3A_485 : memref<1x40x128xf32, #tpu.memory_space<vmem>> -> memref<40x128xf32, #tpu.memory_space<vmem>>
        %dma_wait3A_487 = arith.constant 0 : i32
        %dma_wait3A_488 = tpu.memref_slice %arg7[%run_scoped3A_440, %run_scoped3A_441, %dma_wait3A_487] : memref<5x2x40xi32, #tpu.memory_space<vmem>> -> memref<1x1x40xi32, #tpu.memory_space<vmem>>
        %dma_wait3A_489 = tpu.memref_squeeze %dma_wait3A_488 : memref<1x1x40xi32, #tpu.memory_space<vmem>> -> memref<40xi32, #tpu.memory_space<vmem>>
        %dma_wait3A_490 = arith.constant 0 : i32
        %dma_wait3A_491 = arith.constant 0 : i32
        %dma_wait3A_492 = tpu.memref_slice %arg9[%dma_wait3A_490, %dma_wait3A_491] : memref<10000x128xf32, #tpu.memory_space<vmem_shared>> -> memref<10000x128xf32, #tpu.memory_space<vmem_shared>>
        tpu.wait_indirect_dma semaphore(%run_scoped3A_472 : memref<!tpu.dma_semaphore, #tpu.memory_space<semaphore_mem>>) src(%dma_wait3A_486 : memref<40x128xf32, #tpu.memory_space<vmem>>) dst(%dma_wait3A_492 : memref<10000x128xf32, #tpu.memory_space<vmem_shared>>)
        tpu.yield
      }) : () -> ()
      %dma_wait3A_442 = arith.constant 4 : i32
      %dma_wait3A_443 = arith.constant 1 : i32
      %dma_wait3A_444 = arith.constant 0 : i32
      %dma_wait3A_445 = tpu.memref_slice %arg7[%dma_wait3A_442, %dma_wait3A_443, %dma_wait3A_444] : memref<5x2x40xi32, #tpu.memory_space<vmem>> -> memref<1x1x40xi32, #tpu.memory_space<vmem>>
      %dma_wait3A_446 = tpu.memref_squeeze %dma_wait3A_445 : memref<1x1x40xi32, #tpu.memory_space<vmem>> -> memref<40xi32, #tpu.memory_space<vmem>>
      %dma_wait3A_447 = arith.constant 0 : i32
      %dma_wait3A_448 = tpu.memref_slice %arg4[%add3A, %add3A_160, %dma_wait3A_447] : memref<32x250x40xi32, #tpu.memory_space<hbm>> -> memref<1x1x40xi32, #tpu.memory_space<hbm>>
      %dma_wait3A_449 = tpu.memref_squeeze %dma_wait3A_448 : memref<1x1x40xi32, #tpu.memory_space<hbm>> -> memref<40xi32, #tpu.memory_space<hbm>>
      %dma_wait3A_450 = arith.constant 0 : i32
      %dma_wait3A_451 = tpu.memref_slice %arg7[%dma_wait3A_442, %dma_wait3A_443, %dma_wait3A_450] : memref<5x2x40xi32, #tpu.memory_space<vmem>> -> memref<1x1x40xi32, #tpu.memory_space<vmem>>
      %dma_wait3A_452 = tpu.memref_squeeze %dma_wait3A_451 : memref<1x1x40xi32, #tpu.memory_space<vmem>> -> memref<40xi32, #tpu.memory_space<vmem>>
      %dma_wait3A_453 = arith.constant 0 : i32
      %dma_wait3A_454 = tpu.memref_slice %arg4[%add3A, %add3A_160, %dma_wait3A_453] : memref<32x250x40xi32, #tpu.memory_space<hbm>> -> memref<1x1x40xi32, #tpu.memory_space<hbm>>
      %dma_wait3A_455 = tpu.memref_squeeze %dma_wait3A_454 : memref<1x1x40xi32, #tpu.memory_space<hbm>> -> memref<40xi32, #tpu.memory_space<hbm>>
      tpu.wait_dma2 semaphore(%arg24 : memref<!tpu.dma_semaphore, #tpu.memory_space<semaphore_mem>>) src(%dma_wait3A_455 : memref<40xi32, #tpu.memory_space<hbm>>) dst(%dma_wait3A_452 : memref<40xi32, #tpu.memory_space<vmem>>)
      %dma_wait3A_456 = arith.constant 4 : i32
      %dma_wait3A_457 = arith.constant 0 : i32
      %dma_wait3A_458 = arith.constant 4 : i32
      %dma_wait3A_459 = arith.constant 0 : i32
      %dma_wait3A_460 = arith.constant 0 : i32
      %dma_wait3A_461 = tpu.memref_slice %arg8[%dma_wait3A_458, %dma_wait3A_459, %dma_wait3A_460] : memref<5x40x128xf32, #tpu.memory_space<vmem>> -> memref<1x40x128xf32, #tpu.memory_space<vmem>>
      %dma_wait3A_462 = tpu.memref_squeeze %dma_wait3A_461 : memref<1x40x128xf32, #tpu.memory_space<vmem>> -> memref<40x128xf32, #tpu.memory_space<vmem>>
      %dma_wait3A_463 = arith.constant 0 : i32
      %dma_wait3A_464 = tpu.memref_slice %arg7[%dma_wait3A_456, %dma_wait3A_457, %dma_wait3A_463] : memref<5x2x40xi32, #tpu.memory_space<vmem>> -> memref<1x1x40xi32, #tpu.memory_space<vmem>>
      %dma_wait3A_465 = tpu.memref_squeeze %dma_wait3A_464 : memref<1x1x40xi32, #tpu.memory_space<vmem>> -> memref<40xi32, #tpu.memory_space<vmem>>
      %dma_wait3A_466 = arith.constant 0 : i32
      %dma_wait3A_467 = arith.constant 0 : i32
      %dma_wait3A_468 = tpu.memref_slice %arg2[%dma_wait3A_466, %dma_wait3A_467] : memref<10000x128xf32, #tpu.memory_space<hbm>> -> memref<10000x128xf32, #tpu.memory_space<hbm>>
      tpu.wait_indirect_dma semaphore(%arg14 : memref<!tpu.dma_semaphore, #tpu.memory_space<semaphore_mem>>) src(%dma_wait3A_468 : memref<10000x128xf32, #tpu.memory_space<hbm>>) dst(%dma_wait3A_462 : memref<40x128xf32, #tpu.memory_space<vmem>>)
      %run_scoped3A_469 = arith.constant 4 : i32
      %run_scoped3A_470 = arith.constant 4 : i32
      %run_scoped3A_471 = arith.constant 1 : i32
      "tpu.region"() ({
        %run_scoped3A_472 = tpu.sem_alloc : memref<!tpu.dma_semaphore, #tpu.memory_space<semaphore_mem>>
        %dma_start3A_473 = arith.constant 0 : i32
        %dma_start3A_474 = arith.constant 0 : i32
        %dma_start3A_475 = tpu.memref_slice %arg8[%run_scoped3A_469, %dma_start3A_473, %dma_start3A_474] : memref<5x40x128xf32, #tpu.memory_space<vmem>> -> memref<1x40x128xf32, #tpu.memory_space<vmem>>
        %dma_start3A_476 = tpu.memref_squeeze %dma_start3A_475 : memref<1x40x128xf32, #tpu.memory_space<vmem>> -> memref<40x128xf32, #tpu.memory_space<vmem>>
        %dma_start3A_477 = arith.constant 0 : i32
        %dma_start3A_478 = tpu.memref_slice %arg7[%run_scoped3A_470, %run_scoped3A_471, %dma_start3A_477] : memref<5x2x40xi32, #tpu.memory_space<vmem>> -> memref<1x1x40xi32, #tpu.memory_space<vmem>>
        %dma_start3A_479 = tpu.memref_squeeze %dma_start3A_478 : memref<1x1x40xi32, #tpu.memory_space<vmem>> -> memref<40xi32, #tpu.memory_space<vmem>>
        %dma_start3A_480 = arith.constant 0 : i32
        %dma_start3A_481 = arith.constant 0 : i32
        %dma_start3A_482 = tpu.memref_slice %arg9[%dma_start3A_480, %dma_start3A_481] : memref<10000x128xf32, #tpu.memory_space<vmem_shared>> -> memref<10000x128xf32, #tpu.memory_space<vmem_shared>>
        tpu.enqueue_indirect_dma source(%dma_start3A_476 : memref<40x128xf32, #tpu.memory_space<vmem>>) target(%dma_start3A_482 : memref<10000x128xf32, #tpu.memory_space<vmem_shared>>) offsets(%dma_start3A_479 : memref<40xi32, #tpu.memory_space<vmem>>) semaphore(%run_scoped3A_472 : memref<!tpu.dma_semaphore, #tpu.memory_space<semaphore_mem>>) {add = true}
        %dma_wait3A_483 = arith.constant 0 : i32
        %dma_wait3A_484 = arith.constant 0 : i32
        %dma_wait3A_485 = tpu.memref_slice %arg8[%run_scoped3A_469, %dma_wait3A_483, %dma_wait3A_484] : memref<5x40x128xf32, #tpu.memory_space<vmem>> -> memref<1x40x128xf32, #tpu.memory_space<vmem>>
        %dma_wait3A_486 = tpu.memref_squeeze %dma_wait3A_485 : memref<1x40x128xf32, #tpu.memory_space<vmem>> -> memref<40x128xf32, #tpu.memory_space<vmem>>
        %dma_wait3A_487 = arith.constant 0 : i32
        %dma_wait3A_488 = tpu.memref_slice %arg7[%run_scoped3A_470, %run_scoped3A_471, %dma_wait3A_487] : memref<5x2x40xi32, #tpu.memory_space<vmem>> -> memref<1x1x40xi32, #tpu.memory_space<vmem>>
        %dma_wait3A_489 = tpu.memref_squeeze %dma_wait3A_488 : memref<1x1x40xi32, #tpu.memory_space<vmem>> -> memref<40xi32, #tpu.memory_space<vmem>>
        %dma_wait3A_490 = arith.constant 0 : i32
        %dma_wait3A_491 = arith.constant 0 : i32
        %dma_wait3A_492 = tpu.memref_slice %arg9[%dma_wait3A_490, %dma_wait3A_491] : memref<10000x128xf32, #tpu.memory_space<vmem_shared>> -> memref<10000x128xf32, #tpu.memory_space<vmem_shared>>
        tpu.wait_indirect_dma semaphore(%run_scoped3A_472 : memref<!tpu.dma_semaphore, #tpu.memory_space<semaphore_mem>>) src(%dma_wait3A_486 : memref<40x128xf32, #tpu.memory_space<vmem>>) dst(%dma_wait3A_492 : memref<10000x128xf32, #tpu.memory_space<vmem_shared>>)
        tpu.yield
      }) : () -> ()
    }
    %scan3A_25 = arith.constant 50 : i32
    %barrier3A_26 = arith.constant 0 : index
    tpu.barrier barrier_id(%barrier3A_26)
    %mul3A_27 = arith.constant 625 : i32
    %mul3A_28 = arith.muli %arg1, %mul3A_27 : i32
    "tpu.region"() ({
      %run_scoped3A = tpu.sem_alloc : memref<!tpu.dma_semaphore, #tpu.memory_space<semaphore_mem>>
      %dma_start3A = arith.constant 0 : i32
      %dma_start3A_29 = arith.constant 0 : i32
      %dma_start3A_30 = tpu.memref_slice %arg6[%arg0, %arg1, %dma_start3A, %dma_start3A_29] : memref<2x16x625x128xf32, #tpu.memory_space<hbm>> -> memref<1x1x625x128xf32, #tpu.memory_space<hbm>>
      %dma_start3A_31 = tpu.memref_squeeze %dma_start3A_30 : memref<1x1x625x128xf32, #tpu.memory_space<hbm>> -> memref<625x128xf32, #tpu.memory_space<hbm>>
      %dma_start3A_32 = arith.constant 0 : i32
      %dma_start3A_33 = tpu.memref_slice %arg9[%mul3A_28, %dma_start3A_32] : memref<10000x128xf32, #tpu.memory_space<vmem_shared>> -> memref<625x128xf32, #tpu.memory_space<vmem_shared>>
      tpu.enqueue_dma source(%dma_start3A_33 : memref<625x128xf32, #tpu.memory_space<vmem_shared>>) target(%dma_start3A_31 : memref<625x128xf32, #tpu.memory_space<hbm>>) target_semaphore(%run_scoped3A : memref<!tpu.dma_semaphore, #tpu.memory_space<semaphore_mem>>)
      %dma_wait3A = arith.constant 0 : i32
      %dma_wait3A_34 = arith.constant 0 : i32
      %dma_wait3A_35 = tpu.memref_slice %arg6[%arg0, %arg1, %dma_wait3A, %dma_wait3A_34] : memref<2x16x625x128xf32, #tpu.memory_space<hbm>> -> memref<1x1x625x128xf32, #tpu.memory_space<hbm>>
      %dma_wait3A_36 = tpu.memref_squeeze %dma_wait3A_35 : memref<1x1x625x128xf32, #tpu.memory_space<hbm>> -> memref<625x128xf32, #tpu.memory_space<hbm>>
      %dma_wait3A_37 = arith.constant 0 : i32
      %dma_wait3A_38 = tpu.memref_slice %arg9[%mul3A_28, %dma_wait3A_37] : memref<10000x128xf32, #tpu.memory_space<vmem_shared>> -> memref<625x128xf32, #tpu.memory_space<vmem_shared>>
      tpu.wait_dma2 semaphore(%run_scoped3A : memref<!tpu.dma_semaphore, #tpu.memory_space<semaphore_mem>>) src(%dma_wait3A_38 : memref<625x128xf32, #tpu.memory_space<vmem_shared>>) dst(%dma_wait3A_36 : memref<625x128xf32, #tpu.memory_space<hbm>>)
      tpu.yield
    }) : () -> ()
    return
  }
}

module attributes {stable_mosaic.version = 14 : i64} {
  func.func @_mm1_body(%arg0: i32, %arg1: memref<1000x128xf32, #tpu.memory_space<vmem>>, %arg2: memref<128x128xf32, #tpu.memory_space<vmem>>, %arg3: memref<1000x1xf32, #tpu.memory_space<vmem>>, %arg4: memref<1000x128xf32, #tpu.memory_space<vmem>>) attributes {dimension_semantics = [#tpu.dimension_semantics<arbitrary>], iteration_bounds = array<i64: 10>, scalar_prefetch = 0 : i64, scratch_operands = 0 : i64, tpu.core_type = #tpu.core_type<tc>, window_params = [{transform_indices = @transform_0, window_bounds = array<i64: 1000, 128>}, {pipeline_mode = #tpu.pipeline_mode<synchronous>, transform_indices = @transform_1, window_bounds = array<i64: 128, 128>}, {transform_indices = @transform_2, window_bounds = array<i64: 1000, 1>}, {transform_indices = @transform_3, window_bounds = array<i64: 1000, 128>}]} {
    %get3A = arith.constant 0 : index
    %get3A_0 = arith.constant 0 : index
    %get3A_1 = vector.load %arg1[%get3A, %get3A_0] : memref<1000x128xf32, #tpu.memory_space<vmem>>, vector<1000x128xf32>
    %get3A_2 = arith.constant 0 : index
    %get3A_3 = arith.constant 0 : index
    %get3A_4 = vector.load %arg3[%get3A_2, %get3A_3] : memref<1000x1xf32, #tpu.memory_space<vmem>>, vector<1000x1xf32>
    %mul3A = vector.broadcast %get3A_4 : vector<1000x1xf32> to vector<1000x128xf32>
    %mul3A_5 = arith.mulf %get3A_1, %mul3A : vector<1000x128xf32>
    %get3A_6 = arith.constant 0 : index
    %get3A_7 = arith.constant 0 : index
    %get3A_8 = vector.load %arg2[%get3A_6, %get3A_7] : memref<128x128xf32, #tpu.memory_space<vmem>>, vector<128x128xf32>
    %dot_general3A = arith.constant dense<0.000000e+00> : vector<1000x128xf32>
    %dot_general3A_9 = tpu.matmul %mul3A_5, %get3A_8, %dot_general3A {dimension_numbers = #tpu.dot_dimension_numbers<[1], [0], [0], [1], [0, 0, 1, 1], [], []>, transpose_lhs_hint = false} : vector<1000x128xf32>, vector<128x128xf32>, vector<1000x128xf32> -> vector<1000x128xf32>
    %swap3A = arith.constant 0 : index
    %swap3A_10 = arith.constant 0 : index
    %swap3A_11 = vector.load %arg4[%swap3A, %swap3A_10] : memref<1000x128xf32, #tpu.memory_space<vmem>>, vector<1000x128xf32>
    tpu.vector_store %arg4[%swap3A, %swap3A_10], %dot_general3A_9 {strides = array<i32>} : memref<1000x128xf32, #tpu.memory_space<vmem>>, vector<1000x128xf32>,
    return
  }
  func.func @transform_0(%arg0: i32) -> (i32, i32) {
    %c0_i32 = arith.constant 0 : i32
    %c0_i32_0 = arith.constant 0 : i32
    return %arg0, %c0_i32 : i32, i32
  }
  func.func @transform_1(%arg0: i32) -> (i32, i32) {
    %c0_i32 = arith.constant 0 : i32
    %c0_i32_0 = arith.constant 0 : i32
    %c0_i32_1 = arith.constant 0 : i32
    return %c0_i32, %c0_i32_0 : i32, i32
  }
  func.func @transform_2(%arg0: i32) -> (i32, i32) {
    %c0_i32 = arith.constant 0 : i32
    %c0_i32_0 = arith.constant 0 : i32
    return %arg0, %c0_i32 : i32, i32
  }
  func.func @transform_3(%arg0: i32) -> (i32, i32) {
    %c0_i32 = arith.constant 0 : i32
    %c0_i32_0 = arith.constant 0 : i32
    return %arg0, %c0_i32 : i32, i32
  }
}

module attributes {stable_mosaic.version = 14 : i64} {
  func.func @_norms_body(%arg0: i32, %arg1: memref<2x16x10000xf32, #tpu.memory_space<vmem>>, %arg2: memref<2x16x10000xf32, #tpu.memory_space<vmem>>, %arg3: memref<10000x1xf32, #tpu.memory_space<vmem>>, %arg4: memref<10000x1xf32, #tpu.memory_space<vmem>>) attributes {dimension_semantics = [#tpu.dimension_semantics<arbitrary>], iteration_bounds = array<i64: 1>, scalar_prefetch = 0 : i64, scratch_operands = 0 : i64, tpu.core_type = #tpu.core_type<tc>, window_params = [{pipeline_mode = #tpu.pipeline_mode<synchronous>, transform_indices = @transform_0, window_bounds = array<i64: 2, 16, 10000>}, {pipeline_mode = #tpu.pipeline_mode<synchronous>, transform_indices = @transform_1, window_bounds = array<i64: 2, 16, 10000>}, {pipeline_mode = #tpu.pipeline_mode<synchronous>, transform_indices = @transform_2, window_bounds = array<i64: 10000, 1>}, {pipeline_mode = #tpu.pipeline_mode<synchronous>, transform_indices = @transform_3, window_bounds = array<i64: 10000, 1>}]} {
    %get3A = arith.constant 0 : index
    %get3A_0 = arith.constant 0 : index
    %get3A_1 = arith.constant 0 : index
    %get3A_2 = vector.load %arg1[%get3A, %get3A_0, %get3A_1] : memref<2x16x10000xf32, #tpu.memory_space<vmem>>, vector<2x16x10000xf32>
    %reduce_sum3A = arith.constant dense<0.000000e+00> : vector<10000xf32>
    %reduce_sum3A_3 = vector.multi_reduction <add>, %get3A_2, %reduce_sum3A [0, 1] : vector<2x16x10000xf32> to vector<10000xf32>
    %broadcast_in_dim3A = vector.shape_cast %reduce_sum3A_3 : vector<10000xf32> to vector<10000x1xf32>
    %get3A_4 = arith.constant 0 : index
    %get3A_5 = arith.constant 0 : index
    %get3A_6 = arith.constant 0 : index
    %get3A_7 = vector.load %arg2[%get3A_4, %get3A_5, %get3A_6] : memref<2x16x10000xf32, #tpu.memory_space<vmem>>, vector<2x16x10000xf32>
    %reduce_sum3A_8 = arith.constant dense<0.000000e+00> : vector<10000xf32>
    %reduce_sum3A_9 = vector.multi_reduction <add>, %get3A_7, %reduce_sum3A_8 [0, 1] : vector<2x16x10000xf32> to vector<10000xf32>
    %broadcast_in_dim3A_10 = vector.shape_cast %reduce_sum3A_9 : vector<10000xf32> to vector<10000x1xf32>
    %max3A = arith.constant 1.000000e+00 : f32
    %max3A_11 = vector.broadcast %max3A : f32 to vector<10000x1xf32>
    %max3A_12 = arith.maximumf %broadcast_in_dim3A, %max3A_11 : vector<10000x1xf32>
    %rsqrt3A = math.rsqrt %max3A_12 : vector<10000x1xf32>
    %swap3A = arith.constant 0 : index
    %swap3A_13 = arith.constant 0 : index
    %swap3A_14 = vector.load %arg3[%swap3A, %swap3A_13] : memref<10000x1xf32, #tpu.memory_space<vmem>>, vector<10000x1xf32>
    tpu.vector_store %arg3[%swap3A, %swap3A_13], %rsqrt3A {strides = array<i32>} : memref<10000x1xf32, #tpu.memory_space<vmem>>, vector<10000x1xf32>,
    %max3A_15 = arith.constant 1.000000e+00 : f32
    %max3A_16 = vector.broadcast %max3A_15 : f32 to vector<10000x1xf32>
    %max3A_17 = arith.maximumf %broadcast_in_dim3A_10, %max3A_16 : vector<10000x1xf32>
    %rsqrt3A_18 = math.rsqrt %max3A_17 : vector<10000x1xf32>
    %swap3A_19 = arith.constant 0 : index
    %swap3A_20 = arith.constant 0 : index
    %swap3A_21 = vector.load %arg4[%swap3A_19, %swap3A_20] : memref<10000x1xf32, #tpu.memory_space<vmem>>, vector<10000x1xf32>
    tpu.vector_store %arg4[%swap3A_19, %swap3A_20], %rsqrt3A_18 {strides = array<i32>} : memref<10000x1xf32, #tpu.memory_space<vmem>>, vector<10000x1xf32>,
    return
  }
  func.func @transform_0(%arg0: i32) -> (i32, i32, i32) {
    %c0_i32 = arith.constant 0 : i32
    %c0_i32_0 = arith.constant 0 : i32
    %c0_i32_1 = arith.constant 0 : i32
    %c0_i32_2 = arith.constant 0 : i32
    return %c0_i32, %c0_i32_0, %c0_i32_1 : i32, i32, i32
  }
  func.func @transform_1(%arg0: i32) -> (i32, i32, i32) {
    %c0_i32 = arith.constant 0 : i32
    %c0_i32_0 = arith.constant 0 : i32
    %c0_i32_1 = arith.constant 0 : i32
    %c0_i32_2 = arith.constant 0 : i32
    return %c0_i32, %c0_i32_0, %c0_i32_1 : i32, i32, i32
  }
  func.func @transform_2(%arg0: i32) -> (i32, i32) {
    %c0_i32 = arith.constant 0 : i32
    %c0_i32_0 = arith.constant 0 : i32
    %c0_i32_1 = arith.constant 0 : i32
    return %c0_i32, %c0_i32_0 : i32, i32
  }
  func.func @transform_3(%arg0: i32) -> (i32, i32) {
    %c0_i32 = arith.constant 0 : i32
    %c0_i32_0 = arith.constant 0 : i32
    %c0_i32_1 = arith.constant 0 : i32
    return %c0_i32, %c0_i32_0 : i32, i32
  }
}

module attributes {stable_mosaic.version = 14 : i64} {
  func.func @_mm2_body(%arg0: i32, %arg1: memref<2x1000x128xf32, #tpu.memory_space<vmem>>, %arg2: memref<1000x1xf32, #tpu.memory_space<vmem>>, %arg3: memref<1000x1xf32, #tpu.memory_space<vmem>>, %arg4: memref<1x128xf32, #tpu.memory_space<vmem>>, %arg5: memref<128x128xf32, #tpu.memory_space<vmem>>, %arg6: memref<1000x128xf32, #tpu.memory_space<vmem>>) attributes {dimension_semantics = [#tpu.dimension_semantics<arbitrary>], iteration_bounds = array<i64: 10>, scalar_prefetch = 0 : i64, scratch_operands = 0 : i64, tpu.core_type = #tpu.core_type<tc>, window_params = [{transform_indices = @transform_0, window_bounds = array<i64: 2, 1000, 128>}, {transform_indices = @transform_1, window_bounds = array<i64: 1000, 1>}, {transform_indices = @transform_2, window_bounds = array<i64: 1000, 1>}, {pipeline_mode = #tpu.pipeline_mode<synchronous>, transform_indices = @transform_3, window_bounds = array<i64: 1, 128>}, {pipeline_mode = #tpu.pipeline_mode<synchronous>, transform_indices = @transform_4, window_bounds = array<i64: 128, 128>}, {transform_indices = @transform_5, window_bounds = array<i64: 1000, 128>}]} {
    %get3A = arith.constant 0 : index
    %get3A_0 = arith.constant 0 : index
    %get3A_1 = arith.constant 0 : index
    %get3A_2 = vector.load %arg1[%get3A, %get3A_0, %get3A_1] : memref<2x1000x128xf32, #tpu.memory_space<vmem>>, vector<1x1000x128xf32>
    %get3A_3 = vector.shape_cast %get3A_2 : vector<1x1000x128xf32> to vector<1000x128xf32>
    %get3A_4 = arith.constant 1 : index
    %get3A_5 = arith.constant 0 : index
    %get3A_6 = arith.constant 0 : index
    %get3A_7 = vector.load %arg1[%get3A_4, %get3A_5, %get3A_6] : memref<2x1000x128xf32, #tpu.memory_space<vmem>>, vector<1x1000x128xf32>
    %get3A_8 = vector.shape_cast %get3A_7 : vector<1x1000x128xf32> to vector<1000x128xf32>
    %add3A = arith.addf %get3A_3, %get3A_8 : vector<1000x128xf32>
    %get3A_9 = arith.constant 0 : index
    %get3A_10 = arith.constant 0 : index
    %get3A_11 = vector.load %arg3[%get3A_9, %get3A_10] : memref<1000x1xf32, #tpu.memory_space<vmem>>, vector<1000x1xf32>
    %mul3A = vector.broadcast %get3A_11 : vector<1000x1xf32> to vector<1000x128xf32>
    %mul3A_12 = arith.mulf %add3A, %mul3A : vector<1000x128xf32>
    %get3A_13 = arith.constant 0 : index
    %get3A_14 = arith.constant 0 : index
    %get3A_15 = vector.load %arg4[%get3A_13, %get3A_14] : memref<1x128xf32, #tpu.memory_space<vmem>>, vector<1x128xf32>
    %add3A_16 = vector.broadcast %get3A_15 : vector<1x128xf32> to vector<1000x128xf32>
    %add3A_17 = arith.addf %mul3A_12, %add3A_16 : vector<1000x128xf32>
    %max3A = arith.constant 0.000000e+00 : f32
    %max3A_18 = vector.broadcast %max3A : f32 to vector<1000x128xf32>
    %max3A_19 = arith.maximumf %add3A_17, %max3A_18 : vector<1000x128xf32>
    %get3A_20 = arith.constant 0 : index
    %get3A_21 = arith.constant 0 : index
    %get3A_22 = vector.load %arg2[%get3A_20, %get3A_21] : memref<1000x1xf32, #tpu.memory_space<vmem>>, vector<1000x1xf32>
    %mul3A_23 = vector.broadcast %get3A_22 : vector<1000x1xf32> to vector<1000x128xf32>
    %mul3A_24 = arith.mulf %max3A_19, %mul3A_23 : vector<1000x128xf32>
    %get3A_25 = arith.constant 0 : index
    %get3A_26 = arith.constant 0 : index
    %get3A_27 = vector.load %arg5[%get3A_25, %get3A_26] : memref<128x128xf32, #tpu.memory_space<vmem>>, vector<128x128xf32>
    %dot_general3A = arith.constant dense<0.000000e+00> : vector<1000x128xf32>
    %dot_general3A_28 = tpu.matmul %mul3A_24, %get3A_27, %dot_general3A {dimension_numbers = #tpu.dot_dimension_numbers<[1], [0], [0], [1], [0, 0, 1, 1], [], []>, transpose_lhs_hint = false} : vector<1000x128xf32>, vector<128x128xf32>, vector<1000x128xf32> -> vector<1000x128xf32>
    %swap3A = arith.constant 0 : index
    %swap3A_29 = arith.constant 0 : index
    %swap3A_30 = vector.load %arg6[%swap3A, %swap3A_29] : memref<1000x128xf32, #tpu.memory_space<vmem>>, vector<1000x128xf32>
    tpu.vector_store %arg6[%swap3A, %swap3A_29], %dot_general3A_28 {strides = array<i32>} : memref<1000x128xf32, #tpu.memory_space<vmem>>, vector<1000x128xf32>,
    return
  }
  func.func @transform_0(%arg0: i32) -> (i32, i32, i32) {
    %c0_i32 = arith.constant 0 : i32
    %c0_i32_0 = arith.constant 0 : i32
    %c0_i32_1 = arith.constant 0 : i32
    return %c0_i32, %arg0, %c0_i32_0 : i32, i32, i32
  }
  func.func @transform_1(%arg0: i32) -> (i32, i32) {
    %c0_i32 = arith.constant 0 : i32
    %c0_i32_0 = arith.constant 0 : i32
    return %arg0, %c0_i32 : i32, i32
  }
  func.func @transform_2(%arg0: i32) -> (i32, i32) {
    %c0_i32 = arith.constant 0 : i32
    %c0_i32_0 = arith.constant 0 : i32
    return %arg0, %c0_i32 : i32, i32
  }
  func.func @transform_3(%arg0: i32) -> (i32, i32) {
    %c0_i32 = arith.constant 0 : i32
    %c0_i32_0 = arith.constant 0 : i32
    %c0_i32_1 = arith.constant 0 : i32
    return %c0_i32, %c0_i32_0 : i32, i32
  }
  func.func @transform_4(%arg0: i32) -> (i32, i32) {
    %c0_i32 = arith.constant 0 : i32
    %c0_i32_0 = arith.constant 0 : i32
    %c0_i32_1 = arith.constant 0 : i32
    return %c0_i32, %c0_i32_0 : i32, i32
  }
  func.func @transform_5(%arg0: i32) -> (i32, i32) {
    %c0_i32 = arith.constant 0 : i32
    %c0_i32_0 = arith.constant 0 : i32
    return %arg0, %c0_i32 : i32, i32
  }
}

module attributes {stable_mosaic.version = 14 : i64} {
  func.func @_final_body(%arg0: i32, %arg1: memref<2x1000x128xf32, #tpu.memory_space<vmem>>, %arg2: memref<1000x1xf32, #tpu.memory_space<vmem>>, %arg3: memref<1x128xf32, #tpu.memory_space<vmem>>, %arg4: memref<1000x128xf32, #tpu.memory_space<vmem>>) attributes {dimension_semantics = [#tpu.dimension_semantics<arbitrary>], iteration_bounds = array<i64: 10>, scalar_prefetch = 0 : i64, scratch_operands = 0 : i64, tpu.core_type = #tpu.core_type<tc>, window_params = [{transform_indices = @transform_0, window_bounds = array<i64: 2, 1000, 128>}, {transform_indices = @transform_1, window_bounds = array<i64: 1000, 1>}, {pipeline_mode = #tpu.pipeline_mode<synchronous>, transform_indices = @transform_2, window_bounds = array<i64: 1, 128>}, {transform_indices = @transform_3, window_bounds = array<i64: 1000, 128>}]} {
    %get3A = arith.constant 0 : index
    %get3A_0 = arith.constant 0 : index
    %get3A_1 = arith.constant 0 : index
    %get3A_2 = vector.load %arg1[%get3A, %get3A_0, %get3A_1] : memref<2x1000x128xf32, #tpu.memory_space<vmem>>, vector<1x1000x128xf32>
    %get3A_3 = vector.shape_cast %get3A_2 : vector<1x1000x128xf32> to vector<1000x128xf32>
    %get3A_4 = arith.constant 1 : index
    %get3A_5 = arith.constant 0 : index
    %get3A_6 = arith.constant 0 : index
    %get3A_7 = vector.load %arg1[%get3A_4, %get3A_5, %get3A_6] : memref<2x1000x128xf32, #tpu.memory_space<vmem>>, vector<1x1000x128xf32>
    %get3A_8 = vector.shape_cast %get3A_7 : vector<1x1000x128xf32> to vector<1000x128xf32>
    %add3A = arith.addf %get3A_3, %get3A_8 : vector<1000x128xf32>
    %get3A_9 = arith.constant 0 : index
    %get3A_10 = arith.constant 0 : index
    %get3A_11 = vector.load %arg2[%get3A_9, %get3A_10] : memref<1000x1xf32, #tpu.memory_space<vmem>>, vector<1000x1xf32>
    %mul3A = vector.broadcast %get3A_11 : vector<1000x1xf32> to vector<1000x128xf32>
    %mul3A_12 = arith.mulf %add3A, %mul3A : vector<1000x128xf32>
    %get3A_13 = arith.constant 0 : index
    %get3A_14 = arith.constant 0 : index
    %get3A_15 = vector.load %arg3[%get3A_13, %get3A_14] : memref<1x128xf32, #tpu.memory_space<vmem>>, vector<1x128xf32>
    %add3A_16 = vector.broadcast %get3A_15 : vector<1x128xf32> to vector<1000x128xf32>
    %add3A_17 = arith.addf %mul3A_12, %add3A_16 : vector<1000x128xf32>
    %swap3A = arith.constant 0 : index
    %swap3A_18 = arith.constant 0 : index
    %swap3A_19 = vector.load %arg4[%swap3A, %swap3A_18] : memref<1000x128xf32, #tpu.memory_space<vmem>>, vector<1000x128xf32>
    tpu.vector_store %arg4[%swap3A, %swap3A_18], %add3A_17 {strides = array<i32>} : memref<1000x128xf32, #tpu.memory_space<vmem>>, vector<1000x128xf32>,
    return
  }
  func.func @transform_0(%arg0: i32) -> (i32, i32, i32) {
    %c0_i32 = arith.constant 0 : i32
    %c0_i32_0 = arith.constant 0 : i32
    %c0_i32_1 = arith.constant 0 : i32
    return %c0_i32, %arg0, %c0_i32_0 : i32, i32, i32
  }
  func.func @transform_1(%arg0: i32) -> (i32, i32) {
    %c0_i32 = arith.constant 0 : i32
    %c0_i32_0 = arith.constant 0 : i32
    return %arg0, %c0_i32 : i32, i32
  }
  func.func @transform_2(%arg0: i32) -> (i32, i32) {
    %c0_i32 = arith.constant 0 : i32
    %c0_i32_0 = arith.constant 0 : i32
    %c0_i32_1 = arith.constant 0 : i32
    return %c0_i32, %c0_i32_0 : i32, i32
  }
  func.func @transform_3(%arg0: i32) -> (i32, i32) {
    %c0_i32 = arith.constant 0 : i32
    %c0_i32_0 = arith.constant 0 : i32
    return %arg0, %c0_i32 : i32, i32
  }
}

</mosaic_0001>

<sc_bundles>
// kernel: kernel.12.cloned.1.call-start
scs
__scs_entry_jumppad:
0x0: {  	(pc) =	sbr.rel $0x88, $3  }
0x1: {  	(tag) =	ssettag $0x0;
	lr =	simm.s32 $0x1  }
0x2: {  	[smem:$0x3F9B] =	sst lr;
	_ =	strace $0xD0000000  }
0x3: {  	_ = 	snop  }
0x4: {  	_ = 	snop  }
0x5: {  	_ = 	snop  }
0x6: {  	_ = 	snop  }
0x7: {  	_ = 	snop  }
__scs_overlays_trampoline_lowered:
0x8: {  	[smem:$0x3FAA] =	sst s0  }
0x9: {  	[smem:$0x3FAB] =	sst s1  }
0xa: {  	[smem:$0x3FAC] =	sst s2  }
0xb: {  	[smem:$0x3FAD] =	sst s3  }
0xc: {  	[smem:$0x3FAE] =	sst s4  }
0xd: {  	[smem:$0x3FAF] =	sst s5  }
0xe: {  	[smem:$0x3FB0] =	sst s6  }
0xf: {  	[smem:$0x3FB1] =	sst s7  }
0x10: {  	[smem:$0x3FB2] =	sst s8  }
0x11: {  	[smem:$0x3FB3] =	sst s9;
	s0 =	simm.s32 @!p0 $0x0  }
0x12: {  	s1 =	sld [smem:$0x3F99];
	s0 =	simm.s32 @p0 $0x1  }
0x13: {  	[smem:$0x3FB4] =	sst s0;
	s0 =	simm.s32 @!p1 $0x0  }
0x14: {  	s2 =	sld [smem:$0x3F98];
	s0 =	simm.s32 @p1 $0x1  }
0x15: {  	[smem:$0x3FB5] =	sst s0;
	s0 =	simm.s32 @!p2 $0x0  }
0x16: {  	s3 =	sld [smem:$0x3FDB];
	s0 =	simm.s32 @p2 $0x1  }
0x17: {  	s4 =	simm.s32 $0x1BF5;
	[smem:$0x3FB7] =	sst s0  }
0x18: {  	s0 =	sld [smem:$0x3F9A];
	_ =	swait.ge [sflag:s4], $0x0  }
0x19: {  	s7 =	sld [smem:$0x3F9B]  }
0x1a: {  	s8 =	sadd.s32 $0xFFFFE003, lr  }
0x1b: {  	s9 =	sadd.s32 $0xFFFFFEF7, lr;
	s5 =	simm.s32 $0xFFFFFFFF;
	p2 =	slt.u32 s8, $0xFFFFF086  }
0x1c: {  	p1 =	slt.u32 s9, $0xF7A;
	s5 =	simm.s32 @!p2 $0x0  }
0x1d: {  	s5 =	simm.s32 @p1 $0x1;
	p0 =	seq.s32 s7, s2  }
0x1e: {  	s7 =	smul.u32 @!p0 $0xF7A, s2;
	p2 =	seq.s32 @!p0 s5, $0x0  }
0x1f: {  	s9 =	smul.u32 $0xF7A, s1;
	s8 =	simm.s32 @!p0 $0x1BF5;
	p2 =	por !p2, p0  }
0x20: {  	[sflag:s8] =	ssyncset.s32 @!p0 $0xFFFFF086;
	s6 =	sadd.s32 @!p0 s3, s7;
	s7 =	simm.s32 @!p0 $0x108  }
0x21: {  	s3 =	sadd.s32 s3, s9;
	s6 =	sadd.s32 @!p0 $0x88, s6;
	s7 =	simm.s32 @p2 $0x1082  }
0x22: {  	[simem:s7], [sflag:s8] =	dma.local @!p0 [hbm:s6], $0xF7A  }
0x23: {  	s9 =	sor.u32 $0xD0000000, s2;
	s6 =	simm.s32 $0x108;
	_ =	swait.ge @!p0 [sflag:s8], $0x0  }
0x24: {  	s3 =	sadd.s32 $0x88, s3;
	s6 =	simm.s32 @!p1 $0x1082;
	[sflag:s4] =	ssyncset.s32 $0xFFFFF086  }
0x25: {  	[simem:s6], [sflag:s4] =	dma.local [hbm:s3], $0xF7A  }
0x26: {  	[smem:$0x3F9B] =	sst s1;
	(tag) =	ssettag s2;
	_ =	strace s9  }
0x27: {  	s1 =	sld [smem:$0x3FAB]  }
0x28: {  	s2 =	sld [smem:$0x3FAC]  }
0x29: {  	s4 =	sld [smem:$0x3FAE]  }
0x2a: {  	p0 =	seq.s32 s5, $0x0;
	s5 =	sld [smem:$0x3FAF]  }
0x2b: {  	s6 =	sld [smem:$0x3FB0]  }
0x2c: {  	s7 =	sld [smem:$0x3FB1]  }
0x2d: {  	s3 =	simm.s32 $0x108;
	s8 =	sld [smem:$0x3FB2]  }
0x2e: {  	s3 =	simm.s32 @!p0 $0x1082;
	s9 =	sld [smem:$0x3FB3]  }
0x2f: {  	lr =	sadd.s32 s0, s3;
	s0 =	sld [smem:$0x3FAA]  }
0x30: {  	s3 =	sld [smem:$0x3FAD]  }
0x31: {  	[smem:$0x3FB6] =	sst s10  }
0x32: {  	s10 =	sld [smem:$0x3FB4];
	_ =	sdelay $0x3  }
0x33: {  	p0 =	seq.s32 s10, $0x1;
	s10 =	sld [smem:$0x3FB6];
	_ =	sdelay $0x3  }
0x34: {  	[smem:$0x3FB6] =	sst s10  }
0x35: {  	s10 =	sld [smem:$0x3FB5];
	_ =	sdelay $0x3  }
0x36: {  	p1 =	seq.s32 s10, $0x1;
	s10 =	sld [smem:$0x3FB6];
	_ =	sdelay $0x3  }
0x37: {  	[smem:$0x3FB6] =	sst s10  }
0x38: {  	s10 =	sld [smem:$0x3FB7]  }
0x39: {  	_ = 	snop;
	(pc) =	sbr.ind lr, $3  }
0x3a: {  	_ = 	snop  }
0x3b: {  	_ = 	snop  }
0x3c: {  	p2 =	seq.s32 s10, $0x1;
	s10 =	sld [smem:$0x3FB6]  }
0x3d: {  	_ =	shalt  }
0x3e: {  	_ =	shalt  }
0x3f: {  	_ =	shalt  }
0x40: {  	_ =	shalt  }
0x41: {  	_ =	shalt  }
0x42: {  	_ =	shalt  }
0x43: {  	_ =	shalt  }
0x44: {  	_ =	shalt  }
0x45: {  	_ =	shalt  }
0x46: {  	_ =	shalt  }
0x47: {  	_ =	shalt  }
0x48: {  	_ =	shalt  }
0x49: {  	_ =	shalt  }
0x4a: {  	_ =	shalt  }
0x4b: {  	_ =	shalt  }
0x4c: {  	_ =	shalt  }
0x4d: {  	_ =	shalt  }
0x4e: {  	_ =	shalt  }
0x4f: {  	_ =	shalt  }
0x50: {  	_ =	shalt  }
0x51: {  	_ =	shalt  }
0x52: {  	_ =	shalt  }
0x53: {  	_ =	shalt  }
0x54: {  	_ =	shalt  }
0x55: {  	_ =	shalt  }
0x56: {  	_ =	shalt  }
0x57: {  	_ =	shalt  }
0x58: {  	_ =	shalt  }
0x59: {  	_ =	shalt  }
0x5a: {  	_ =	shalt  }
0x5b: {  	_ =	shalt  }
0x5c: {  	_ =	shalt  }
0x5d: {  	_ =	shalt  }
0x5e: {  	_ =	shalt  }
0x5f: {  	_ =	shalt  }
0x60: {  	_ =	shalt  }
0x61: {  	_ =	shalt  }
0x62: {  	_ =	shalt  }
0x63: {  	_ =	shalt  }
0x64: {  	_ =	shalt  }
0x65: {  	_ =	shalt  }
0x66: {  	_ =	shalt  }
0x67: {  	_ =	shalt  }
0x68: {  	_ =	shalt  }
0x69: {  	_ =	shalt  }
0x6a: {  	_ =	shalt  }
0x6b: {  	_ =	shalt  }
0x6c: {  	_ =	shalt  }
0x6d: {  	_ =	shalt  }
0x6e: {  	_ =	shalt  }
0x6f: {  	_ =	shalt  }
0x70: {  	_ =	shalt  }
0x71: {  	_ =	shalt  }
0x72: {  	_ =	shalt  }
0x73: {  	_ =	shalt  }
0x74: {  	_ =	shalt  }
0x75: {  	_ =	shalt  }
0x76: {  	_ =	shalt  }
0x77: {  	_ =	shalt  }
0x78: {  	_ =	shalt  }
0x79: {  	_ =	shalt  }
0x7a: {  	_ =	shalt  }
0x7b: {  	_ =	shalt  }
0x7c: {  	_ =	shalt  }
0x7d: {  	_ =	shalt  }
0x7e: {  	_ =	shalt  }
0x7f: {  	_ =	shalt  }
0x80: {  	_ =	shalt  }
0x81: {  	_ =	shalt  }
0x82: {  	_ =	shalt  }
0x83: {  	_ =	shalt  }
0x84: {  	_ =	shalt  }
0x85: {  	_ =	shalt  }
0x86: {  	_ =	shalt  }
0x87: {  	_ =	shalt  }
.Lfunc_end0:
.L_simem_size_0:
called_computation.1_lowered:
.L_overlay_start_0:
0x88: {  	s2 =	sld [smem:$0x3FD9]  }
0x89: {  	s3 =	sld [smem:$0x3FFE];
	_ =	sdelay $0x1  }
0x8a: {  	s1 =	srdreg.scid  }
0x8b: {  	s0 =	sand.u32 $0x1, s1  }
0x8c: {  	s17 =	sshll.u32 s0, $0xA;
	s2 =	sadd.s32 s3, s2  }
0x8d: {  	s2 =	sadd.s32 s2, s17  }
0x8e: {  	[smem:$0x3FC2] =	sst s2  }
0x8f: {  	_ = 	snop  }
0x90: {  	s2 =	sld [smem:$0x3FD0];
	(tm) =	ssettm $0x1  }
0x91: {  	s18 =	sld [smem:$0x3FFB];
	_ =	sdelay $0x3  }
0x92: {  	_ =	strace s18  }
0x93: {  	s3 =	sld [smem:$0x3FFC];
	_ =	sdelay $0x3  }
0x94: {  	_ =	strace s3  }
0x95: {  	s3 =	sld [smem:$0x3FFD];
	_ =	sdelay $0x3  }
0x96: {  	_ =	strace s3  }
0x97: {  	_ =	strace $0x8FFFFFFF  }
0x98: {  	s19 =	sld [smem:$0x3FDB];
	_ =	sdelay $0x1  }
0x99: {  	s4 =	simm.s32 $_scs_section_size  }
0x9a: {  	s5 =	simm.s32 $_size__tile_overlayer_lowered;
	s6 =	simm.s32 $_tile_overlayer_lowered  }
0x9b: {  	s22 =	simm.s32 $0x1BFF;
	s21 =	sshll.u32 s6, $0x1;
	s3 =	sadd.s32 s4, s19  }
0x9c: {  	s7 =	simm.s32 $0x0;
	s20 =	sshll.u32 s5, $0x1;
	s5 =	sadd.s32 s21, s3  }
0x9d: {  	[timem:s7], [sflag:s22] =	dma.local [hbm:s5], s20  }
0x9e: {  	_ =	swait.ge [sflag:s22], s20  }
0x9f: {  	s4 =	ssub.s32 $0x0, s20;
	[sflag:s22] =	ssyncset.done $0x0  }
0xa0: {  	[sflag:s22] =	ssyncadd.s32 s4;
	_ =	sdelay $0x1  }
0xa1: {  	s23 =	simm.s32 $0x1B8B  }
0xa2: {  	_ =	swait.ge [sflag:s23], $0x1  }
0xa3: {  	[sflag:s23] =	ssyncset.done $0x0  }
0xa4: {  	s25 =	simm.s32 $0x1B8E;
	s24 =	sld [smem:$0x3FFE];
	[sflag:s23] =	ssyncadd.s32 $0xFFFFFFFF  }
0xa5: {  	s26 =	simm.s32 $execute0_lowered;
	[smem:$0x3FD2] =	sst s25  }
0xa6: {  	s5 =	sshll.u32 s26, $0x1;
	_ =	strace $0x80000049;
	[dreg:$0x1] =	wrdreg $0xFFFFFFFF  }
0xa7: {  	s28 =	simm.s32 $_size_execute0_lowered;
	s3 =	sadd.s32 s3, s5;
	[dreg:$0x0] =	wrdreg $0x0  }
0xa8: {  	s5 =	sshll.u32 s28, $0x1;
	[dreg:$0x2] =	wrdreg s3  }
0xa9: {  	[dreg:$0x3] =	wrdreg s5  }
0xaa: {  	[dreg:$0x4] =	wrdreg $0xC0  }
0xab: {  	_ =	task [dreg:s7], $0x5FFFF  }
0xac: {  	[dreg:$0x1] =	wrdreg $0xFFFFFFFF  }
0xad: {  	[dreg:$0x0] =	wrdreg $0x60  }
0xae: {  	[dreg:$0x2] =	wrdreg s2  }
0xaf: {  	[dreg:$0x3] =	wrdreg s24  }
0xb0: {  	[dreg:$0x4] =	wrdreg $0x69000  }
0xb1: {  	[dreg:$0x5] =	wrdreg $0x9  }
0xb2: {  	_ =	task.clear_ibuf [dreg:s7], $0x6FFFF;
	_ =	strace $0x90000049  }
0xb3: {  	s29 =	simm.s32 $0x9;
	_ =	strace $0x8000004B  }
0xb4: {  	_ =	swait.ge [sflag:s29], $0x1  }
0xb5: {  	[sflag:s29] =	ssyncadd.s32 $0xFFFFFFFF  }
0xb6: {  	_ =	strace $0x9000004B  }
0xb7: {  	_ =	sfence  }
0xb8: {  	s30 =	sld [smem:$0x0];
	_ =	sdelay $0x2  }
0xb9: {  	s31 =	sshll.u32 s1, $0xD;
	s1 =	sshrl.u32 s1, $0x2  }
0xba: {  	s3 =	sand.u32 $0x4000, s31;
	s1 =	sadd.s32 s1, s30  }
0xbb: {  	s0 =	sor.u32 s3, s0;
	s1 =	sshll.u32 s1, $0x11  }
0xbc: {  	s0 =	sor.u32 s1, s0  }
0xbd: {  	s0 =	sadd.s32 $0x8F2B, s0  }
0xbe: {  	[sflag:s0] =	ssyncadd.remote.s32 $0x1  }
0xbf: {  	_ =	sfence.sel $0xFFFF  }
0xc0: {  	[dreg:$0x0] =	wrdreg $0xFFFFFFFF;
	(pc) =	sbr.abs _section_cstart, $3  }
0xc1: {  	[dreg:$0x1] =	wrdreg $0xFFFFFFFF  }
0xc2: {  	_ =	task.clear_ibuf [dreg:s7], $0x2FFFF;
	_ =	strace $0x9FFFFFFF  }
0xc3: {  	(tm) =	ssettm $0x7FFFFFFF  }
tec
execute0_lowered:
.L_overlay_start_1:
0x0: {  	(tag) =	ssettag $0x1  }
0x1: {  	s1 =	rddreg [dreg:$0x0]  }
0x2: {  	s0 =	rddreg [dreg:$0x1]  }
0x3: {  	s2 =	rddreg [dreg:$0x2];
	s3 =	srdreg.scid;
	s4 =	simm.s32 $0x0  }
0x4: {  	s12 =	stileid.u32;
	s13 =	simm.s32 $0x10;
	s30 =	simm.s32 $0x380  }
0x5: {  	s28 =	simm.s32 $0x480;
	s29 =	simm.s32 $0x28;
	s31 =	simm.s32 $0x4100  }
0x6: {  	s3 =	sand.u32 $0x1, s3;
	[smem:$0x7FF] =	sst s4;
	s7 =	smul.u32 $0x13C00, s12  }
0x7: {  	s5 =	sadd.s32 $0x40600, s0;
	s8 =	smul.u32 $0x4E200, s12;
	s9 =	sadd.s32 $0x2600, s0  }
0x8: {  	s10 =	sshll.u32 s12, $0x6;
	s19 =	sshll.u32 s12, $0x10;
	s6 =	smul.u32 $0x13C000, s3  }
0x9: {  	_ =	strace $0x8000004A;
	[dreg:$0x4] =	wrdreg s9;
	s16 =	ssub.s32 $0x2, s3  }
0xa: {  	s3 =	sshll.u32 s3, $0xF;
	s8 =	sshrl.u32 s8, $0x2;
	s17 =	sshrl.u32 s16, $0x1  }
0xb: {  	s9 =	sor.u32 s3, s19;
	s19 =	simm.s32 $0x3;
	s3 =	simm.s32 $0x0  }
0xc: {  	s7 =	sadd.s32 s7, s6;
	s6 =	sadd.s32 $0x20600, s0;
	s8 =	sadd.s32 s8, s2  }
0xd: {  	s7 =	sshrl.u32 s7, $0x3;
	s18 =	sadd.s32 $0x3E80, s8;
	s11 =	sadd.s32 $0x7D00, s8  }
0xe: {  	s20 =	sadd.s32 $0xBB80, s8;
	s14 =	sadd.s32 $0xFA00, s8;
	s24 =	sshrl.u32 s8, $0x3  }
0xf: {  	s8 =	simm.s32 $0x2;
	s22 =	sshrl.u32 s18, $0x3;
	[dreg:$0x8] =	wrdreg s24  }
0x10: {  	s0 =	sadd.s32 s7, s0;
	s23 =	sshrl.u32 s11, $0x3;
	[dreg:$0x9] =	wrdreg s22  }
0x11: {  	s7 =	ssub.s32 s16, s17;
	s25 =	sshrl.u32 s20, $0x3;
	[dreg:$0xa] =	wrdreg s23  }
0x12: {  	s16 =	sor.u32 $0x1C10, s10;
	s26 =	sshrl.u32 s14, $0x3;
	[dreg:$0xb] =	wrdreg s25  }
0x13: {  	s11 =	simm.s32 $0x5500;
	s18 =	simm.s32 $0xD;
	[dreg:$0xc] =	wrdreg s26  }
0x14: {  	s20 =	simm.s32 $0xE;
	s0 =	sadd.s32 $0x60600, s0;
	[dreg:$0x5] =	wrdreg s16  }
0x15: {  	s21 =	smax.u32 s7, $0x1;
	s22 =	simm.s32 $0xF;
	[dreg:$0x6] =	wrdreg s0  }
0x16: {  	s23 =	simm.s32 $0x5;
	[dreg:$0x7] =	wrdreg s21;
	s21 =	simm.s32 $0x4  }
.LBB2_1:
0x17: {  	[dreg:$0xd] =	wrdreg s3  }
0x18: {  	s0 =	rddreg [dreg:$0x4]  }
0x19: {  	[spmem:s24], [sflag:s16] =	dma.local [hbm:s0], $0x7D0  }
0x1a: {  	_ =	swait.ge [sflag:s13], $0x7D0  }
0x1b: {  	[sflag:s13] =	ssyncset.done $0x0  }
0x1c: {  	s10 =	rddreg [dreg:$0x9];
	[sflag:s13] =	ssyncadd.s32 $0xFFFFF830  }
0x1d: {  	[spmem:s10], [sflag:s16] =	dma.local [hbm:s0], $0x7D0  }
0x1e: {  	_ =	swait.ge [sflag:s13], $0x7D0  }
0x1f: {  	[sflag:s13] =	ssyncset.done $0x0  }
0x20: {  	s26 =	rddreg [dreg:$0xa];
	[sflag:s13] =	ssyncadd.s32 $0xFFFFF830  }
0x21: {  	[spmem:s26], [sflag:s16] =	dma.local [hbm:s0], $0x7D0  }
0x22: {  	_ =	swait.ge [sflag:s13], $0x7D0  }
0x23: {  	[sflag:s13] =	ssyncset.done $0x0  }
0x24: {  	s12 =	simm.s32 $0x0;
	s3 =	rddreg [dreg:$0xb];
	[sflag:s13] =	ssyncadd.s32 $0xFFFFF830  }
0x25: {  	[spmem:s3], [sflag:s16] =	dma.local [hbm:s0], $0x7D0  }
0x26: {  	s14 =	simm.s32 $0x80;
	s17 =	simm.s32 $0x100;
	_ =	swait.ge [sflag:s13], $0x7D0  }
0x27: {  	s25 =	sand.u32 $0xFC00, s12;
	s24 =	sand.u32 $0x380, s12;
	[sflag:s13] =	ssyncset.done $0x0  }
0x28: {  	s15 =	sand.u32 $0x1FC00, s14;
	s7 =	rddreg [dreg:$0xc];
	[sflag:s13] =	ssyncadd.s32 $0xFFFFF830  }
0x29: {  	[spmem:s7], [sflag:s16] =	dma.local [hbm:s0], $0x7D0  }
0x2a: {  	s12 =	simm.s32 $0x180;
	s25 =	sadd.s32 s9, s25;
	_ =	swait.ge [sflag:s13], $0x7D0  }
0x2b: {  	s24 =	sor.u32 s24, s25;
	s25 =	sand.u32 $0x380, s14;
	[sflag:s13] =	ssyncset.done $0x0  }
0x2c: {  	s14 =	simm.s32 $0x200;
	s24 =	sshrl.u32 s24, $0x3;
	[sflag:s13] =	ssyncadd.s32 $0xFFFFF830  }
0x2d: {  	s10 =	simm.s32 $0x100;
	s26 =	sadd.s32 s5, s24;
	[bflag:$0x0] =	sbarrier.arrive $0xFFFF  }
0x2e: {  	[tilespmem:s4], [sflag:$0x6] =	stream.linear.gather [hbm4b:s26+s4], $0x80, $0x38;
	[tilespmem:$0x1A180] =	vst v63  }
0x2f: {  	s24 =	sadd.s32 s6, s24;
	s0 =	simm.s32 $0x80;
	s16 =	sadd.s32 s9, s15  }
0x30: {  	[tilespmem:s0], [sflag:$0xB] =	stream.linear.gather [hbm4b:s24+s4], $0x80, $0x38;
	[tilespmem:$0x1A180] =	vst v63  }
0x31: {  	s3 =	sand.u32 $0x1FC00, s17;
	s26 =	sand.u32 $0x380, s17;
	s24 =	sor.u32 s25, s16  }
0x32: {  	s17 =	sand.u32 $0x1FC00, s14;
	s25 =	sadd.s32 s9, s3;
	s24 =	sshrl.u32 s24, $0x3  }
0x33: {  	s3 =	simm.s32 $0x180;
	s25 =	sor.u32 s26, s25;
	s7 =	sadd.s32 s5, s24  }
0x34: {  	[tilespmem:s10], [sflag:$0x7] =	stream.linear.gather [hbm4b:s7+s4], $0x80, $0x38;
	[tilespmem:$0x1A180] =	vst v63  }
0x35: {  	s16 =	sand.u32 $0x1FC00, s12;
	s25 =	sshrl.u32 s25, $0x3;
	s24 =	sadd.s32 s6, s24  }
0x36: {  	[tilespmem:s3], [sflag:$0xC] =	stream.linear.gather [hbm4b:s24+s4], $0x80, $0x38;
	[tilespmem:$0x1A180] =	vst v63  }
0x37: {  	s26 =	sadd.s32 s9, s16;
	s15 =	sadd.s32 s5, s25;
	s24 =	sand.u32 $0x380, s12  }
0x38: {  	s25 =	sadd.s32 s6, s25;
	s7 =	simm.s32 $0x280;
	s24 =	sor.u32 s24, s26  }
0x39: {  	[tilespmem:s14], [sflag:$0x8] =	stream.linear.gather [hbm4b:s15+s4], $0x80, $0x38;
	[tilespmem:$0x1A180] =	vst v63  }
0x3a: {  	s12 =	sand.u32 $0x380, s14;
	s26 =	sadd.s32 s9, s17;
	s24 =	sshrl.u32 s24, $0x3  }
0x3b: {  	[tilespmem:s7], [sflag:$0xD] =	stream.linear.gather [hbm4b:s25+s4], $0x80, $0x38;
	[tilespmem:$0x1A180] =	vst v63  }
0x3c: {  	s16 =	simm.s32 $0x300;
	s15 =	sadd.s32 s5, s24;
	s25 =	sor.u32 s12, s26  }
0x3d: {  	[tilespmem:s16], [sflag:$0x9] =	stream.linear.gather [hbm4b:s15+s4], $0x80, $0x38;
	[tilespmem:$0x1A180] =	vst v63  }
0x3e: {  	s24 =	sadd.s32 s6, s24;
	s25 =	sshrl.u32 s25, $0x3  }
0x3f: {  	[tilespmem:s30], [sflag:$0xE] =	stream.linear.gather [hbm4b:s24+s4], $0x80, $0x38;
	[tilespmem:$0x1A180] =	vst v63  }
0x40: {  	s17 =	sadd.s32 s5, s25;
	s15 =	simm.s32 $0x400  }
0x41: {  	[tilespmem:s15], [sflag:$0xA] =	stream.linear.gather [hbm4b:s17+s4], $0x80, $0x38;
	[tilespmem:$0x1A180] =	vst v63  }
0x42: {  	s25 =	sadd.s32 s6, s25;
	s17 =	simm.s32 $0x6  }
0x43: {  	[tilespmem:s28], [sflag:$0xF] =	stream.linear.gather [hbm4b:s25+s4], $0x80, $0x38;
	[tilespmem:$0x1A180] =	vst v63  }
0x44: {  	_ =	swait.ge [sflag:s17], $0x80  }
0x45: {  	[sflag:s17] =	ssyncset.done $0x0  }
0x46: {  	s26 =	simm.s32 $0x7;
	[sflag:s17] =	ssyncadd.s32 $0xFFFFFF80;
	s17 =	simm.s32 $0x500  }
0x47: {  	[tilespmem:s17], [sflag:$0x1] =	stream.indirect.gather [hbm4b:s1+s29], $0x80, s4, s29, $0xb8;
	[tilespmem:$0x1A180] =	vst v63  }
0x48: {  	_ =	swait.ge [sflag:s26], $0x80  }
0x49: {  	[sflag:s26] =	ssyncset.done $0x0  }
0x4a: {  	s24 =	simm.s32 $0x1900;
	s28 =	simm.s32 $0x8;
	[sflag:s26] =	ssyncadd.s32 $0xFFFFFF80  }
0x4b: {  	[tilespmem:s24], [sflag:$0x2] =	stream.indirect.gather [hbm4b:s1+s29], $0x80, s10, s29, $0xb8;
	[tilespmem:$0x1A180] =	vst v63  }
0x4c: {  	_ =	swait.ge [sflag:s28], $0x80  }
0x4d: {  	[sflag:s28] =	ssyncset.done $0x0  }
0x4e: {  	s12 =	simm.s32 $0x9;
	s10 =	simm.s32 $0x2D00;
	[sflag:s28] =	ssyncadd.s32 $0xFFFFFF80  }
0x4f: {  	[tilespmem:s10], [sflag:$0x3] =	stream.indirect.gather [hbm4b:s1+s29], $0x80, s14, s29, $0xb8;
	[tilespmem:$0x1A180] =	vst v63  }
0x50: {  	_ =	swait.ge [sflag:s12], $0x80  }
0x51: {  	[sflag:s12] =	ssyncset.done $0x0  }
0x52: {  	[sflag:s12] =	ssyncadd.s32 $0xFFFFFF80;
	s12 =	simm.s32 $0xA  }
0x53: {  	[tilespmem:s31], [sflag:$0x4] =	stream.indirect.gather [hbm4b:s1+s29], $0x80, s16, s29, $0xb8;
	[tilespmem:$0x1A180] =	vst v63  }
0x54: {  	_ =	swait.ge [sflag:s12], $0x80  }
0x55: {  	[sflag:s12] =	ssyncset.done $0x0  }
0x56: {  	s16 =	simm.s32 $0xB;
	[sflag:s12] =	ssyncadd.s32 $0xFFFFFF80  }
0x57: {  	[tilespmem:s11], [sflag:$0x5] =	stream.indirect.gather [hbm4b:s1+s29], $0x80, s15, s29, $0xb8;
	[tilespmem:$0x1A180] =	vst v63  }
0x58: {  	_ =	swait.ge [sflag:s16], $0x80  }
0x59: {  	[sflag:s16] =	ssyncset.done $0x0  }
0x5a: {  	s25 =	simm.s32 $0x1;
	[sflag:s16] =	ssyncadd.s32 $0xFFFFFF80  }
0x5b: {  	_ =	swait.ge [sflag:s25], $0x1400  }
0x5c: {  	[sflag:s25] =	ssyncset.done $0x0  }
0x5d: {  	[sflag:s25] =	ssyncadd.s32 $0xFFFFEC00  }
0x5e: {  	[spmem:s2] =	stream.indirect.scatter.add.f32 [tilespmem:s17], [sflag:$0x10], $0x80, s0, s29, $0xb8;
	[tilespmem:$0x1A180] =	vst v63  }
0x5f: {  	_ =	swait.ge [sflag:s13], $0x1400  }
0x60: {  	[sflag:s13] =	ssyncset.done $0x0  }
0x61: {  	s26 =	simm.s32 $0xC;
	[sflag:s13] =	ssyncadd.s32 $0xFFFFEC00  }
0x62: {  	_ =	swait.ge [sflag:s26], $0x80  }
0x63: {  	[sflag:s26] =	ssyncset.done $0x0  }
0x64: {  	[sflag:s26] =	ssyncadd.s32 $0xFFFFFF80  }
0x65: {  	_ =	swait.ge [sflag:s8], $0x1400  }
0x66: {  	[sflag:s8] =	ssyncset.done $0x0  }
0x67: {  	[sflag:s8] =	ssyncadd.s32 $0xFFFFEC00  }
0x68: {  	[spmem:s2] =	stream.indirect.scatter.add.f32 [tilespmem:s24], [sflag:$0x10], $0x80, s3, s29, $0xb8;
	[tilespmem:$0x1A180] =	vst v63  }
0x69: {  	_ =	swait.ge [sflag:s13], $0x1400  }
0x6a: {  	[sflag:s13] =	ssyncset.done $0x0  }
0x6b: {  	[sflag:s13] =	ssyncadd.s32 $0xFFFFEC00  }
0x6c: {  	_ =	swait.ge [sflag:s18], $0x80  }
0x6d: {  	[sflag:s18] =	ssyncset.done $0x0  }
0x6e: {  	[sflag:s18] =	ssyncadd.s32 $0xFFFFFF80  }
0x6f: {  	s28 =	simm.s32 $0x280;
	_ =	swait.ge [sflag:s19], $0x1400  }
0x70: {  	s31 =	sand.u32 $0xFC00, s28;
	[sflag:s19] =	ssyncset.done $0x0  }
0x71: {  	s25 =	sand.u32 $0x380, s28;
	s26 =	sadd.s32 s9, s31;
	[sflag:s19] =	ssyncadd.s32 $0xFFFFEC00  }
0x72: {  	[spmem:s2] =	stream.indirect.scatter.add.f32 [tilespmem:s10], [sflag:$0x10], $0x80, s7, s29, $0xb8;
	[tilespmem:$0x1A180] =	vst v63  }
0x73: {  	s30 =	sor.u32 s25, s26;
	_ =	swait.ge [sflag:s13], $0x1400  }
0x74: {  	s25 =	simm.s32 $0x700;
	s24 =	simm.s32 $0x480;
	[sflag:s13] =	ssyncset.done $0x0  }
.LBB2_2:
0x75: {  	p0 =	sne.s32 s25, $0x7C80  }
0x76: {  	[sflag:s13] =	ssyncadd.s32 $0xFFFFEC00;
	s26 =	smov.u32 s25;
	s25 =	sadd.s32 $0x280, s25  }
0x77: {  	_ =	swait.ge [sflag:s20], $0x80  }
0x78: {  	s30 =	sshrl.u32 s30, $0x3;
	s0 =	sadd.s32 $0xFFFFFE80, s24;
	[sflag:s20] =	ssyncset.done $0x0  }
0x79: {  	[sflag:s20] =	ssyncadd.s32 $0xFFFFFF80  }
0x7a: {  	s10 =	sand.u32 $0x1FC00, s0;
	_ =	swait.ge [sflag:s21], $0x1400  }
0x7b: {  	s15 =	simm.s32 $0x380;
	s12 =	simm.s32 $0x4100;
	[sflag:s21] =	ssyncset.done $0x0  }
0x7c: {  	s0 =	sand.u32 $0x380, s0;
	s10 =	sadd.s32 s9, s10;
	[sflag:s21] =	ssyncadd.s32 $0xFFFFEC00  }
0x7d: {  	[spmem:s2] =	stream.indirect.scatter.add.f32 [tilespmem:s12], [sflag:$0x10], $0x80, s15, s29, $0xb8;
	[tilespmem:$0x1A180] =	vst v63  }
0x7e: {  	s0 =	sor.u32 s0, s10;
	s10 =	sadd.s32 $0xFFFFFF00, s24;
	_ =	swait.ge [sflag:s13], $0x1400  }
0x7f: {  	s14 =	sand.u32 $0x1FC00, s10;
	s10 =	sand.u32 $0x380, s10;
	[sflag:s13] =	ssyncset.done $0x0  }
0x80: {  	s14 =	sadd.s32 s9, s14;
	[sflag:s13] =	ssyncadd.s32 $0xFFFFEC00  }
0x81: {  	s10 =	sor.u32 s10, s14;
	_ =	swait.ge [sflag:s22], $0x80  }
0x82: {  	s0 =	sshrl.u32 s0, $0x3;
	s10 =	sshrl.u32 s10, $0x3;
	[sflag:s22] =	ssyncset.done $0x0  }
0x83: {  	[sflag:s22] =	ssyncadd.s32 $0xFFFFFF80  }
0x84: {  	_ =	swait.ge [sflag:s23], $0x1400  }
0x85: {  	[sflag:s23] =	ssyncset.done $0x0  }
0x86: {  	s17 =	simm.s32 $0x480;
	s7 =	simm.s32 $0x5500;
	[sflag:s23] =	ssyncadd.s32 $0xFFFFEC00  }
0x87: {  	[spmem:s2] =	stream.indirect.scatter.add.f32 [tilespmem:s7], [sflag:$0x10], $0x80, s17, s29, $0xb8;
	[tilespmem:$0x1A180] =	vst v63  }
0x88: {  	_ =	swait.ge [sflag:s13], $0x1400  }
0x89: {  	[sflag:s13] =	ssyncset.done $0x0  }
0x8a: {  	s14 =	sadd.s32 s5, s30;
	s30 =	sadd.s32 s6, s30;
	[sflag:s13] =	ssyncadd.s32 $0xFFFFEC00  }
0x8b: {  	[tilespmem:s4], [sflag:$0x6] =	stream.linear.gather [hbm4b:s14+s4], $0x80, $0x38;
	[tilespmem:$0x1A180] =	vst v63  }
0x8c: {  	s28 =	simm.s32 $0x80;
	s14 =	sadd.s32 s5, s0  }
0x8d: {  	[tilespmem:s28], [sflag:$0xB] =	stream.linear.gather [hbm4b:s30+s4], $0x80, $0x38;
	[tilespmem:$0x1A180] =	vst v63  }
0x8e: {  	s31 =	simm.s32 $0x100;
	s0 =	sadd.s32 s6, s0;
	s30 =	sadd.s32 $0xFFFFFF80, s24  }
0x8f: {  	[tilespmem:s31], [sflag:$0x7] =	stream.linear.gather [hbm4b:s14+s4], $0x80, $0x38;
	[tilespmem:$0x1A180] =	vst v63  }
0x90: {  	s3 =	simm.s32 $0x180;
	s16 =	sand.u32 $0x1FC00, s30;
	s14 =	sadd.s32 s5, s10  }
0x91: {  	[tilespmem:s3], [sflag:$0xC] =	stream.linear.gather [hbm4b:s0+s4], $0x80, $0x38;
	[tilespmem:$0x1A180] =	vst v63  }
0x92: {  	s0 =	sadd.s32 s9, s16;
	s16 =	sand.u32 $0x380, s30;
	s30 =	simm.s32 $0x200  }
0x93: {  	[tilespmem:s30], [sflag:$0x8] =	stream.linear.gather [hbm4b:s14+s4], $0x80, $0x38;
	[tilespmem:$0x1A180] =	vst v63  }
0x94: {  	s10 =	sadd.s32 s6, s10;
	s14 =	sand.u32 $0x1FC00, s24  }
0x95: {  	s0 =	sor.u32 s16, s0;
	s16 =	sand.u32 $0x380, s24;
	s14 =	sadd.s32 s9, s14  }
0x96: {  	s11 =	simm.s32 $0x280;
	s0 =	sshrl.u32 s0, $0x3;
	s14 =	sor.u32 s16, s14  }
0x97: {  	[tilespmem:s11], [sflag:$0xD] =	stream.linear.gather [hbm4b:s10+s4], $0x80, $0x38;
	[tilespmem:$0x1A180] =	vst v63  }
0x98: {  	s16 =	simm.s32 $0x300;
	s10 =	sadd.s32 s5, s0;
	s0 =	sadd.s32 s6, s0  }
0x99: {  	[tilespmem:s16], [sflag:$0x9] =	stream.linear.gather [hbm4b:s10+s4], $0x80, $0x38;
	[tilespmem:$0x1A180] =	vst v63  }
0x9a: {  	s24 =	smov.u32 s26;
	s10 =	sshrl.u32 s14, $0x3  }
0x9b: {  	[tilespmem:s15], [sflag:$0xE] =	stream.linear.gather [hbm4b:s0+s4], $0x80, $0x38;
	[tilespmem:$0x1A180] =	vst v63  }
0x9c: {  	s14 =	simm.s32 $0x400;
	s0 =	sadd.s32 s5, s10  }
0x9d: {  	[tilespmem:s14], [sflag:$0xA] =	stream.linear.gather [hbm4b:s0+s4], $0x80, $0x38;
	[tilespmem:$0x1A180] =	vst v63  }
0x9e: {  	s0 =	sadd.s32 s6, s10  }
0x9f: {  	[tilespmem:s17], [sflag:$0xF] =	stream.linear.gather [hbm4b:s0+s4], $0x80, $0x38;
	[tilespmem:$0x1A180] =	vst v63  }
0xa0: {  	s0 =	simm.s32 $0x6  }
0xa1: {  	_ =	swait.ge [sflag:s0], $0x80  }
0xa2: {  	[sflag:s0] =	ssyncset.done $0x0  }
0xa3: {  	s10 =	simm.s32 $0x7;
	[sflag:s0] =	ssyncadd.s32 $0xFFFFFF80;
	s0 =	simm.s32 $0x500  }
0xa4: {  	[tilespmem:s0], [sflag:$0x1] =	stream.indirect.gather [hbm4b:s1+s29], $0x80, s4, s29, $0xb8;
	[tilespmem:$0x1A180] =	vst v63  }
0xa5: {  	_ =	swait.ge [sflag:s10], $0x80  }
0xa6: {  	[sflag:s10] =	ssyncset.done $0x0  }
0xa7: {  	s15 =	simm.s32 $0x8;
	[sflag:s10] =	ssyncadd.s32 $0xFFFFFF80;
	s10 =	simm.s32 $0x1900  }
0xa8: {  	[tilespmem:s10], [sflag:$0x2] =	stream.indirect.gather [hbm4b:s1+s29], $0x80, s31, s29, $0xb8;
	[tilespmem:$0x1A180] =	vst v63  }
0xa9: {  	_ =	swait.ge [sflag:s15], $0x80  }
0xaa: {  	[sflag:s15] =	ssyncset.done $0x0  }
0xab: {  	s17 =	simm.s32 $0x9;
	[sflag:s15] =	ssyncadd.s32 $0xFFFFFF80;
	s15 =	simm.s32 $0x2D00  }
0xac: {  	[tilespmem:s15], [sflag:$0x3] =	stream.indirect.gather [hbm4b:s1+s29], $0x80, s30, s29, $0xb8;
	[tilespmem:$0x1A180] =	vst v63  }
0xad: {  	_ =	swait.ge [sflag:s17], $0x80  }
0xae: {  	[sflag:s17] =	ssyncset.done $0x0  }
0xaf: {  	[sflag:s17] =	ssyncadd.s32 $0xFFFFFF80  }
0xb0: {  	[tilespmem:s12], [sflag:$0x4] =	stream.indirect.gather [hbm4b:s1+s29], $0x80, s16, s29, $0xb8;
	[tilespmem:$0x1A180] =	vst v63  }
0xb1: {  	s12 =	simm.s32 $0xA  }
0xb2: {  	_ =	swait.ge [sflag:s12], $0x80  }
0xb3: {  	[sflag:s12] =	ssyncset.done $0x0  }
0xb4: {  	[sflag:s12] =	ssyncadd.s32 $0xFFFFFF80  }
0xb5: {  	[tilespmem:s7], [sflag:$0x5] =	stream.indirect.gather [hbm4b:s1+s29], $0x80, s14, s29, $0xb8;
	[tilespmem:$0x1A180] =	vst v63  }
0xb6: {  	s7 =	simm.s32 $0xB  }
0xb7: {  	_ =	swait.ge [sflag:s7], $0x80  }
0xb8: {  	[sflag:s7] =	ssyncset.done $0x0  }
0xb9: {  	[sflag:s7] =	ssyncadd.s32 $0xFFFFFF80;
	s7 =	simm.s32 $0x1  }
0xba: {  	_ =	swait.ge [sflag:s7], $0x1400  }
0xbb: {  	[sflag:s7] =	ssyncset.done $0x0  }
0xbc: {  	[sflag:s7] =	ssyncadd.s32 $0xFFFFEC00  }
0xbd: {  	[spmem:s2] =	stream.indirect.scatter.add.f32 [tilespmem:s0], [sflag:$0x10], $0x80, s28, s29, $0xb8;
	[tilespmem:$0x1A180] =	vst v63  }
0xbe: {  	_ =	swait.ge [sflag:s13], $0x1400  }
0xbf: {  	[sflag:s13] =	ssyncset.done $0x0  }
0xc0: {  	s0 =	simm.s32 $0xC;
	[sflag:s13] =	ssyncadd.s32 $0xFFFFEC00  }
0xc1: {  	_ =	swait.ge [sflag:s0], $0x80  }
0xc2: {  	[sflag:s0] =	ssyncset.done $0x0  }
0xc3: {  	[sflag:s0] =	ssyncadd.s32 $0xFFFFFF80  }
0xc4: {  	_ =	swait.ge [sflag:s8], $0x1400  }
0xc5: {  	[sflag:s8] =	ssyncset.done $0x0  }
0xc6: {  	[sflag:s8] =	ssyncadd.s32 $0xFFFFEC00  }
0xc7: {  	[spmem:s2] =	stream.indirect.scatter.add.f32 [tilespmem:s10], [sflag:$0x10], $0x80, s3, s29, $0xb8;
	[tilespmem:$0x1A180] =	vst v63  }
0xc8: {  	_ =	swait.ge [sflag:s13], $0x1400  }
0xc9: {  	[sflag:s13] =	ssyncset.done $0x0  }
0xca: {  	[sflag:s13] =	ssyncadd.s32 $0xFFFFEC00  }
0xcb: {  	_ =	swait.ge [sflag:s18], $0x80  }
0xcc: {  	[sflag:s18] =	ssyncset.done $0x0  }
0xcd: {  	[sflag:s18] =	ssyncadd.s32 $0xFFFFFF80  }
0xce: {  	s0 =	sadd.s32 $0xFFFFFE00, s24;
	_ =	swait.ge [sflag:s19], $0x1400  }
.Ltmp0:
0xcf: {  	[sflag:s19] =	ssyncset.done $0x0;
	(pc) =	sbr.rel @p0 .LBB2_2-.Ltmp0, $4  }
0xd0: {  	s10 =	sand.u32 $0xFC00, s0;
	[sflag:s19] =	ssyncadd.s32 $0xFFFFEC00  }
0xd1: {  	[spmem:s2] =	stream.indirect.scatter.add.f32 [tilespmem:s15], [sflag:$0x10], $0x80, s11, s29, $0xb8;
	[tilespmem:$0x1A180] =	vst v63  }
0xd2: {  	s0 =	sand.u32 $0x380, s0;
	s10 =	sadd.s32 s9, s10;
	_ =	swait.ge [sflag:s13], $0x1400  }
0xd3: {  	s30 =	sor.u32 s0, s10;
	[sflag:s13] =	ssyncset.done $0x0  }
0xd4: {  	[sflag:s13] =	ssyncadd.s32 $0xFFFFEC00  }
0xd5: {  	_ =	swait.ge [sflag:s20], $0x80  }
0xd6: {  	[sflag:s20] =	ssyncset.done $0x0  }
0xd7: {  	[sflag:s20] =	ssyncadd.s32 $0xFFFFFF80  }
0xd8: {  	_ =	swait.ge [sflag:s21], $0x1400  }
0xd9: {  	[sflag:s21] =	ssyncset.done $0x0  }
0xda: {  	s28 =	simm.s32 $0x380;
	s12 =	simm.s32 $0x4100;
	[sflag:s21] =	ssyncadd.s32 $0xFFFFEC00  }
0xdb: {  	[spmem:s2] =	stream.indirect.scatter.add.f32 [tilespmem:s12], [sflag:$0x10], $0x80, s28, s29, $0xb8;
	[tilespmem:$0x1A180] =	vst v63  }
0xdc: {  	_ =	swait.ge [sflag:s13], $0x1400  }
0xdd: {  	[sflag:s13] =	ssyncset.done $0x0  }
0xde: {  	[sflag:s13] =	ssyncadd.s32 $0xFFFFEC00  }
0xdf: {  	_ =	swait.ge [sflag:s22], $0x80  }
0xe0: {  	[sflag:s22] =	ssyncset.done $0x0  }
0xe1: {  	[sflag:s22] =	ssyncadd.s32 $0xFFFFFF80  }
0xe2: {  	_ =	swait.ge [sflag:s23], $0x1400  }
0xe3: {  	[sflag:s23] =	ssyncset.done $0x0  }
0xe4: {  	s0 =	simm.s32 $0x480;
	s15 =	simm.s32 $0x5500;
	[sflag:s23] =	ssyncadd.s32 $0xFFFFEC00  }
0xe5: {  	[spmem:s2] =	stream.indirect.scatter.add.f32 [tilespmem:s15], [sflag:$0x10], $0x80, s0, s29, $0xb8;
	[tilespmem:$0x1A180] =	vst v63  }
0xe6: {  	s16 =	sshrl.u32 s30, $0x3;
	s10 =	sadd.s32 $0xFFFFFE80, s24;
	_ =	swait.ge [sflag:s13], $0x1400  }
0xe7: {  	s26 =	sadd.s32 $0xFFFFFF00, s24;
	s14 =	sadd.s32 s5, s16;
	[sflag:s13] =	ssyncset.done $0x0  }
0xe8: {  	s17 =	sand.u32 $0x1FC00, s10;
	s10 =	sand.u32 $0x380, s10;
	[sflag:s13] =	ssyncadd.s32 $0xFFFFEC00  }
0xe9: {  	[tilespmem:s4], [sflag:$0x6] =	stream.linear.gather [hbm4b:s14+s4], $0x80, $0x38;
	[tilespmem:$0x1A180] =	vst v63  }
0xea: {  	s25 =	sadd.s32 s9, s17;
	s0 =	sadd.s32 s6, s16;
	s16 =	simm.s32 $0x80  }
0xeb: {  	[tilespmem:s16], [sflag:$0xB] =	stream.linear.gather [hbm4b:s0+s4], $0x80, $0x38;
	[tilespmem:$0x1A180] =	vst v63  }
0xec: {  	s3 =	sand.u32 $0x1FC00, s26;
	s0 =	sor.u32 s10, s25  }
0xed: {  	s14 =	sand.u32 $0x380, s26;
	s10 =	sadd.s32 s9, s3;
	s0 =	sshrl.u32 s0, $0x3  }
0xee: {  	s25 =	simm.s32 $0x100;
	s10 =	sor.u32 s14, s10;
	s11 =	sadd.s32 s5, s0  }
0xef: {  	[tilespmem:s25], [sflag:$0x7] =	stream.linear.gather [hbm4b:s11+s4], $0x80, $0x38;
	[tilespmem:$0x1A180] =	vst v63  }
0xf0: {  	s3 =	simm.s32 $0x180;
	s10 =	sshrl.u32 s10, $0x3;
	s0 =	sadd.s32 s6, s0  }
0xf1: {  	[tilespmem:s3], [sflag:$0xC] =	stream.linear.gather [hbm4b:s0+s4], $0x80, $0x38;
	[tilespmem:$0x1A180] =	vst v63  }
0xf2: {  	s17 =	sadd.s32 $0xFFFFFF80, s24;
	s26 =	simm.s32 $0x200;
	s14 =	sadd.s32 s5, s10  }
0xf3: {  	[tilespmem:s26], [sflag:$0x8] =	stream.linear.gather [hbm4b:s14+s4], $0x80, $0x38;
	[tilespmem:$0x1A180] =	vst v63  }
0xf4: {  	s10 =	sadd.s32 s6, s10;
	s11 =	simm.s32 $0x280;
	s14 =	sand.u32 $0x1FC00, s17  }
0xf5: {  	[tilespmem:s11], [sflag:$0xD] =	stream.linear.gather [hbm4b:s10+s4], $0x80, $0x38;
	[tilespmem:$0x1A180] =	vst v63  }
0xf6: {  	s0 =	sand.u32 $0x380, s17;
	s10 =	sadd.s32 s9, s14  }
0xf7: {  	s17 =	sand.u32 $0x1FC00, s24;
	s0 =	sor.u32 s0, s10  }
0xf8: {  	s24 =	sand.u32 $0x380, s24;
	s10 =	sadd.s32 s9, s17;
	s0 =	sshrl.u32 s0, $0x3  }
0xf9: {  	s10 =	sor.u32 s24, s10;
	s24 =	simm.s32 $0x300;
	s17 =	sadd.s32 s5, s0  }
0xfa: {  	[tilespmem:s24], [sflag:$0x9] =	stream.linear.gather [hbm4b:s17+s4], $0x80, $0x38;
	[tilespmem:$0x1A180] =	vst v63  }
0xfb: {  	s0 =	sadd.s32 s6, s0;
	s10 =	sshrl.u32 s10, $0x3  }
0xfc: {  	[tilespmem:s28], [sflag:$0xE] =	stream.linear.gather [hbm4b:s0+s4], $0x80, $0x38;
	[tilespmem:$0x1A180] =	vst v63  }
0xfd: {  	s14 =	simm.s32 $0x400;
	s17 =	sadd.s32 s5, s10  }
0xfe: {  	[tilespmem:s14], [sflag:$0xA] =	stream.linear.gather [hbm4b:s17+s4], $0x80, $0x38;
	[tilespmem:$0x1A180] =	vst v63  }
0xff: {  	s7 =	simm.s32 $0x480;
	s17 =	sadd.s32 s6, s10;
	s10 =	simm.s32 $0x6  }
0x100: {  	[tilespmem:s7], [sflag:$0xF] =	stream.linear.gather [hbm4b:s17+s4], $0x80, $0x38;
	[tilespmem:$0x1A180] =	vst v63  }
0x101: {  	_ =	swait.ge [sflag:s10], $0x80  }
0x102: {  	[sflag:s10] =	ssyncset.done $0x0  }
0x103: {  	s0 =	simm.s32 $0x500;
	s17 =	simm.s32 $0x7;
	[sflag:s10] =	ssyncadd.s32 $0xFFFFFF80  }
0x104: {  	[tilespmem:s0], [sflag:$0x1] =	stream.indirect.gather [hbm4b:s1+s29], $0x80, s4, s29, $0xb8;
	[tilespmem:$0x1A180] =	vst v63  }
0x105: {  	_ =	swait.ge [sflag:s17], $0x80  }
0x106: {  	[sflag:s17] =	ssyncset.done $0x0  }
0x107: {  	s10 =	simm.s32 $0x1900;
	[sflag:s17] =	ssyncadd.s32 $0xFFFFFF80;
	s17 =	simm.s32 $0x8  }
0x108: {  	[tilespmem:s10], [sflag:$0x2] =	stream.indirect.gather [hbm4b:s1+s29], $0x80, s25, s29, $0xb8;
	[tilespmem:$0x1A180] =	vst v63  }
0x109: {  	_ =	swait.ge [sflag:s17], $0x80  }
0x10a: {  	[sflag:s17] =	ssyncset.done $0x0  }
0x10b: {  	[sflag:s17] =	ssyncadd.s32 $0xFFFFFF80;
	s17 =	simm.s32 $0x2D00  }
0x10c: {  	[tilespmem:s17], [sflag:$0x3] =	stream.indirect.gather [hbm4b:s1+s29], $0x80, s26, s29, $0xb8;
	[tilespmem:$0x1A180] =	vst v63  }
0x10d: {  	s26 =	simm.s32 $0x9  }
0x10e: {  	_ =	swait.ge [sflag:s26], $0x80  }
0x10f: {  	[sflag:s26] =	ssyncset.done $0x0  }
0x110: {  	s7 =	simm.s32 $0xA;
	[sflag:s26] =	ssyncadd.s32 $0xFFFFFF80  }
0x111: {  	[tilespmem:s12], [sflag:$0x4] =	stream.indirect.gather [hbm4b:s1+s29], $0x80, s24, s29, $0xb8;
	[tilespmem:$0x1A180] =	vst v63  }
0x112: {  	_ =	swait.ge [sflag:s7], $0x80  }
0x113: {  	[sflag:s7] =	ssyncset.done $0x0  }
0x114: {  	s25 =	simm.s32 $0xB;
	[sflag:s7] =	ssyncadd.s32 $0xFFFFFF80  }
0x115: {  	[tilespmem:s15], [sflag:$0x5] =	stream.indirect.gather [hbm4b:s1+s29], $0x80, s14, s29, $0xb8;
	[tilespmem:$0x1A180] =	vst v63  }
0x116: {  	_ =	swait.ge [sflag:s25], $0x80  }
0x117: {  	[sflag:s25] =	ssyncset.done $0x0  }
0x118: {  	s26 =	simm.s32 $0x1;
	[sflag:s25] =	ssyncadd.s32 $0xFFFFFF80  }
0x119: {  	_ =	swait.ge [sflag:s26], $0x1400  }
0x11a: {  	[sflag:s26] =	ssyncset.done $0x0  }
0x11b: {  	[sflag:s26] =	ssyncadd.s32 $0xFFFFEC00  }
0x11c: {  	[spmem:s2] =	stream.indirect.scatter.add.f32 [tilespmem:s0], [sflag:$0x10], $0x80, s16, s29, $0xb8;
	[tilespmem:$0x1A180] =	vst v63  }
0x11d: {  	_ =	swait.ge [sflag:s13], $0x1400  }
0x11e: {  	[sflag:s13] =	ssyncset.done $0x0  }
0x11f: {  	s14 =	simm.s32 $0xC;
	[sflag:s13] =	ssyncadd.s32 $0xFFFFEC00  }
0x120: {  	_ =	swait.ge [sflag:s14], $0x80  }
0x121: {  	[sflag:s14] =	ssyncset.done $0x0  }
0x122: {  	[sflag:s14] =	ssyncadd.s32 $0xFFFFFF80  }
0x123: {  	_ =	swait.ge [sflag:s8], $0x1400  }
0x124: {  	[sflag:s8] =	ssyncset.done $0x0  }
0x125: {  	[sflag:s8] =	ssyncadd.s32 $0xFFFFEC00  }
0x126: {  	[spmem:s2] =	stream.indirect.scatter.add.f32 [tilespmem:s10], [sflag:$0x10], $0x80, s3, s29, $0xb8;
	[tilespmem:$0x1A180] =	vst v63  }
0x127: {  	_ =	swait.ge [sflag:s13], $0x1400  }
0x128: {  	[sflag:s13] =	ssyncset.done $0x0  }
0x129: {  	[sflag:s13] =	ssyncadd.s32 $0xFFFFEC00  }
0x12a: {  	_ =	swait.ge [sflag:s18], $0x80  }
0x12b: {  	[sflag:s18] =	ssyncset.done $0x0  }
0x12c: {  	[sflag:s18] =	ssyncadd.s32 $0xFFFFFF80  }
0x12d: {  	_ =	swait.ge [sflag:s19], $0x1400  }
0x12e: {  	[sflag:s19] =	ssyncset.done $0x0  }
0x12f: {  	[sflag:s19] =	ssyncadd.s32 $0xFFFFEC00  }
0x130: {  	[spmem:s2] =	stream.indirect.scatter.add.f32 [tilespmem:s17], [sflag:$0x10], $0x80, s11, s29, $0xb8;
	[tilespmem:$0x1A180] =	vst v63  }
0x131: {  	_ =	swait.ge [sflag:s13], $0x1400  }
0x132: {  	[sflag:s13] =	ssyncset.done $0x0  }
0x133: {  	[sflag:s13] =	ssyncadd.s32 $0xFFFFEC00  }
0x134: {  	_ =	swait.ge [sflag:s20], $0x80  }
0x135: {  	[sflag:s20] =	ssyncset.done $0x0  }
0x136: {  	[sflag:s20] =	ssyncadd.s32 $0xFFFFFF80  }
0x137: {  	_ =	swait.ge [sflag:s21], $0x1400  }
0x138: {  	[sflag:s21] =	ssyncset.done $0x0  }
0x139: {  	[sflag:s21] =	ssyncadd.s32 $0xFFFFEC00  }
0x13a: {  	[spmem:s2] =	stream.indirect.scatter.add.f32 [tilespmem:s12], [sflag:$0x10], $0x80, s28, s29, $0xb8;
	[tilespmem:$0x1A180] =	vst v63  }
0x13b: {  	_ =	swait.ge [sflag:s13], $0x1400  }
0x13c: {  	[sflag:s13] =	ssyncset.done $0x0  }
0x13d: {  	[sflag:s13] =	ssyncadd.s32 $0xFFFFEC00  }
0x13e: {  	_ =	swait.ge [sflag:s22], $0x80  }
0x13f: {  	[sflag:s22] =	ssyncset.done $0x0  }
0x140: {  	[sflag:s22] =	ssyncadd.s32 $0xFFFFFF80  }
0x141: {  	_ =	swait.ge [sflag:s23], $0x1400  }
0x142: {  	[sflag:s23] =	ssyncset.done $0x0  }
0x143: {  	s16 =	simm.s32 $0x480;
	[sflag:s23] =	ssyncadd.s32 $0xFFFFEC00  }
0x144: {  	[spmem:s2] =	stream.indirect.scatter.add.f32 [tilespmem:s15], [sflag:$0x10], $0x80, s16, s29, $0xb8;
	[tilespmem:$0x1A180] =	vst v63  }
0x145: {  	_ =	swait.ge [sflag:s13], $0x1400  }
0x146: {  	[sflag:s13] =	ssyncset.done $0x0  }
0x147: {  	[sflag:s13] =	ssyncadd.s32 $0xFFFFEC00  }
0x148: {  	[bflag:$0x0] =	sbarrier.arrive $0xFFFF  }
0x149: {  	s16 =	rddreg [dreg:$0x5]  }
0x14a: {  	s17 =	rddreg [dreg:$0x6]  }
0x14b: {  	s24 =	rddreg [dreg:$0x8]  }
0x14c: {  	[hbm:s17], [sflag:s16] =	dma.local [spmem:s24], $0x2710  }
0x14d: {  	_ =	swait.ge [sflag:s13], $0x2710  }
0x14e: {  	s25 =	rddreg [dreg:$0xd]  }
0x14f: {  	s26 =	rddreg [dreg:$0x7];
	s3 =	sadd.s32 $0x1, s25  }
0x150: {  	p0 =	sne.s32 s3, s26  }
.Ltmp1:
0x151: {  	_ = 	snop;
	(pc) =	sbr.rel @p0 .LBB2_1-.Ltmp1, $3  }
0x152: {  	_ =	sdelay $0x1  }
0x153: {  	s30 =	simm.s32 $0x380;
	s31 =	simm.s32 $0x4100;
	[sflag:s13] =	ssyncset.done $0x0  }
0x154: {  	s11 =	simm.s32 $0x5500;
	s28 =	simm.s32 $0x480;
	[sflag:s13] =	ssyncadd.s32 $0xFFFFD8F0  }
0x155: {  	_ =	sfence.sel $0x180000  }
0x156: {  	[bflag:$0x0] =	sbarrier.arrive $0xFFFF  }
0x157: {  	_ =	strace $0x9000004A  }
0x158: {  	s0 =	stileid.u32;
	[bflag:$0x2] =	sbarrier.arrive $0xFFFF  }
0x159: {  	p0 =	sne.s32 s0, $0x0;
	s0 =	rddreg [dreg:$0x3]  }
0x15a: {  	s0 =	sadd.s32 @!p0 $0x100000, s0  }
0x15b: {  	[sflag:s0] =	ssyncadd.tile.s32 @!p0 $0x1;
	_ =	shalt  }
.Lfunc_end2:
_tile_overlayer_lowered:
.L_overlay_start_2:
0x15c: {  	(tag) =	ssettag $0x2  }
0x15d: {  	s0 =	rddreg [dreg:$0x0];
	s2 =	stileid.u32  }
0x15e: {  	s1 =	rddreg [dreg:$0x1];
	p0 =	sne.s32 s2, $0x0  }
0x15f: {  	s3 =	rddreg [dreg:$0x2];
	[bflag:$0x3] =	sbarrier.arrive $0xFFFF;
	s2 =	simm.s32 @!p0 $0x1C10  }
0x160: {  	[timem:s3], [sflag:s2] =	dma.local @!p0 [hbm:s0], s1  }
0x161: {  	s0 =	simm.s32 @!p0 $0x10  }
0x162: {  	_ =	swait.ge @!p0 [sflag:s0], s1  }
0x163: {  	s1 =	ssub.s32 @!p0 $0x0, s1;
	[sflag:s0] =	ssyncset.done @!p0 $0x0  }
0x164: {  	[sflag:s0] =	ssyncadd.s32 @!p0 s1  }
0x165: {  	[bflag:$0x3] =	sbarrier.arrive $0xFFFF  }
0x166: {  	_ =	shalt  }

// kernel: kernel.15.cloned.1.call-start
scs
__scs_entry_jumppad:
0x0: {  	(pc) =	sbr.rel $0x88, $3  }
0x1: {  	(tag) =	ssettag $0x0;
	lr =	simm.s32 $0x1  }
0x2: {  	[smem:$0x3F9B] =	sst lr;
	_ =	strace $0xD0000000  }
0x3: {  	_ = 	snop  }
0x4: {  	_ = 	snop  }
0x5: {  	_ = 	snop  }
0x6: {  	_ = 	snop  }
0x7: {  	_ = 	snop  }
__scs_overlays_trampoline_lowered:
0x8: {  	[smem:$0x3FAA] =	sst s0  }
0x9: {  	[smem:$0x3FAB] =	sst s1  }
0xa: {  	[smem:$0x3FAC] =	sst s2  }
0xb: {  	[smem:$0x3FAD] =	sst s3  }
0xc: {  	[smem:$0x3FAE] =	sst s4  }
0xd: {  	[smem:$0x3FAF] =	sst s5  }
0xe: {  	[smem:$0x3FB0] =	sst s6  }
0xf: {  	[smem:$0x3FB1] =	sst s7  }
0x10: {  	[smem:$0x3FB2] =	sst s8  }
0x11: {  	[smem:$0x3FB3] =	sst s9;
	s0 =	simm.s32 @!p0 $0x0  }
0x12: {  	s1 =	sld [smem:$0x3F99];
	s0 =	simm.s32 @p0 $0x1  }
0x13: {  	[smem:$0x3FB4] =	sst s0;
	s0 =	simm.s32 @!p1 $0x0  }
0x14: {  	s2 =	sld [smem:$0x3F98];
	s0 =	simm.s32 @p1 $0x1  }
0x15: {  	[smem:$0x3FB5] =	sst s0;
	s0 =	simm.s32 @!p2 $0x0  }
0x16: {  	s3 =	sld [smem:$0x3FDB];
	s0 =	simm.s32 @p2 $0x1  }
0x17: {  	s4 =	simm.s32 $0x1BF5;
	[smem:$0x3FB7] =	sst s0  }
0x18: {  	s0 =	sld [smem:$0x3F9A];
	_ =	swait.ge [sflag:s4], $0x0  }
0x19: {  	s7 =	sld [smem:$0x3F9B]  }
0x1a: {  	s8 =	sadd.s32 $0xFFFFE003, lr  }
0x1b: {  	s9 =	sadd.s32 $0xFFFFFEF7, lr;
	s5 =	simm.s32 $0xFFFFFFFF;
	p2 =	slt.u32 s8, $0xFFFFF086  }
0x1c: {  	p1 =	slt.u32 s9, $0xF7A;
	s5 =	simm.s32 @!p2 $0x0  }
0x1d: {  	s5 =	simm.s32 @p1 $0x1;
	p0 =	seq.s32 s7, s2  }
0x1e: {  	s7 =	smul.u32 @!p0 $0xF7A, s2;
	p2 =	seq.s32 @!p0 s5, $0x0  }
0x1f: {  	s9 =	smul.u32 $0xF7A, s1;
	s8 =	simm.s32 @!p0 $0x1BF5;
	p2 =	por !p2, p0  }
0x20: {  	[sflag:s8] =	ssyncset.s32 @!p0 $0xFFFFF086;
	s6 =	sadd.s32 @!p0 s3, s7;
	s7 =	simm.s32 @!p0 $0x108  }
0x21: {  	s3 =	sadd.s32 s3, s9;
	s6 =	sadd.s32 @!p0 $0x88, s6;
	s7 =	simm.s32 @p2 $0x1082  }
0x22: {  	[simem:s7], [sflag:s8] =	dma.local @!p0 [hbm:s6], $0xF7A  }
0x23: {  	s9 =	sor.u32 $0xD0000000, s2;
	s6 =	simm.s32 $0x108;
	_ =	swait.ge @!p0 [sflag:s8], $0x0  }
0x24: {  	s3 =	sadd.s32 $0x88, s3;
	s6 =	simm.s32 @!p1 $0x1082;
	[sflag:s4] =	ssyncset.s32 $0xFFFFF086  }
0x25: {  	[simem:s6], [sflag:s4] =	dma.local [hbm:s3], $0xF7A  }
0x26: {  	[smem:$0x3F9B] =	sst s1;
	(tag) =	ssettag s2;
	_ =	strace s9  }
0x27: {  	s1 =	sld [smem:$0x3FAB]  }
0x28: {  	s2 =	sld [smem:$0x3FAC]  }
0x29: {  	s4 =	sld [smem:$0x3FAE]  }
0x2a: {  	p0 =	seq.s32 s5, $0x0;
	s5 =	sld [smem:$0x3FAF]  }
0x2b: {  	s6 =	sld [smem:$0x3FB0]  }
0x2c: {  	s7 =	sld [smem:$0x3FB1]  }
0x2d: {  	s3 =	simm.s32 $0x108;
	s8 =	sld [smem:$0x3FB2]  }
0x2e: {  	s3 =	simm.s32 @!p0 $0x1082;
	s9 =	sld [smem:$0x3FB3]  }
0x2f: {  	lr =	sadd.s32 s0, s3;
	s0 =	sld [smem:$0x3FAA]  }
0x30: {  	s3 =	sld [smem:$0x3FAD]  }
0x31: {  	[smem:$0x3FB6] =	sst s10  }
0x32: {  	s10 =	sld [smem:$0x3FB4];
	_ =	sdelay $0x3  }
0x33: {  	p0 =	seq.s32 s10, $0x1;
	s10 =	sld [smem:$0x3FB6];
	_ =	sdelay $0x3  }
0x34: {  	[smem:$0x3FB6] =	sst s10  }
0x35: {  	s10 =	sld [smem:$0x3FB5];
	_ =	sdelay $0x3  }
0x36: {  	p1 =	seq.s32 s10, $0x1;
	s10 =	sld [smem:$0x3FB6];
	_ =	sdelay $0x3  }
0x37: {  	[smem:$0x3FB6] =	sst s10  }
0x38: {  	s10 =	sld [smem:$0x3FB7]  }
0x39: {  	_ = 	snop;
	(pc) =	sbr.ind lr, $3  }
0x3a: {  	_ = 	snop  }
0x3b: {  	_ = 	snop  }
0x3c: {  	p2 =	seq.s32 s10, $0x1;
	s10 =	sld [smem:$0x3FB6]  }
0x3d: {  	_ =	shalt  }
0x3e: {  	_ =	shalt  }
0x3f: {  	_ =	shalt  }
0x40: {  	_ =	shalt  }
0x41: {  	_ =	shalt  }
0x42: {  	_ =	shalt  }
0x43: {  	_ =	shalt  }
0x44: {  	_ =	shalt  }
0x45: {  	_ =	shalt  }
0x46: {  	_ =	shalt  }
0x47: {  	_ =	shalt  }
0x48: {  	_ =	shalt  }
0x49: {  	_ =	shalt  }
0x4a: {  	_ =	shalt  }
0x4b: {  	_ =	shalt  }
0x4c: {  	_ =	shalt  }
0x4d: {  	_ =	shalt  }
0x4e: {  	_ =	shalt  }
0x4f: {  	_ =	shalt  }
0x50: {  	_ =	shalt  }
0x51: {  	_ =	shalt  }
0x52: {  	_ =	shalt  }
0x53: {  	_ =	shalt  }
0x54: {  	_ =	shalt  }
0x55: {  	_ =	shalt  }
0x56: {  	_ =	shalt  }
0x57: {  	_ =	shalt  }
0x58: {  	_ =	shalt  }
0x59: {  	_ =	shalt  }
0x5a: {  	_ =	shalt  }
0x5b: {  	_ =	shalt  }
0x5c: {  	_ =	shalt  }
0x5d: {  	_ =	shalt  }
0x5e: {  	_ =	shalt  }
0x5f: {  	_ =	shalt  }
0x60: {  	_ =	shalt  }
0x61: {  	_ =	shalt  }
0x62: {  	_ =	shalt  }
0x63: {  	_ =	shalt  }
0x64: {  	_ =	shalt  }
0x65: {  	_ =	shalt  }
0x66: {  	_ =	shalt  }
0x67: {  	_ =	shalt  }
0x68: {  	_ =	shalt  }
0x69: {  	_ =	shalt  }
0x6a: {  	_ =	shalt  }
0x6b: {  	_ =	shalt  }
0x6c: {  	_ =	shalt  }
0x6d: {  	_ =	shalt  }
0x6e: {  	_ =	shalt  }
0x6f: {  	_ =	shalt  }
0x70: {  	_ =	shalt  }
0x71: {  	_ =	shalt  }
0x72: {  	_ =	shalt  }
0x73: {  	_ =	shalt  }
0x74: {  	_ =	shalt  }
0x75: {  	_ =	shalt  }
0x76: {  	_ =	shalt  }
0x77: {  	_ =	shalt  }
0x78: {  	_ =	shalt  }
0x79: {  	_ =	shalt  }
0x7a: {  	_ =	shalt  }
0x7b: {  	_ =	shalt  }
0x7c: {  	_ =	shalt  }
0x7d: {  	_ =	shalt  }
0x7e: {  	_ =	shalt  }
0x7f: {  	_ =	shalt  }
0x80: {  	_ =	shalt  }
0x81: {  	_ =	shalt  }
0x82: {  	_ =	shalt  }
0x83: {  	_ =	shalt  }
0x84: {  	_ =	shalt  }
0x85: {  	_ =	shalt  }
0x86: {  	_ =	shalt  }
0x87: {  	_ =	shalt  }
.Lfunc_end0:
.L_simem_size_0:
called_computation.2_lowered:
.L_overlay_start_0:
0x88: {  	s2 =	sld [smem:$0x3FD9]  }
0x89: {  	s3 =	sld [smem:$0x3FFE];
	_ =	sdelay $0x1  }
0x8a: {  	s1 =	srdreg.scid  }
0x8b: {  	s0 =	sand.u32 $0x1, s1  }
0x8c: {  	s17 =	sshll.u32 s0, $0xA;
	s2 =	sadd.s32 s3, s2  }
0x8d: {  	s2 =	sadd.s32 s2, s17  }
0x8e: {  	[smem:$0x3FC2] =	sst s2  }
0x8f: {  	_ = 	snop  }
0x90: {  	s2 =	sld [smem:$0x3FD0];
	(tm) =	ssettm $0x1  }
0x91: {  	s18 =	sld [smem:$0x3FFB];
	_ =	sdelay $0x3  }
0x92: {  	_ =	strace s18  }
0x93: {  	s3 =	sld [smem:$0x3FFC];
	_ =	sdelay $0x3  }
0x94: {  	_ =	strace s3  }
0x95: {  	s3 =	sld [smem:$0x3FFD];
	_ =	sdelay $0x3  }
0x96: {  	_ =	strace s3  }
0x97: {  	_ =	strace $0x8FFFFFFF  }
0x98: {  	s19 =	sld [smem:$0x3FDB];
	_ =	sdelay $0x1  }
0x99: {  	s4 =	simm.s32 $_scs_section_size  }
0x9a: {  	s5 =	simm.s32 $_size__tile_overlayer_lowered;
	s6 =	simm.s32 $_tile_overlayer_lowered  }
0x9b: {  	s22 =	simm.s32 $0x1BFF;
	s21 =	sshll.u32 s6, $0x1;
	s3 =	sadd.s32 s4, s19  }
0x9c: {  	s7 =	simm.s32 $0x0;
	s20 =	sshll.u32 s5, $0x1;
	s5 =	sadd.s32 s21, s3  }
0x9d: {  	[timem:s7], [sflag:s22] =	dma.local [hbm:s5], s20  }
0x9e: {  	_ =	swait.ge [sflag:s22], s20  }
0x9f: {  	s4 =	ssub.s32 $0x0, s20;
	[sflag:s22] =	ssyncset.done $0x0  }
0xa0: {  	[sflag:s22] =	ssyncadd.s32 s4;
	_ =	sdelay $0x1  }
0xa1: {  	s23 =	simm.s32 $0x1B8B  }
0xa2: {  	_ =	swait.ge [sflag:s23], $0x1  }
0xa3: {  	[sflag:s23] =	ssyncset.done $0x0  }
0xa4: {  	s25 =	simm.s32 $0x1B8E;
	s24 =	sld [smem:$0x3FFE];
	[sflag:s23] =	ssyncadd.s32 $0xFFFFFFFF  }
0xa5: {  	s26 =	simm.s32 $execute0_lowered;
	[smem:$0x3FD2] =	sst s25  }
0xa6: {  	s5 =	sshll.u32 s26, $0x1;
	_ =	strace $0x8000004C;
	[dreg:$0x1] =	wrdreg $0xFFFFFFFF  }
0xa7: {  	s28 =	simm.s32 $_size_execute0_lowered;
	s3 =	sadd.s32 s3, s5;
	[dreg:$0x0] =	wrdreg $0x0  }
0xa8: {  	s5 =	sshll.u32 s28, $0x1;
	[dreg:$0x2] =	wrdreg s3  }
0xa9: {  	[dreg:$0x3] =	wrdreg s5  }
0xaa: {  	[dreg:$0x4] =	wrdreg $0xC0  }
0xab: {  	_ =	task [dreg:s7], $0x5FFFF  }
0xac: {  	[dreg:$0x1] =	wrdreg $0xFFFFFFFF  }
0xad: {  	[dreg:$0x0] =	wrdreg $0x60  }
0xae: {  	[dreg:$0x2] =	wrdreg s2  }
0xaf: {  	[dreg:$0x3] =	wrdreg s24  }
0xb0: {  	[dreg:$0x4] =	wrdreg $0x69000  }
0xb1: {  	[dreg:$0x5] =	wrdreg $0x9  }
0xb2: {  	_ =	task.clear_ibuf [dreg:s7], $0x6FFFF;
	_ =	strace $0x9000004C  }
0xb3: {  	s29 =	simm.s32 $0x9;
	_ =	strace $0x8000004E  }
0xb4: {  	_ =	swait.ge [sflag:s29], $0x1  }
0xb5: {  	[sflag:s29] =	ssyncadd.s32 $0xFFFFFFFF  }
0xb6: {  	_ =	strace $0x9000004E  }
0xb7: {  	_ =	sfence  }
0xb8: {  	s30 =	sld [smem:$0x0];
	_ =	sdelay $0x2  }
0xb9: {  	s31 =	sshll.u32 s1, $0xD;
	s1 =	sshrl.u32 s1, $0x2  }
0xba: {  	s3 =	sand.u32 $0x4000, s31;
	s1 =	sadd.s32 s1, s30  }
0xbb: {  	s0 =	sor.u32 s3, s0;
	s1 =	sshll.u32 s1, $0x11  }
0xbc: {  	s0 =	sor.u32 s1, s0  }
0xbd: {  	s0 =	sadd.s32 $0x8F2B, s0  }
0xbe: {  	[sflag:s0] =	ssyncadd.remote.s32 $0x1  }
0xbf: {  	_ =	sfence.sel $0xFFFF  }
0xc0: {  	[dreg:$0x0] =	wrdreg $0xFFFFFFFF;
	(pc) =	sbr.abs _section_cstart, $3  }
0xc1: {  	[dreg:$0x1] =	wrdreg $0xFFFFFFFF  }
0xc2: {  	_ =	task.clear_ibuf [dreg:s7], $0x2FFFF;
	_ =	strace $0x9FFFFFFF  }
0xc3: {  	(tm) =	ssettm $0x7FFFFFFF  }
tec
execute0_lowered:
.L_overlay_start_1:
0x0: {  	(tag) =	ssettag $0x1  }
0x1: {  	s1 =	rddreg [dreg:$0x0]  }
0x2: {  	s0 =	rddreg [dreg:$0x1]  }
0x3: {  	s2 =	rddreg [dreg:$0x2];
	s3 =	srdreg.scid;
	s4 =	simm.s32 $0x0  }
0x4: {  	s12 =	stileid.u32;
	s13 =	simm.s32 $0x10;
	s30 =	simm.s32 $0x380  }
0x5: {  	s28 =	simm.s32 $0x480;
	s29 =	simm.s32 $0x28;
	s31 =	simm.s32 $0x4100  }
0x6: {  	s3 =	sand.u32 $0x1, s3;
	[smem:$0x7FF] =	sst s4;
	s7 =	smul.u32 $0x13C00, s12  }
0x7: {  	s5 =	sadd.s32 $0x40600, s0;
	s8 =	smul.u32 $0x4E200, s12;
	s9 =	sadd.s32 $0x2600, s0  }
0x8: {  	s10 =	sshll.u32 s12, $0x6;
	s19 =	sshll.u32 s12, $0x10;
	s6 =	smul.u32 $0x13C000, s3  }
0x9: {  	_ =	strace $0x8000004D;
	[dreg:$0x4] =	wrdreg s9;
	s16 =	ssub.s32 $0x2, s3  }
0xa: {  	s3 =	sshll.u32 s3, $0xF;
	s8 =	sshrl.u32 s8, $0x2;
	s17 =	sshrl.u32 s16, $0x1  }
0xb: {  	s9 =	sor.u32 s3, s19;
	s19 =	simm.s32 $0x3;
	s3 =	simm.s32 $0x0  }
0xc: {  	s7 =	sadd.s32 s7, s6;
	s6 =	sadd.s32 $0x20600, s0;
	s8 =	sadd.s32 s8, s2  }
0xd: {  	s7 =	sshrl.u32 s7, $0x3;
	s18 =	sadd.s32 $0x3E80, s8;
	s11 =	sadd.s32 $0x7D00, s8  }
0xe: {  	s20 =	sadd.s32 $0xBB80, s8;
	s14 =	sadd.s32 $0xFA00, s8;
	s24 =	sshrl.u32 s8, $0x3  }
0xf: {  	s8 =	simm.s32 $0x2;
	s22 =	sshrl.u32 s18, $0x3;
	[dreg:$0x8] =	wrdreg s24  }
0x10: {  	s0 =	sadd.s32 s7, s0;
	s23 =	sshrl.u32 s11, $0x3;
	[dreg:$0x9] =	wrdreg s22  }
0x11: {  	s7 =	ssub.s32 s16, s17;
	s25 =	sshrl.u32 s20, $0x3;
	[dreg:$0xa] =	wrdreg s23  }
0x12: {  	s16 =	sor.u32 $0x1C10, s10;
	s26 =	sshrl.u32 s14, $0x3;
	[dreg:$0xb] =	wrdreg s25  }
0x13: {  	s11 =	simm.s32 $0x5500;
	s18 =	simm.s32 $0xD;
	[dreg:$0xc] =	wrdreg s26  }
0x14: {  	s20 =	simm.s32 $0xE;
	s0 =	sadd.s32 $0x60600, s0;
	[dreg:$0x5] =	wrdreg s16  }
0x15: {  	s21 =	smax.u32 s7, $0x1;
	s22 =	simm.s32 $0xF;
	[dreg:$0x6] =	wrdreg s0  }
0x16: {  	s23 =	simm.s32 $0x5;
	[dreg:$0x7] =	wrdreg s21;
	s21 =	simm.s32 $0x4  }
.LBB2_1:
0x17: {  	[dreg:$0xd] =	wrdreg s3  }
0x18: {  	s0 =	rddreg [dreg:$0x4]  }
0x19: {  	[spmem:s24], [sflag:s16] =	dma.local [hbm:s0], $0x7D0  }
0x1a: {  	_ =	swait.ge [sflag:s13], $0x7D0  }
0x1b: {  	[sflag:s13] =	ssyncset.done $0x0  }
0x1c: {  	s10 =	rddreg [dreg:$0x9];
	[sflag:s13] =	ssyncadd.s32 $0xFFFFF830  }
0x1d: {  	[spmem:s10], [sflag:s16] =	dma.local [hbm:s0], $0x7D0  }
0x1e: {  	_ =	swait.ge [sflag:s13], $0x7D0  }
0x1f: {  	[sflag:s13] =	ssyncset.done $0x0  }
0x20: {  	s26 =	rddreg [dreg:$0xa];
	[sflag:s13] =	ssyncadd.s32 $0xFFFFF830  }
0x21: {  	[spmem:s26], [sflag:s16] =	dma.local [hbm:s0], $0x7D0  }
0x22: {  	_ =	swait.ge [sflag:s13], $0x7D0  }
0x23: {  	[sflag:s13] =	ssyncset.done $0x0  }
0x24: {  	s12 =	simm.s32 $0x0;
	s3 =	rddreg [dreg:$0xb];
	[sflag:s13] =	ssyncadd.s32 $0xFFFFF830  }
0x25: {  	[spmem:s3], [sflag:s16] =	dma.local [hbm:s0], $0x7D0  }
0x26: {  	s14 =	simm.s32 $0x80;
	s17 =	simm.s32 $0x100;
	_ =	swait.ge [sflag:s13], $0x7D0  }
0x27: {  	s25 =	sand.u32 $0xFC00, s12;
	s24 =	sand.u32 $0x380, s12;
	[sflag:s13] =	ssyncset.done $0x0  }
0x28: {  	s15 =	sand.u32 $0x1FC00, s14;
	s7 =	rddreg [dreg:$0xc];
	[sflag:s13] =	ssyncadd.s32 $0xFFFFF830  }
0x29: {  	[spmem:s7], [sflag:s16] =	dma.local [hbm:s0], $0x7D0  }
0x2a: {  	s12 =	simm.s32 $0x180;
	s25 =	sadd.s32 s9, s25;
	_ =	swait.ge [sflag:s13], $0x7D0  }
0x2b: {  	s24 =	sor.u32 s24, s25;
	s25 =	sand.u32 $0x380, s14;
	[sflag:s13] =	ssyncset.done $0x0  }
0x2c: {  	s14 =	simm.s32 $0x200;
	s24 =	sshrl.u32 s24, $0x3;
	[sflag:s13] =	ssyncadd.s32 $0xFFFFF830  }
0x2d: {  	s10 =	simm.s32 $0x100;
	s26 =	sadd.s32 s5, s24;
	[bflag:$0x0] =	sbarrier.arrive $0xFFFF  }
0x2e: {  	[tilespmem:s4], [sflag:$0x6] =	stream.linear.gather [hbm4b:s26+s4], $0x80, $0x38;
	[tilespmem:$0x1A180] =	vst v63  }
0x2f: {  	s24 =	sadd.s32 s6, s24;
	s0 =	simm.s32 $0x80;
	s16 =	sadd.s32 s9, s15  }
0x30: {  	[tilespmem:s0], [sflag:$0xB] =	stream.linear.gather [hbm4b:s24+s4], $0x80, $0x38;
	[tilespmem:$0x1A180] =	vst v63  }
0x31: {  	s3 =	sand.u32 $0x1FC00, s17;
	s26 =	sand.u32 $0x380, s17;
	s24 =	sor.u32 s25, s16  }
0x32: {  	s17 =	sand.u32 $0x1FC00, s14;
	s25 =	sadd.s32 s9, s3;
	s24 =	sshrl.u32 s24, $0x3  }
0x33: {  	s3 =	simm.s32 $0x180;
	s25 =	sor.u32 s26, s25;
	s7 =	sadd.s32 s5, s24  }
0x34: {  	[tilespmem:s10], [sflag:$0x7] =	stream.linear.gather [hbm4b:s7+s4], $0x80, $0x38;
	[tilespmem:$0x1A180] =	vst v63  }
0x35: {  	s16 =	sand.u32 $0x1FC00, s12;
	s25 =	sshrl.u32 s25, $0x3;
	s24 =	sadd.s32 s6, s24  }
0x36: {  	[tilespmem:s3], [sflag:$0xC] =	stream.linear.gather [hbm4b:s24+s4], $0x80, $0x38;
	[tilespmem:$0x1A180] =	vst v63  }
0x37: {  	s26 =	sadd.s32 s9, s16;
	s15 =	sadd.s32 s5, s25;
	s24 =	sand.u32 $0x380, s12  }
0x38: {  	s25 =	sadd.s32 s6, s25;
	s7 =	simm.s32 $0x280;
	s24 =	sor.u32 s24, s26  }
0x39: {  	[tilespmem:s14], [sflag:$0x8] =	stream.linear.gather [hbm4b:s15+s4], $0x80, $0x38;
	[tilespmem:$0x1A180] =	vst v63  }
0x3a: {  	s12 =	sand.u32 $0x380, s14;
	s26 =	sadd.s32 s9, s17;
	s24 =	sshrl.u32 s24, $0x3  }
0x3b: {  	[tilespmem:s7], [sflag:$0xD] =	stream.linear.gather [hbm4b:s25+s4], $0x80, $0x38;
	[tilespmem:$0x1A180] =	vst v63  }
0x3c: {  	s16 =	simm.s32 $0x300;
	s15 =	sadd.s32 s5, s24;
	s25 =	sor.u32 s12, s26  }
0x3d: {  	[tilespmem:s16], [sflag:$0x9] =	stream.linear.gather [hbm4b:s15+s4], $0x80, $0x38;
	[tilespmem:$0x1A180] =	vst v63  }
0x3e: {  	s24 =	sadd.s32 s6, s24;
	s25 =	sshrl.u32 s25, $0x3  }
0x3f: {  	[tilespmem:s30], [sflag:$0xE] =	stream.linear.gather [hbm4b:s24+s4], $0x80, $0x38;
	[tilespmem:$0x1A180] =	vst v63  }
0x40: {  	s17 =	sadd.s32 s5, s25;
	s15 =	simm.s32 $0x400  }
0x41: {  	[tilespmem:s15], [sflag:$0xA] =	stream.linear.gather [hbm4b:s17+s4], $0x80, $0x38;
	[tilespmem:$0x1A180] =	vst v63  }
0x42: {  	s25 =	sadd.s32 s6, s25;
	s17 =	simm.s32 $0x6  }
0x43: {  	[tilespmem:s28], [sflag:$0xF] =	stream.linear.gather [hbm4b:s25+s4], $0x80, $0x38;
	[tilespmem:$0x1A180] =	vst v63  }
0x44: {  	_ =	swait.ge [sflag:s17], $0x80  }
0x45: {  	[sflag:s17] =	ssyncset.done $0x0  }
0x46: {  	s26 =	simm.s32 $0x7;
	[sflag:s17] =	ssyncadd.s32 $0xFFFFFF80;
	s17 =	simm.s32 $0x500  }
0x47: {  	[tilespmem:s17], [sflag:$0x1] =	stream.indirect.gather [hbm4b:s1+s29], $0x80, s4, s29, $0xb8;
	[tilespmem:$0x1A180] =	vst v63  }
0x48: {  	_ =	swait.ge [sflag:s26], $0x80  }
0x49: {  	[sflag:s26] =	ssyncset.done $0x0  }
0x4a: {  	s24 =	simm.s32 $0x1900;
	s28 =	simm.s32 $0x8;
	[sflag:s26] =	ssyncadd.s32 $0xFFFFFF80  }
0x4b: {  	[tilespmem:s24], [sflag:$0x2] =	stream.indirect.gather [hbm4b:s1+s29], $0x80, s10, s29, $0xb8;
	[tilespmem:$0x1A180] =	vst v63  }
0x4c: {  	_ =	swait.ge [sflag:s28], $0x80  }
0x4d: {  	[sflag:s28] =	ssyncset.done $0x0  }
0x4e: {  	s12 =	simm.s32 $0x9;
	s10 =	simm.s32 $0x2D00;
	[sflag:s28] =	ssyncadd.s32 $0xFFFFFF80  }
0x4f: {  	[tilespmem:s10], [sflag:$0x3] =	stream.indirect.gather [hbm4b:s1+s29], $0x80, s14, s29, $0xb8;
	[tilespmem:$0x1A180] =	vst v63  }
0x50: {  	_ =	swait.ge [sflag:s12], $0x80  }
0x51: {  	[sflag:s12] =	ssyncset.done $0x0  }
0x52: {  	[sflag:s12] =	ssyncadd.s32 $0xFFFFFF80;
	s12 =	simm.s32 $0xA  }
0x53: {  	[tilespmem:s31], [sflag:$0x4] =	stream.indirect.gather [hbm4b:s1+s29], $0x80, s16, s29, $0xb8;
	[tilespmem:$0x1A180] =	vst v63  }
0x54: {  	_ =	swait.ge [sflag:s12], $0x80  }
0x55: {  	[sflag:s12] =	ssyncset.done $0x0  }
0x56: {  	s16 =	simm.s32 $0xB;
	[sflag:s12] =	ssyncadd.s32 $0xFFFFFF80  }
0x57: {  	[tilespmem:s11], [sflag:$0x5] =	stream.indirect.gather [hbm4b:s1+s29], $0x80, s15, s29, $0xb8;
	[tilespmem:$0x1A180] =	vst v63  }
0x58: {  	_ =	swait.ge [sflag:s16], $0x80  }
0x59: {  	[sflag:s16] =	ssyncset.done $0x0  }
0x5a: {  	s25 =	simm.s32 $0x1;
	[sflag:s16] =	ssyncadd.s32 $0xFFFFFF80  }
0x5b: {  	_ =	swait.ge [sflag:s25], $0x1400  }
0x5c: {  	[sflag:s25] =	ssyncset.done $0x0  }
0x5d: {  	[sflag:s25] =	ssyncadd.s32 $0xFFFFEC00  }
0x5e: {  	[spmem:s2] =	stream.indirect.scatter.add.f32 [tilespmem:s17], [sflag:$0x10], $0x80, s0, s29, $0xb8;
	[tilespmem:$0x1A180] =	vst v63  }
0x5f: {  	_ =	swait.ge [sflag:s13], $0x1400  }
0x60: {  	[sflag:s13] =	ssyncset.done $0x0  }
0x61: {  	s26 =	simm.s32 $0xC;
	[sflag:s13] =	ssyncadd.s32 $0xFFFFEC00  }
0x62: {  	_ =	swait.ge [sflag:s26], $0x80  }
0x63: {  	[sflag:s26] =	ssyncset.done $0x0  }
0x64: {  	[sflag:s26] =	ssyncadd.s32 $0xFFFFFF80  }
0x65: {  	_ =	swait.ge [sflag:s8], $0x1400  }
0x66: {  	[sflag:s8] =	ssyncset.done $0x0  }
0x67: {  	[sflag:s8] =	ssyncadd.s32 $0xFFFFEC00  }
0x68: {  	[spmem:s2] =	stream.indirect.scatter.add.f32 [tilespmem:s24], [sflag:$0x10], $0x80, s3, s29, $0xb8;
	[tilespmem:$0x1A180] =	vst v63  }
0x69: {  	_ =	swait.ge [sflag:s13], $0x1400  }
0x6a: {  	[sflag:s13] =	ssyncset.done $0x0  }
0x6b: {  	[sflag:s13] =	ssyncadd.s32 $0xFFFFEC00  }
0x6c: {  	_ =	swait.ge [sflag:s18], $0x80  }
0x6d: {  	[sflag:s18] =	ssyncset.done $0x0  }
0x6e: {  	[sflag:s18] =	ssyncadd.s32 $0xFFFFFF80  }
0x6f: {  	s28 =	simm.s32 $0x280;
	_ =	swait.ge [sflag:s19], $0x1400  }
0x70: {  	s31 =	sand.u32 $0xFC00, s28;
	[sflag:s19] =	ssyncset.done $0x0  }
0x71: {  	s25 =	sand.u32 $0x380, s28;
	s26 =	sadd.s32 s9, s31;
	[sflag:s19] =	ssyncadd.s32 $0xFFFFEC00  }
0x72: {  	[spmem:s2] =	stream.indirect.scatter.add.f32 [tilespmem:s10], [sflag:$0x10], $0x80, s7, s29, $0xb8;
	[tilespmem:$0x1A180] =	vst v63  }
0x73: {  	s30 =	sor.u32 s25, s26;
	_ =	swait.ge [sflag:s13], $0x1400  }
0x74: {  	s25 =	simm.s32 $0x700;
	s24 =	simm.s32 $0x480;
	[sflag:s13] =	ssyncset.done $0x0  }
.LBB2_2:
0x75: {  	p0 =	sne.s32 s25, $0x7C80  }
0x76: {  	[sflag:s13] =	ssyncadd.s32 $0xFFFFEC00;
	s26 =	smov.u32 s25;
	s25 =	sadd.s32 $0x280, s25  }
0x77: {  	_ =	swait.ge [sflag:s20], $0x80  }
0x78: {  	s30 =	sshrl.u32 s30, $0x3;
	s0 =	sadd.s32 $0xFFFFFE80, s24;
	[sflag:s20] =	ssyncset.done $0x0  }
0x79: {  	[sflag:s20] =	ssyncadd.s32 $0xFFFFFF80  }
0x7a: {  	s10 =	sand.u32 $0x1FC00, s0;
	_ =	swait.ge [sflag:s21], $0x1400  }
0x7b: {  	s15 =	simm.s32 $0x380;
	s12 =	simm.s32 $0x4100;
	[sflag:s21] =	ssyncset.done $0x0  }
0x7c: {  	s0 =	sand.u32 $0x380, s0;
	s10 =	sadd.s32 s9, s10;
	[sflag:s21] =	ssyncadd.s32 $0xFFFFEC00  }
0x7d: {  	[spmem:s2] =	stream.indirect.scatter.add.f32 [tilespmem:s12], [sflag:$0x10], $0x80, s15, s29, $0xb8;
	[tilespmem:$0x1A180] =	vst v63  }
0x7e: {  	s0 =	sor.u32 s0, s10;
	s10 =	sadd.s32 $0xFFFFFF00, s24;
	_ =	swait.ge [sflag:s13], $0x1400  }
0x7f: {  	s14 =	sand.u32 $0x1FC00, s10;
	s10 =	sand.u32 $0x380, s10;
	[sflag:s13] =	ssyncset.done $0x0  }
0x80: {  	s14 =	sadd.s32 s9, s14;
	[sflag:s13] =	ssyncadd.s32 $0xFFFFEC00  }
0x81: {  	s10 =	sor.u32 s10, s14;
	_ =	swait.ge [sflag:s22], $0x80  }
0x82: {  	s0 =	sshrl.u32 s0, $0x3;
	s10 =	sshrl.u32 s10, $0x3;
	[sflag:s22] =	ssyncset.done $0x0  }
0x83: {  	[sflag:s22] =	ssyncadd.s32 $0xFFFFFF80  }
0x84: {  	_ =	swait.ge [sflag:s23], $0x1400  }
0x85: {  	[sflag:s23] =	ssyncset.done $0x0  }
0x86: {  	s17 =	simm.s32 $0x480;
	s7 =	simm.s32 $0x5500;
	[sflag:s23] =	ssyncadd.s32 $0xFFFFEC00  }
0x87: {  	[spmem:s2] =	stream.indirect.scatter.add.f32 [tilespmem:s7], [sflag:$0x10], $0x80, s17, s29, $0xb8;
	[tilespmem:$0x1A180] =	vst v63  }
0x88: {  	_ =	swait.ge [sflag:s13], $0x1400  }
0x89: {  	[sflag:s13] =	ssyncset.done $0x0  }
0x8a: {  	s14 =	sadd.s32 s5, s30;
	s30 =	sadd.s32 s6, s30;
	[sflag:s13] =	ssyncadd.s32 $0xFFFFEC00  }
0x8b: {  	[tilespmem:s4], [sflag:$0x6] =	stream.linear.gather [hbm4b:s14+s4], $0x80, $0x38;
	[tilespmem:$0x1A180] =	vst v63  }
0x8c: {  	s28 =	simm.s32 $0x80;
	s14 =	sadd.s32 s5, s0  }
0x8d: {  	[tilespmem:s28], [sflag:$0xB] =	stream.linear.gather [hbm4b:s30+s4], $0x80, $0x38;
	[tilespmem:$0x1A180] =	vst v63  }
0x8e: {  	s31 =	simm.s32 $0x100;
	s0 =	sadd.s32 s6, s0;
	s30 =	sadd.s32 $0xFFFFFF80, s24  }
0x8f: {  	[tilespmem:s31], [sflag:$0x7] =	stream.linear.gather [hbm4b:s14+s4], $0x80, $0x38;
	[tilespmem:$0x1A180] =	vst v63  }
0x90: {  	s3 =	simm.s32 $0x180;
	s16 =	sand.u32 $0x1FC00, s30;
	s14 =	sadd.s32 s5, s10  }
0x91: {  	[tilespmem:s3], [sflag:$0xC] =	stream.linear.gather [hbm4b:s0+s4], $0x80, $0x38;
	[tilespmem:$0x1A180] =	vst v63  }
0x92: {  	s0 =	sadd.s32 s9, s16;
	s16 =	sand.u32 $0x380, s30;
	s30 =	simm.s32 $0x200  }
0x93: {  	[tilespmem:s30], [sflag:$0x8] =	stream.linear.gather [hbm4b:s14+s4], $0x80, $0x38;
	[tilespmem:$0x1A180] =	vst v63  }
0x94: {  	s10 =	sadd.s32 s6, s10;
	s14 =	sand.u32 $0x1FC00, s24  }
0x95: {  	s0 =	sor.u32 s16, s0;
	s16 =	sand.u32 $0x380, s24;
	s14 =	sadd.s32 s9, s14  }
0x96: {  	s11 =	simm.s32 $0x280;
	s0 =	sshrl.u32 s0, $0x3;
	s14 =	sor.u32 s16, s14  }
0x97: {  	[tilespmem:s11], [sflag:$0xD] =	stream.linear.gather [hbm4b:s10+s4], $0x80, $0x38;
	[tilespmem:$0x1A180] =	vst v63  }
0x98: {  	s16 =	simm.s32 $0x300;
	s10 =	sadd.s32 s5, s0;
	s0 =	sadd.s32 s6, s0  }
0x99: {  	[tilespmem:s16], [sflag:$0x9] =	stream.linear.gather [hbm4b:s10+s4], $0x80, $0x38;
	[tilespmem:$0x1A180] =	vst v63  }
0x9a: {  	s24 =	smov.u32 s26;
	s10 =	sshrl.u32 s14, $0x3  }
0x9b: {  	[tilespmem:s15], [sflag:$0xE] =	stream.linear.gather [hbm4b:s0+s4], $0x80, $0x38;
	[tilespmem:$0x1A180] =	vst v63  }
0x9c: {  	s14 =	simm.s32 $0x400;
	s0 =	sadd.s32 s5, s10  }
0x9d: {  	[tilespmem:s14], [sflag:$0xA] =	stream.linear.gather [hbm4b:s0+s4], $0x80, $0x38;
	[tilespmem:$0x1A180] =	vst v63  }
0x9e: {  	s0 =	sadd.s32 s6, s10  }
0x9f: {  	[tilespmem:s17], [sflag:$0xF] =	stream.linear.gather [hbm4b:s0+s4], $0x80, $0x38;
	[tilespmem:$0x1A180] =	vst v63  }
0xa0: {  	s0 =	simm.s32 $0x6  }
0xa1: {  	_ =	swait.ge [sflag:s0], $0x80  }
0xa2: {  	[sflag:s0] =	ssyncset.done $0x0  }
0xa3: {  	s10 =	simm.s32 $0x7;
	[sflag:s0] =	ssyncadd.s32 $0xFFFFFF80;
	s0 =	simm.s32 $0x500  }
0xa4: {  	[tilespmem:s0], [sflag:$0x1] =	stream.indirect.gather [hbm4b:s1+s29], $0x80, s4, s29, $0xb8;
	[tilespmem:$0x1A180] =	vst v63  }
0xa5: {  	_ =	swait.ge [sflag:s10], $0x80  }
0xa6: {  	[sflag:s10] =	ssyncset.done $0x0  }
0xa7: {  	s15 =	simm.s32 $0x8;
	[sflag:s10] =	ssyncadd.s32 $0xFFFFFF80;
	s10 =	simm.s32 $0x1900  }
0xa8: {  	[tilespmem:s10], [sflag:$0x2] =	stream.indirect.gather [hbm4b:s1+s29], $0x80, s31, s29, $0xb8;
	[tilespmem:$0x1A180] =	vst v63  }
0xa9: {  	_ =	swait.ge [sflag:s15], $0x80  }
0xaa: {  	[sflag:s15] =	ssyncset.done $0x0  }
0xab: {  	s17 =	simm.s32 $0x9;
	[sflag:s15] =	ssyncadd.s32 $0xFFFFFF80;
	s15 =	simm.s32 $0x2D00  }
0xac: {  	[tilespmem:s15], [sflag:$0x3] =	stream.indirect.gather [hbm4b:s1+s29], $0x80, s30, s29, $0xb8;
	[tilespmem:$0x1A180] =	vst v63  }
0xad: {  	_ =	swait.ge [sflag:s17], $0x80  }
0xae: {  	[sflag:s17] =	ssyncset.done $0x0  }
0xaf: {  	[sflag:s17] =	ssyncadd.s32 $0xFFFFFF80  }
0xb0: {  	[tilespmem:s12], [sflag:$0x4] =	stream.indirect.gather [hbm4b:s1+s29], $0x80, s16, s29, $0xb8;
	[tilespmem:$0x1A180] =	vst v63  }
0xb1: {  	s12 =	simm.s32 $0xA  }
0xb2: {  	_ =	swait.ge [sflag:s12], $0x80  }
0xb3: {  	[sflag:s12] =	ssyncset.done $0x0  }
0xb4: {  	[sflag:s12] =	ssyncadd.s32 $0xFFFFFF80  }
0xb5: {  	[tilespmem:s7], [sflag:$0x5] =	stream.indirect.gather [hbm4b:s1+s29], $0x80, s14, s29, $0xb8;
	[tilespmem:$0x1A180] =	vst v63  }
0xb6: {  	s7 =	simm.s32 $0xB  }
0xb7: {  	_ =	swait.ge [sflag:s7], $0x80  }
0xb8: {  	[sflag:s7] =	ssyncset.done $0x0  }
0xb9: {  	[sflag:s7] =	ssyncadd.s32 $0xFFFFFF80;
	s7 =	simm.s32 $0x1  }
0xba: {  	_ =	swait.ge [sflag:s7], $0x1400  }
0xbb: {  	[sflag:s7] =	ssyncset.done $0x0  }
0xbc: {  	[sflag:s7] =	ssyncadd.s32 $0xFFFFEC00  }
0xbd: {  	[spmem:s2] =	stream.indirect.scatter.add.f32 [tilespmem:s0], [sflag:$0x10], $0x80, s28, s29, $0xb8;
	[tilespmem:$0x1A180] =	vst v63  }
0xbe: {  	_ =	swait.ge [sflag:s13], $0x1400  }
0xbf: {  	[sflag:s13] =	ssyncset.done $0x0  }
0xc0: {  	s0 =	simm.s32 $0xC;
	[sflag:s13] =	ssyncadd.s32 $0xFFFFEC00  }
0xc1: {  	_ =	swait.ge [sflag:s0], $0x80  }
0xc2: {  	[sflag:s0] =	ssyncset.done $0x0  }
0xc3: {  	[sflag:s0] =	ssyncadd.s32 $0xFFFFFF80  }
0xc4: {  	_ =	swait.ge [sflag:s8], $0x1400  }
0xc5: {  	[sflag:s8] =	ssyncset.done $0x0  }
0xc6: {  	[sflag:s8] =	ssyncadd.s32 $0xFFFFEC00  }
0xc7: {  	[spmem:s2] =	stream.indirect.scatter.add.f32 [tilespmem:s10], [sflag:$0x10], $0x80, s3, s29, $0xb8;
	[tilespmem:$0x1A180] =	vst v63  }
0xc8: {  	_ =	swait.ge [sflag:s13], $0x1400  }
0xc9: {  	[sflag:s13] =	ssyncset.done $0x0  }
0xca: {  	[sflag:s13] =	ssyncadd.s32 $0xFFFFEC00  }
0xcb: {  	_ =	swait.ge [sflag:s18], $0x80  }
0xcc: {  	[sflag:s18] =	ssyncset.done $0x0  }
0xcd: {  	[sflag:s18] =	ssyncadd.s32 $0xFFFFFF80  }
0xce: {  	s0 =	sadd.s32 $0xFFFFFE00, s24;
	_ =	swait.ge [sflag:s19], $0x1400  }
.Ltmp0:
0xcf: {  	[sflag:s19] =	ssyncset.done $0x0;
	(pc) =	sbr.rel @p0 .LBB2_2-.Ltmp0, $4  }
0xd0: {  	s10 =	sand.u32 $0xFC00, s0;
	[sflag:s19] =	ssyncadd.s32 $0xFFFFEC00  }
0xd1: {  	[spmem:s2] =	stream.indirect.scatter.add.f32 [tilespmem:s15], [sflag:$0x10], $0x80, s11, s29, $0xb8;
	[tilespmem:$0x1A180] =	vst v63  }
0xd2: {  	s0 =	sand.u32 $0x380, s0;
	s10 =	sadd.s32 s9, s10;
	_ =	swait.ge [sflag:s13], $0x1400  }
0xd3: {  	s30 =	sor.u32 s0, s10;
	[sflag:s13] =	ssyncset.done $0x0  }
0xd4: {  	[sflag:s13] =	ssyncadd.s32 $0xFFFFEC00  }
0xd5: {  	_ =	swait.ge [sflag:s20], $0x80  }
0xd6: {  	[sflag:s20] =	ssyncset.done $0x0  }
0xd7: {  	[sflag:s20] =	ssyncadd.s32 $0xFFFFFF80  }
0xd8: {  	_ =	swait.ge [sflag:s21], $0x1400  }
0xd9: {  	[sflag:s21] =	ssyncset.done $0x0  }
0xda: {  	s28 =	simm.s32 $0x380;
	s12 =	simm.s32 $0x4100;
	[sflag:s21] =	ssyncadd.s32 $0xFFFFEC00  }
0xdb: {  	[spmem:s2] =	stream.indirect.scatter.add.f32 [tilespmem:s12], [sflag:$0x10], $0x80, s28, s29, $0xb8;
	[tilespmem:$0x1A180] =	vst v63  }
0xdc: {  	_ =	swait.ge [sflag:s13], $0x1400  }
0xdd: {  	[sflag:s13] =	ssyncset.done $0x0  }
0xde: {  	[sflag:s13] =	ssyncadd.s32 $0xFFFFEC00  }
0xdf: {  	_ =	swait.ge [sflag:s22], $0x80  }
0xe0: {  	[sflag:s22] =	ssyncset.done $0x0  }
0xe1: {  	[sflag:s22] =	ssyncadd.s32 $0xFFFFFF80  }
0xe2: {  	_ =	swait.ge [sflag:s23], $0x1400  }
0xe3: {  	[sflag:s23] =	ssyncset.done $0x0  }
0xe4: {  	s0 =	simm.s32 $0x480;
	s15 =	simm.s32 $0x5500;
	[sflag:s23] =	ssyncadd.s32 $0xFFFFEC00  }
0xe5: {  	[spmem:s2] =	stream.indirect.scatter.add.f32 [tilespmem:s15], [sflag:$0x10], $0x80, s0, s29, $0xb8;
	[tilespmem:$0x1A180] =	vst v63  }
0xe6: {  	s16 =	sshrl.u32 s30, $0x3;
	s10 =	sadd.s32 $0xFFFFFE80, s24;
	_ =	swait.ge [sflag:s13], $0x1400  }
0xe7: {  	s26 =	sadd.s32 $0xFFFFFF00, s24;
	s14 =	sadd.s32 s5, s16;
	[sflag:s13] =	ssyncset.done $0x0  }
0xe8: {  	s17 =	sand.u32 $0x1FC00, s10;
	s10 =	sand.u32 $0x380, s10;
	[sflag:s13] =	ssyncadd.s32 $0xFFFFEC00  }
0xe9: {  	[tilespmem:s4], [sflag:$0x6] =	stream.linear.gather [hbm4b:s14+s4], $0x80, $0x38;
	[tilespmem:$0x1A180] =	vst v63  }
0xea: {  	s25 =	sadd.s32 s9, s17;
	s0 =	sadd.s32 s6, s16;
	s16 =	simm.s32 $0x80  }
0xeb: {  	[tilespmem:s16], [sflag:$0xB] =	stream.linear.gather [hbm4b:s0+s4], $0x80, $0x38;
	[tilespmem:$0x1A180] =	vst v63  }
0xec: {  	s3 =	sand.u32 $0x1FC00, s26;
	s0 =	sor.u32 s10, s25  }
0xed: {  	s14 =	sand.u32 $0x380, s26;
	s10 =	sadd.s32 s9, s3;
	s0 =	sshrl.u32 s0, $0x3  }
0xee: {  	s25 =	simm.s32 $0x100;
	s10 =	sor.u32 s14, s10;
	s11 =	sadd.s32 s5, s0  }
0xef: {  	[tilespmem:s25], [sflag:$0x7] =	stream.linear.gather [hbm4b:s11+s4], $0x80, $0x38;
	[tilespmem:$0x1A180] =	vst v63  }
0xf0: {  	s3 =	simm.s32 $0x180;
	s10 =	sshrl.u32 s10, $0x3;
	s0 =	sadd.s32 s6, s0  }
0xf1: {  	[tilespmem:s3], [sflag:$0xC] =	stream.linear.gather [hbm4b:s0+s4], $0x80, $0x38;
	[tilespmem:$0x1A180] =	vst v63  }
0xf2: {  	s17 =	sadd.s32 $0xFFFFFF80, s24;
	s26 =	simm.s32 $0x200;
	s14 =	sadd.s32 s5, s10  }
0xf3: {  	[tilespmem:s26], [sflag:$0x8] =	stream.linear.gather [hbm4b:s14+s4], $0x80, $0x38;
	[tilespmem:$0x1A180] =	vst v63  }
0xf4: {  	s10 =	sadd.s32 s6, s10;
	s11 =	simm.s32 $0x280;
	s14 =	sand.u32 $0x1FC00, s17  }
0xf5: {  	[tilespmem:s11], [sflag:$0xD] =	stream.linear.gather [hbm4b:s10+s4], $0x80, $0x38;
	[tilespmem:$0x1A180] =	vst v63  }
0xf6: {  	s0 =	sand.u32 $0x380, s17;
	s10 =	sadd.s32 s9, s14  }
0xf7: {  	s17 =	sand.u32 $0x1FC00, s24;
	s0 =	sor.u32 s0, s10  }
0xf8: {  	s24 =	sand.u32 $0x380, s24;
	s10 =	sadd.s32 s9, s17;
	s0 =	sshrl.u32 s0, $0x3  }
0xf9: {  	s10 =	sor.u32 s24, s10;
	s24 =	simm.s32 $0x300;
	s17 =	sadd.s32 s5, s0  }
0xfa: {  	[tilespmem:s24], [sflag:$0x9] =	stream.linear.gather [hbm4b:s17+s4], $0x80, $0x38;
	[tilespmem:$0x1A180] =	vst v63  }
0xfb: {  	s0 =	sadd.s32 s6, s0;
	s10 =	sshrl.u32 s10, $0x3  }
0xfc: {  	[tilespmem:s28], [sflag:$0xE] =	stream.linear.gather [hbm4b:s0+s4], $0x80, $0x38;
	[tilespmem:$0x1A180] =	vst v63  }
0xfd: {  	s14 =	simm.s32 $0x400;
	s17 =	sadd.s32 s5, s10  }
0xfe: {  	[tilespmem:s14], [sflag:$0xA] =	stream.linear.gather [hbm4b:s17+s4], $0x80, $0x38;
	[tilespmem:$0x1A180] =	vst v63  }
0xff: {  	s7 =	simm.s32 $0x480;
	s17 =	sadd.s32 s6, s10;
	s10 =	simm.s32 $0x6  }
0x100: {  	[tilespmem:s7], [sflag:$0xF] =	stream.linear.gather [hbm4b:s17+s4], $0x80, $0x38;
	[tilespmem:$0x1A180] =	vst v63  }
0x101: {  	_ =	swait.ge [sflag:s10], $0x80  }
0x102: {  	[sflag:s10] =	ssyncset.done $0x0  }
0x103: {  	s0 =	simm.s32 $0x500;
	s17 =	simm.s32 $0x7;
	[sflag:s10] =	ssyncadd.s32 $0xFFFFFF80  }
0x104: {  	[tilespmem:s0], [sflag:$0x1] =	stream.indirect.gather [hbm4b:s1+s29], $0x80, s4, s29, $0xb8;
	[tilespmem:$0x1A180] =	vst v63  }
0x105: {  	_ =	swait.ge [sflag:s17], $0x80  }
0x106: {  	[sflag:s17] =	ssyncset.done $0x0  }
0x107: {  	s10 =	simm.s32 $0x1900;
	[sflag:s17] =	ssyncadd.s32 $0xFFFFFF80;
	s17 =	simm.s32 $0x8  }
0x108: {  	[tilespmem:s10], [sflag:$0x2] =	stream.indirect.gather [hbm4b:s1+s29], $0x80, s25, s29, $0xb8;
	[tilespmem:$0x1A180] =	vst v63  }
0x109: {  	_ =	swait.ge [sflag:s17], $0x80  }
0x10a: {  	[sflag:s17] =	ssyncset.done $0x0  }
0x10b: {  	[sflag:s17] =	ssyncadd.s32 $0xFFFFFF80;
	s17 =	simm.s32 $0x2D00  }
0x10c: {  	[tilespmem:s17], [sflag:$0x3] =	stream.indirect.gather [hbm4b:s1+s29], $0x80, s26, s29, $0xb8;
	[tilespmem:$0x1A180] =	vst v63  }
0x10d: {  	s26 =	simm.s32 $0x9  }
0x10e: {  	_ =	swait.ge [sflag:s26], $0x80  }
0x10f: {  	[sflag:s26] =	ssyncset.done $0x0  }
0x110: {  	s7 =	simm.s32 $0xA;
	[sflag:s26] =	ssyncadd.s32 $0xFFFFFF80  }
0x111: {  	[tilespmem:s12], [sflag:$0x4] =	stream.indirect.gather [hbm4b:s1+s29], $0x80, s24, s29, $0xb8;
	[tilespmem:$0x1A180] =	vst v63  }
0x112: {  	_ =	swait.ge [sflag:s7], $0x80  }
0x113: {  	[sflag:s7] =	ssyncset.done $0x0  }
0x114: {  	s25 =	simm.s32 $0xB;
	[sflag:s7] =	ssyncadd.s32 $0xFFFFFF80  }
0x115: {  	[tilespmem:s15], [sflag:$0x5] =	stream.indirect.gather [hbm4b:s1+s29], $0x80, s14, s29, $0xb8;
	[tilespmem:$0x1A180] =	vst v63  }
0x116: {  	_ =	swait.ge [sflag:s25], $0x80  }
0x117: {  	[sflag:s25] =	ssyncset.done $0x0  }
0x118: {  	s26 =	simm.s32 $0x1;
	[sflag:s25] =	ssyncadd.s32 $0xFFFFFF80  }
0x119: {  	_ =	swait.ge [sflag:s26], $0x1400  }
0x11a: {  	[sflag:s26] =	ssyncset.done $0x0  }
0x11b: {  	[sflag:s26] =	ssyncadd.s32 $0xFFFFEC00  }
0x11c: {  	[spmem:s2] =	stream.indirect.scatter.add.f32 [tilespmem:s0], [sflag:$0x10], $0x80, s16, s29, $0xb8;
	[tilespmem:$0x1A180] =	vst v63  }
0x11d: {  	_ =	swait.ge [sflag:s13], $0x1400  }
0x11e: {  	[sflag:s13] =	ssyncset.done $0x0  }
0x11f: {  	s14 =	simm.s32 $0xC;
	[sflag:s13] =	ssyncadd.s32 $0xFFFFEC00  }
0x120: {  	_ =	swait.ge [sflag:s14], $0x80  }
0x121: {  	[sflag:s14] =	ssyncset.done $0x0  }
0x122: {  	[sflag:s14] =	ssyncadd.s32 $0xFFFFFF80  }
0x123: {  	_ =	swait.ge [sflag:s8], $0x1400  }
0x124: {  	[sflag:s8] =	ssyncset.done $0x0  }
0x125: {  	[sflag:s8] =	ssyncadd.s32 $0xFFFFEC00  }
0x126: {  	[spmem:s2] =	stream.indirect.scatter.add.f32 [tilespmem:s10], [sflag:$0x10], $0x80, s3, s29, $0xb8;
	[tilespmem:$0x1A180] =	vst v63  }
0x127: {  	_ =	swait.ge [sflag:s13], $0x1400  }
0x128: {  	[sflag:s13] =	ssyncset.done $0x0  }
0x129: {  	[sflag:s13] =	ssyncadd.s32 $0xFFFFEC00  }
0x12a: {  	_ =	swait.ge [sflag:s18], $0x80  }
0x12b: {  	[sflag:s18] =	ssyncset.done $0x0  }
0x12c: {  	[sflag:s18] =	ssyncadd.s32 $0xFFFFFF80  }
0x12d: {  	_ =	swait.ge [sflag:s19], $0x1400  }
0x12e: {  	[sflag:s19] =	ssyncset.done $0x0  }
0x12f: {  	[sflag:s19] =	ssyncadd.s32 $0xFFFFEC00  }
0x130: {  	[spmem:s2] =	stream.indirect.scatter.add.f32 [tilespmem:s17], [sflag:$0x10], $0x80, s11, s29, $0xb8;
	[tilespmem:$0x1A180] =	vst v63  }
0x131: {  	_ =	swait.ge [sflag:s13], $0x1400  }
0x132: {  	[sflag:s13] =	ssyncset.done $0x0  }
0x133: {  	[sflag:s13] =	ssyncadd.s32 $0xFFFFEC00  }
0x134: {  	_ =	swait.ge [sflag:s20], $0x80  }
0x135: {  	[sflag:s20] =	ssyncset.done $0x0  }
0x136: {  	[sflag:s20] =	ssyncadd.s32 $0xFFFFFF80  }
0x137: {  	_ =	swait.ge [sflag:s21], $0x1400  }
0x138: {  	[sflag:s21] =	ssyncset.done $0x0  }
0x139: {  	[sflag:s21] =	ssyncadd.s32 $0xFFFFEC00  }
0x13a: {  	[spmem:s2] =	stream.indirect.scatter.add.f32 [tilespmem:s12], [sflag:$0x10], $0x80, s28, s29, $0xb8;
	[tilespmem:$0x1A180] =	vst v63  }
0x13b: {  	_ =	swait.ge [sflag:s13], $0x1400  }
0x13c: {  	[sflag:s13] =	ssyncset.done $0x0  }
0x13d: {  	[sflag:s13] =	ssyncadd.s32 $0xFFFFEC00  }
0x13e: {  	_ =	swait.ge [sflag:s22], $0x80  }
0x13f: {  	[sflag:s22] =	ssyncset.done $0x0  }
0x140: {  	[sflag:s22] =	ssyncadd.s32 $0xFFFFFF80  }
0x141: {  	_ =	swait.ge [sflag:s23], $0x1400  }
0x142: {  	[sflag:s23] =	ssyncset.done $0x0  }
0x143: {  	s16 =	simm.s32 $0x480;
	[sflag:s23] =	ssyncadd.s32 $0xFFFFEC00  }
0x144: {  	[spmem:s2] =	stream.indirect.scatter.add.f32 [tilespmem:s15], [sflag:$0x10], $0x80, s16, s29, $0xb8;
	[tilespmem:$0x1A180] =	vst v63  }
0x145: {  	_ =	swait.ge [sflag:s13], $0x1400  }
0x146: {  	[sflag:s13] =	ssyncset.done $0x0  }
0x147: {  	[sflag:s13] =	ssyncadd.s32 $0xFFFFEC00  }
0x148: {  	[bflag:$0x0] =	sbarrier.arrive $0xFFFF  }
0x149: {  	s16 =	rddreg [dreg:$0x5]  }
0x14a: {  	s17 =	rddreg [dreg:$0x6]  }
0x14b: {  	s24 =	rddreg [dreg:$0x8]  }
0x14c: {  	[hbm:s17], [sflag:s16] =	dma.local [spmem:s24], $0x2710  }
0x14d: {  	_ =	swait.ge [sflag:s13], $0x2710  }
0x14e: {  	s25 =	rddreg [dreg:$0xd]  }
0x14f: {  	s26 =	rddreg [dreg:$0x7];
	s3 =	sadd.s32 $0x1, s25  }
0x150: {  	p0 =	sne.s32 s3, s26  }
.Ltmp1:
0x151: {  	_ = 	snop;
	(pc) =	sbr.rel @p0 .LBB2_1-.Ltmp1, $3  }
0x152: {  	_ =	sdelay $0x1  }
0x153: {  	s30 =	simm.s32 $0x380;
	s31 =	simm.s32 $0x4100;
	[sflag:s13] =	ssyncset.done $0x0  }
0x154: {  	s11 =	simm.s32 $0x5500;
	s28 =	simm.s32 $0x480;
	[sflag:s13] =	ssyncadd.s32 $0xFFFFD8F0  }
0x155: {  	_ =	sfence.sel $0x180000  }
0x156: {  	[bflag:$0x0] =	sbarrier.arrive $0xFFFF  }
0x157: {  	_ =	strace $0x9000004D  }
0x158: {  	s0 =	stileid.u32;
	[bflag:$0x2] =	sbarrier.arrive $0xFFFF  }
0x159: {  	p0 =	sne.s32 s0, $0x0;
	s0 =	rddreg [dreg:$0x3]  }
0x15a: {  	s0 =	sadd.s32 @!p0 $0x100000, s0  }
0x15b: {  	[sflag:s0] =	ssyncadd.tile.s32 @!p0 $0x1;
	_ =	shalt  }
.Lfunc_end2:
_tile_overlayer_lowered:
.L_overlay_start_2:
0x15c: {  	(tag) =	ssettag $0x2  }
0x15d: {  	s0 =	rddreg [dreg:$0x0];
	s2 =	stileid.u32  }
0x15e: {  	s1 =	rddreg [dreg:$0x1];
	p0 =	sne.s32 s2, $0x0  }
0x15f: {  	s3 =	rddreg [dreg:$0x2];
	[bflag:$0x3] =	sbarrier.arrive $0xFFFF;
	s2 =	simm.s32 @!p0 $0x1C10  }
0x160: {  	[timem:s3], [sflag:s2] =	dma.local @!p0 [hbm:s0], s1  }
0x161: {  	s0 =	simm.s32 @!p0 $0x10  }
0x162: {  	_ =	swait.ge @!p0 [sflag:s0], s1  }
0x163: {  	s1 =	ssub.s32 @!p0 $0x0, s1;
	[sflag:s0] =	ssyncset.done @!p0 $0x0  }
0x164: {  	[sflag:s0] =	ssyncadd.s32 @!p0 s1  }
0x165: {  	[bflag:$0x3] =	sbarrier.arrive $0xFFFF  }
0x166: {  	_ =	shalt  }

// kernel: kernel.9.cloned.1.call-start
scs
__scs_entry_jumppad:
0x0: {  	(pc) =	sbr.rel $0x88, $3  }
0x1: {  	(tag) =	ssettag $0x0;
	lr =	simm.s32 $0x1  }
0x2: {  	[smem:$0x3F9B] =	sst lr;
	_ =	strace $0xD0000000  }
0x3: {  	_ = 	snop  }
0x4: {  	_ = 	snop  }
0x5: {  	_ = 	snop  }
0x6: {  	_ = 	snop  }
0x7: {  	_ = 	snop  }
__scs_overlays_trampoline_lowered:
0x8: {  	[smem:$0x3FAA] =	sst s0  }
0x9: {  	[smem:$0x3FAB] =	sst s1  }
0xa: {  	[smem:$0x3FAC] =	sst s2  }
0xb: {  	[smem:$0x3FAD] =	sst s3  }
0xc: {  	[smem:$0x3FAE] =	sst s4  }
0xd: {  	[smem:$0x3FAF] =	sst s5  }
0xe: {  	[smem:$0x3FB0] =	sst s6  }
0xf: {  	[smem:$0x3FB1] =	sst s7  }
0x10: {  	[smem:$0x3FB2] =	sst s8  }
0x11: {  	[smem:$0x3FB3] =	sst s9;
	s0 =	simm.s32 @!p0 $0x0  }
0x12: {  	s1 =	sld [smem:$0x3F99];
	s0 =	simm.s32 @p0 $0x1  }
0x13: {  	[smem:$0x3FB4] =	sst s0;
	s0 =	simm.s32 @!p1 $0x0  }
0x14: {  	s2 =	sld [smem:$0x3F98];
	s0 =	simm.s32 @p1 $0x1  }
0x15: {  	[smem:$0x3FB5] =	sst s0;
	s0 =	simm.s32 @!p2 $0x0  }
0x16: {  	s3 =	sld [smem:$0x3FDB];
	s0 =	simm.s32 @p2 $0x1  }
0x17: {  	s4 =	simm.s32 $0x1BF5;
	[smem:$0x3FB7] =	sst s0  }
0x18: {  	s0 =	sld [smem:$0x3F9A];
	_ =	swait.ge [sflag:s4], $0x0  }
0x19: {  	s7 =	sld [smem:$0x3F9B]  }
0x1a: {  	s8 =	sadd.s32 $0xFFFFE003, lr  }
0x1b: {  	s9 =	sadd.s32 $0xFFFFFEF7, lr;
	s5 =	simm.s32 $0xFFFFFFFF;
	p2 =	slt.u32 s8, $0xFFFFF086  }
0x1c: {  	p1 =	slt.u32 s9, $0xF7A;
	s5 =	simm.s32 @!p2 $0x0  }
0x1d: {  	s5 =	simm.s32 @p1 $0x1;
	p0 =	seq.s32 s7, s2  }
0x1e: {  	s7 =	smul.u32 @!p0 $0xF7A, s2;
	p2 =	seq.s32 @!p0 s5, $0x0  }
0x1f: {  	s9 =	smul.u32 $0xF7A, s1;
	s8 =	simm.s32 @!p0 $0x1BF5;
	p2 =	por !p2, p0  }
0x20: {  	[sflag:s8] =	ssyncset.s32 @!p0 $0xFFFFF086;
	s6 =	sadd.s32 @!p0 s3, s7;
	s7 =	simm.s32 @!p0 $0x108  }
0x21: {  	s3 =	sadd.s32 s3, s9;
	s6 =	sadd.s32 @!p0 $0x88, s6;
	s7 =	simm.s32 @p2 $0x1082  }
0x22: {  	[simem:s7], [sflag:s8] =	dma.local @!p0 [hbm:s6], $0xF7A  }
0x23: {  	s9 =	sor.u32 $0xD0000000, s2;
	s6 =	simm.s32 $0x108;
	_ =	swait.ge @!p0 [sflag:s8], $0x0  }
0x24: {  	s3 =	sadd.s32 $0x88, s3;
	s6 =	simm.s32 @!p1 $0x1082;
	[sflag:s4] =	ssyncset.s32 $0xFFFFF086  }
0x25: {  	[simem:s6], [sflag:s4] =	dma.local [hbm:s3], $0xF7A  }
0x26: {  	[smem:$0x3F9B] =	sst s1;
	(tag) =	ssettag s2;
	_ =	strace s9  }
0x27: {  	s1 =	sld [smem:$0x3FAB]  }
0x28: {  	s2 =	sld [smem:$0x3FAC]  }
0x29: {  	s4 =	sld [smem:$0x3FAE]  }
0x2a: {  	p0 =	seq.s32 s5, $0x0;
	s5 =	sld [smem:$0x3FAF]  }
0x2b: {  	s6 =	sld [smem:$0x3FB0]  }
0x2c: {  	s7 =	sld [smem:$0x3FB1]  }
0x2d: {  	s3 =	simm.s32 $0x108;
	s8 =	sld [smem:$0x3FB2]  }
0x2e: {  	s3 =	simm.s32 @!p0 $0x1082;
	s9 =	sld [smem:$0x3FB3]  }
0x2f: {  	lr =	sadd.s32 s0, s3;
	s0 =	sld [smem:$0x3FAA]  }
0x30: {  	s3 =	sld [smem:$0x3FAD]  }
0x31: {  	[smem:$0x3FB6] =	sst s10  }
0x32: {  	s10 =	sld [smem:$0x3FB4];
	_ =	sdelay $0x3  }
0x33: {  	p0 =	seq.s32 s10, $0x1;
	s10 =	sld [smem:$0x3FB6];
	_ =	sdelay $0x3  }
0x34: {  	[smem:$0x3FB6] =	sst s10  }
0x35: {  	s10 =	sld [smem:$0x3FB5];
	_ =	sdelay $0x3  }
0x36: {  	p1 =	seq.s32 s10, $0x1;
	s10 =	sld [smem:$0x3FB6];
	_ =	sdelay $0x3  }
0x37: {  	[smem:$0x3FB6] =	sst s10  }
0x38: {  	s10 =	sld [smem:$0x3FB7]  }
0x39: {  	_ = 	snop;
	(pc) =	sbr.ind lr, $3  }
0x3a: {  	_ = 	snop  }
0x3b: {  	_ = 	snop  }
0x3c: {  	p2 =	seq.s32 s10, $0x1;
	s10 =	sld [smem:$0x3FB6]  }
0x3d: {  	_ =	shalt  }
0x3e: {  	_ =	shalt  }
0x3f: {  	_ =	shalt  }
0x40: {  	_ =	shalt  }
0x41: {  	_ =	shalt  }
0x42: {  	_ =	shalt  }
0x43: {  	_ =	shalt  }
0x44: {  	_ =	shalt  }
0x45: {  	_ =	shalt  }
0x46: {  	_ =	shalt  }
0x47: {  	_ =	shalt  }
0x48: {  	_ =	shalt  }
0x49: {  	_ =	shalt  }
0x4a: {  	_ =	shalt  }
0x4b: {  	_ =	shalt  }
0x4c: {  	_ =	shalt  }
0x4d: {  	_ =	shalt  }
0x4e: {  	_ =	shalt  }
0x4f: {  	_ =	shalt  }
0x50: {  	_ =	shalt  }
0x51: {  	_ =	shalt  }
0x52: {  	_ =	shalt  }
0x53: {  	_ =	shalt  }
0x54: {  	_ =	shalt  }
0x55: {  	_ =	shalt  }
0x56: {  	_ =	shalt  }
0x57: {  	_ =	shalt  }
0x58: {  	_ =	shalt  }
0x59: {  	_ =	shalt  }
0x5a: {  	_ =	shalt  }
0x5b: {  	_ =	shalt  }
0x5c: {  	_ =	shalt  }
0x5d: {  	_ =	shalt  }
0x5e: {  	_ =	shalt  }
0x5f: {  	_ =	shalt  }
0x60: {  	_ =	shalt  }
0x61: {  	_ =	shalt  }
0x62: {  	_ =	shalt  }
0x63: {  	_ =	shalt  }
0x64: {  	_ =	shalt  }
0x65: {  	_ =	shalt  }
0x66: {  	_ =	shalt  }
0x67: {  	_ =	shalt  }
0x68: {  	_ =	shalt  }
0x69: {  	_ =	shalt  }
0x6a: {  	_ =	shalt  }
0x6b: {  	_ =	shalt  }
0x6c: {  	_ =	shalt  }
0x6d: {  	_ =	shalt  }
0x6e: {  	_ =	shalt  }
0x6f: {  	_ =	shalt  }
0x70: {  	_ =	shalt  }
0x71: {  	_ =	shalt  }
0x72: {  	_ =	shalt  }
0x73: {  	_ =	shalt  }
0x74: {  	_ =	shalt  }
0x75: {  	_ =	shalt  }
0x76: {  	_ =	shalt  }
0x77: {  	_ =	shalt  }
0x78: {  	_ =	shalt  }
0x79: {  	_ =	shalt  }
0x7a: {  	_ =	shalt  }
0x7b: {  	_ =	shalt  }
0x7c: {  	_ =	shalt  }
0x7d: {  	_ =	shalt  }
0x7e: {  	_ =	shalt  }
0x7f: {  	_ =	shalt  }
0x80: {  	_ =	shalt  }
0x81: {  	_ =	shalt  }
0x82: {  	_ =	shalt  }
0x83: {  	_ =	shalt  }
0x84: {  	_ =	shalt  }
0x85: {  	_ =	shalt  }
0x86: {  	_ =	shalt  }
0x87: {  	_ =	shalt  }
.Lfunc_end0:
.L_simem_size_0:
called_computation_lowered:
.L_overlay_start_0:
0x88: {  	s2 =	sld [smem:$0x3FD9]  }
0x89: {  	s3 =	sld [smem:$0x3FFE];
	_ =	sdelay $0x1  }
0x8a: {  	s1 =	srdreg.scid  }
0x8b: {  	s0 =	sand.u32 $0x1, s1  }
0x8c: {  	s17 =	sshll.u32 s0, $0xA;
	s2 =	sadd.s32 s3, s2  }
0x8d: {  	s2 =	sadd.s32 s2, s17  }
0x8e: {  	[smem:$0x3FC2] =	sst s2  }
0x8f: {  	_ = 	snop  }
0x90: {  	s2 =	sld [smem:$0x3FD0];
	(tm) =	ssettm $0x1  }
0x91: {  	s18 =	sld [smem:$0x3FFB];
	_ =	sdelay $0x3  }
0x92: {  	_ =	strace s18  }
0x93: {  	s3 =	sld [smem:$0x3FFC];
	_ =	sdelay $0x3  }
0x94: {  	_ =	strace s3  }
0x95: {  	s3 =	sld [smem:$0x3FFD];
	_ =	sdelay $0x3  }
0x96: {  	_ =	strace s3  }
0x97: {  	_ =	strace $0x8FFFFFFF  }
0x98: {  	s19 =	sld [smem:$0x3FDB];
	_ =	sdelay $0x1  }
0x99: {  	s4 =	simm.s32 $_scs_section_size  }
0x9a: {  	s5 =	simm.s32 $_size__tile_overlayer_lowered;
	s6 =	simm.s32 $_tile_overlayer_lowered  }
0x9b: {  	s22 =	simm.s32 $0x1BFF;
	s21 =	sshll.u32 s6, $0x1;
	s3 =	sadd.s32 s4, s19  }
0x9c: {  	s7 =	simm.s32 $0x0;
	s20 =	sshll.u32 s5, $0x1;
	s5 =	sadd.s32 s21, s3  }
0x9d: {  	[timem:s7], [sflag:s22] =	dma.local [hbm:s5], s20  }
0x9e: {  	_ =	swait.ge [sflag:s22], s20  }
0x9f: {  	s4 =	ssub.s32 $0x0, s20;
	[sflag:s22] =	ssyncset.done $0x0  }
0xa0: {  	[sflag:s22] =	ssyncadd.s32 s4;
	_ =	sdelay $0x1  }
0xa1: {  	s23 =	simm.s32 $0x1B8B  }
0xa2: {  	_ =	swait.ge [sflag:s23], $0x1  }
0xa3: {  	[sflag:s23] =	ssyncset.done $0x0  }
0xa4: {  	s25 =	simm.s32 $0x1B8E;
	s24 =	sld [smem:$0x3FFE];
	[sflag:s23] =	ssyncadd.s32 $0xFFFFFFFF  }
0xa5: {  	s26 =	simm.s32 $execute0_lowered;
	[smem:$0x3FD2] =	sst s25  }
0xa6: {  	s5 =	sshll.u32 s26, $0x1;
	_ =	strace $0x80000046;
	[dreg:$0x1] =	wrdreg $0xFFFFFFFF  }
0xa7: {  	s28 =	simm.s32 $_size_execute0_lowered;
	s3 =	sadd.s32 s3, s5;
	[dreg:$0x0] =	wrdreg $0x0  }
0xa8: {  	s5 =	sshll.u32 s28, $0x1;
	[dreg:$0x2] =	wrdreg s3  }
0xa9: {  	[dreg:$0x3] =	wrdreg s5  }
0xaa: {  	[dreg:$0x4] =	wrdreg $0xC0  }
0xab: {  	_ =	task [dreg:s7], $0x5FFFF  }
0xac: {  	[dreg:$0x1] =	wrdreg $0xFFFFFFFF  }
0xad: {  	[dreg:$0x0] =	wrdreg $0x60  }
0xae: {  	[dreg:$0x2] =	wrdreg s24  }
0xaf: {  	[dreg:$0x3] =	wrdreg s2  }
0xb0: {  	[dreg:$0x4] =	wrdreg $0x9  }
0xb1: {  	_ =	task.clear_ibuf [dreg:s7], $0x5FFFF;
	_ =	strace $0x90000046  }
0xb2: {  	s29 =	simm.s32 $0x9;
	_ =	strace $0x80000048  }
0xb3: {  	_ =	swait.ge [sflag:s29], $0x1  }
0xb4: {  	[sflag:s29] =	ssyncadd.s32 $0xFFFFFFFF  }
0xb5: {  	_ =	strace $0x90000048  }
0xb6: {  	_ =	sfence  }
0xb7: {  	s30 =	sld [smem:$0x0];
	_ =	sdelay $0x2  }
0xb8: {  	s31 =	sshll.u32 s1, $0xD;
	s1 =	sshrl.u32 s1, $0x2  }
0xb9: {  	s3 =	sand.u32 $0x4000, s31;
	s1 =	sadd.s32 s1, s30  }
0xba: {  	s0 =	sor.u32 s3, s0;
	s1 =	sshll.u32 s1, $0x11  }
0xbb: {  	s0 =	sor.u32 s1, s0  }
0xbc: {  	s0 =	sadd.s32 $0x8F2B, s0  }
0xbd: {  	[sflag:s0] =	ssyncadd.remote.s32 $0x1  }
0xbe: {  	_ =	sfence.sel $0xFFFF  }
0xbf: {  	[dreg:$0x0] =	wrdreg $0xFFFFFFFF;
	(pc) =	sbr.abs _section_cstart, $3  }
0xc0: {  	[dreg:$0x1] =	wrdreg $0xFFFFFFFF  }
0xc1: {  	_ =	task.clear_ibuf [dreg:s7], $0x2FFFF;
	_ =	strace $0x9FFFFFFF  }
0xc2: {  	(tm) =	ssettm $0x7FFFFFFF  }
0xc3: {  	_ =	shalt  }
tec
execute0_lowered:
.L_overlay_start_1:
0x0: {  	(tag) =	ssettag $0x1  }
0x1: {  	s4 =	rddreg [dreg:$0x0];
	s0 =	srdreg.scid  }
0x2: {  	s6 =	rddreg [dreg:$0x1];
	s1 =	stileid.u32;
	s2 =	simm.s32 $0x0  }
0x3: {  	s12 =	simm.s32 $0x7680;
	s13 =	simm.s32 $0x80;
	s14 =	simm.s32 $0x400  }
0x4: {  	s15 =	simm.s32 $0x0;
	s3 =	sand.u32 $0x1, s0;
	s0 =	rddreg [dreg:$0x2]  }
0x5: {  	s7 =	sshrl.u32 s1, $0x3;
	s8 =	sshll.u32 s1, $0x1;
	s5 =	smul.u32 $0x27800, s3  }
0x6: {  	[smem:$0x7FF] =	sst s2;
	s9 =	sshll.u32 s1, $0x7;
	s7 =	smul.u32 $0x13C00, s7  }
0x7: {  	s8 =	sor.u32 s3, s8;
	s28 =	sand.u32 $0x380, s9;
	_ =	strace $0x80000047  }
0x8: {  	s29 =	ssub.s32 $0x2, s3;
	s8 =	smul.u32 $0x4E2, s8;
	s5 =	sadd.s32 s5, s7  }
0x9: {  	s3 =	sadd.s32 $0x16200, s4;
	s9 =	simm.s32 $0x1;
	s5 =	sor.u32 s28, s5  }
0xa: {  	s31 =	sshrl.u32 s29, $0x1;
	s8 =	sadd.s32 s8, s4;
	s30 =	sshrl.u32 s5, $0x3  }
0xb: {  	s11 =	ssub.s32 s29, s31;
	s5 =	sadd.s32 $0x2600, s8;
	s10 =	sadd.s32 s30, s4  }
0xc: {  	s4 =	sadd.s32 $0xC400, s8;
	s6 =	sadd.s32 s6, s30;
	s8 =	smax.u32 s11, $0x1  }
0xd: {  	v0 =	vimm.f32 $1.000000000e+00;
	s11 =	simm.s32 $0x4F00;
	s7 =	sadd.s32 $0x16800, s10;
	s10 =	simm.s32 $0x2780  }
.LBB2_1:
0xe: {  	[tilespmem:s2], [sflag:$0x1] =	stream.linear.gather [hbm4b:s4+s2], $0x2710, $0x38;
	[tilespmem:$0x9E00] =	vst v63  }
0xf: {  	_ =	swait.ge [sflag:s9], $0x2710  }
0x10: {  	[sflag:s9] =	ssyncset.done $0x0  }
0x11: {  	[sflag:s9] =	ssyncadd.s32 $0xFFFFD8F0  }
0x12: {  	[tilespmem:s10], [sflag:$0x1] =	stream.linear.gather [hbm4b:s5+s2], $0x2710, $0x38;
	[tilespmem:$0x9E00] =	vst v63  }
0x13: {  	_ =	swait.ge [sflag:s9], $0x2710  }
0x14: {  	[sflag:s9] =	ssyncset.done $0x0  }
0x15: {  	[sflag:s9] =	ssyncadd.s32 $0xFFFFD8F0  }
0x16: {  	[tilespmem:s11], [sflag:$0x1] =	stream.linear.gather [hbm4b:s3+s2], $0x2780, $0x38;
	[tilespmem:$0x9E00] =	vst v63  }
0x17: {  	_ =	swait.ge [sflag:s9], $0x2780  }
0x18: {  	[sflag:s9] =	ssyncset.done $0x0  }
0x19: {  	[sflag:s9] =	ssyncadd.s32 $0xFFFFD880  }
0x1a: {  	[tilespmem:s12], [sflag:$0x1] =	stream.linear.gather [hbm4b:s3+s2], $0x2780, $0x38;
	[tilespmem:$0x9E00] =	vst v63  }
0x1b: {  	_ =	swait.ge [sflag:s9], $0x2780  }
0x1c: {  	[sflag:s9] =	ssyncset.done $0x0  }
0x1d: {  	s17 =	simm.s32 $0x0;
	s16 =	simm.s32 $0x40;
	[sflag:s9] =	ssyncadd.s32 $0xFFFFD880  }
.LBB2_2:
0x1e: {  	p0 =	sne.s32 s16, $0x9C00;
	v1 =	vld [tilespmem:s17+$0x0];
	_ =	sdelay $0x7  }
0x1f: {  	[tilespmem:v1+s11+$0x0] =	vst.idx.add.f32.msk $0xffff, v0  }
0x20: {  	v1 =	vld [tilespmem:s17+$0x2780];
	_ =	sdelay $0x3  }
.Ltmp0:
0x21: {  	(pc) =	sbr.rel @p0 .LBB2_2-.Ltmp0, $2  }
0x22: {  	_ =	sdelay $0x2  }
0x23: {  	s17 =	sshra.s32 s16, $0x2;
	s16 =	sadd.s32 $0x40, s16;
	[tilespmem:v1+s12+$0x0] =	vst.idx.add.f32.msk $0xffff, v0  }
0x24: {  	v1 =	vld [tilespmem:s17+$0x0];
	_ =	sdelay $0x7  }
0x25: {  	[tilespmem:v1+s11+$0x0] =	vst.idx.add.f32.msk $0xffff, v0  }
0x26: {  	v1 =	vld [tilespmem:s17+$0x2780];
	_ =	sdelay $0x7  }
0x27: {  	[tilespmem:v1+s12+$0x0] =	vst.idx.add.f32.msk $0xffff, v0  }
0x28: {  	[hbm4b:s6+s13] =	stream.strided.scatter [tilespmem:s11], [sflag:$0x1], $0x2780, s14, s13, $0x38;
	[tilespmem:$0x9E00] =	vst v63  }
0x29: {  	s15 =	sadd.s32 $0x1, s15;
	_ =	swait.ge [sflag:s9], $0x2780  }
0x2a: {  	p0 =	sne.s32 s15, s8;
	[sflag:s9] =	ssyncset.done $0x0  }
.Ltmp1:
0x2b: {  	[sflag:s9] =	ssyncadd.s32 $0xFFFFD880;
	(pc) =	sbr.rel @p0 .LBB2_1-.Ltmp1, $4  }
0x2c: {  	[hbm4b:s7+s13] =	stream.strided.scatter [tilespmem:s12], [sflag:$0x1], $0x2780, s14, s13, $0x38;
	[tilespmem:$0x9E00] =	vst v63  }
0x2d: {  	_ =	swait.ge [sflag:s9], $0x2780  }
0x2e: {  	[sflag:s9] =	ssyncset.done $0x0  }
0x2f: {  	[sflag:s9] =	ssyncadd.s32 $0xFFFFD880  }
0x30: {  	_ =	sfence.sel $0x180000  }
0x31: {  	[bflag:$0x0] =	sbarrier.arrive $0xFFFF  }
0x32: {  	p0 =	sne.s32 s1, $0x0;
	_ =	strace $0x90000047  }
0x33: {  	s0 =	sadd.s32 @!p0 $0x100000, s0;
	[bflag:$0x2] =	sbarrier.arrive $0xFFFF  }
0x34: {  	[sflag:s0] =	ssyncadd.tile.s32 @!p0 $0x1;
	_ =	shalt  }
.Lfunc_end2:
_tile_overlayer_lowered:
.L_overlay_start_2:
0x35: {  	(tag) =	ssettag $0x2  }
0x36: {  	s0 =	rddreg [dreg:$0x0];
	s2 =	stileid.u32  }
0x37: {  	s1 =	rddreg [dreg:$0x1];
	p0 =	sne.s32 s2, $0x0  }
0x38: {  	s3 =	rddreg [dreg:$0x2];
	[bflag:$0x3] =	sbarrier.arrive $0xFFFF;
	s2 =	simm.s32 @!p0 $0x1C01  }
0x39: {  	[timem:s3], [sflag:s2] =	dma.local @!p0 [hbm:s0], s1  }
0x3a: {  	s0 =	simm.s32 @!p0 $0x1  }
0x3b: {  	_ =	swait.ge @!p0 [sflag:s0], s1  }
0x3c: {  	s1 =	ssub.s32 @!p0 $0x0, s1;
	[sflag:s0] =	ssyncset.done @!p0 $0x0  }
0x3d: {  	[sflag:s0] =	ssyncadd.s32 @!p0 s1  }
0x3e: {  	[bflag:$0x3] =	sbarrier.arrive $0xFFFF  }
0x3f: {  	_ =	shalt  }

</sc_bundles>
